<compile_context>
chip_gen: v7x
topology: tpu7x:2x2x1
jax: 0.10.2.dev20260603
libtpu: 0.0.44.dev20260713+nightly
codegen_flags: <defaults>
</compile_context>

<pallas_src>
import functools

import jax
import jax.numpy as jnp
from jax import lax
from jax.experimental import pallas as pl
from jax.experimental.pallas import tpu as pltpu
from jax.experimental.pallas import tpu_sc as plsc

_N = 10000
_E = 160000
_D = 256
_DH = 128
_DHID = 512
_NC = 2
_NS = 16
_CH = 128
_NFULL = _E // _CH // _NS
_REM = _E // _CH - _NFULL * _NS
_K = 6
_SL = 2
_NPAD = 10240
_AROWS = _NPAD // _NS
_P = 128
_HR = _NPAD // _DH
_HT = _HR // 8

_mesh = plsc.VectorSubcoreMesh(
    core_axis_name="c", subcore_axis_name="s", num_cores=_NC, num_subcores=_NS
)


def _sc_agg_body(x2, srcr, dstr, agg_o, cnt_o,
                 gidx_v, dst_v, rows_v, hist_v, hidx_v,
                 acc_sh, cnt_sh, gsem, ssem):
    c = lax.axis_index("c")
    s = lax.axis_index("s")
    zero16 = jnp.zeros((16,), jnp.float32)
    one16 = jnp.ones((16,), jnp.float32)
    iota16 = jnp.arange(16, dtype=jnp.int32)

    def _zh(i, _):
        def _zc(j, _):
            hist_v[i, pl.ds(j * 16, 16)] = zero16
            return 0

        lax.fori_loop(0, _DH // 16, _zc, 0)
        return 0

    lax.fori_loop(0, _HR, _zh, 0)

    for j in range(_HR // 16):
        hidx_v[pl.ds(j * 16, 16)] = iota16 + (j * 16)

    def _zr(i, _):
        def _zc(j, _):
            rows_v[0, i, pl.ds(j * 16, 16)] = zero16
            return 0

        lax.fori_loop(0, _DH // 16, _zc, 0)
        return 0

    lax.fori_loop(0, _CH, _zr, 0)

    zdescs = [
        pltpu.async_copy(
            rows_v.at[0], acc_sh.at[pl.ds(s * _AROWS + p * _P, _P)], gsem)
        for p in range(_AROWS // _P)
    ]
    for d in zdescs:
        d.wait()

    @pl.when(jnp.logical_and(c == 0, s < _HT))
    def _():
        pltpu.sync_copy(
            rows_v.at[0, pl.ds(0, 8)], cnt_sh.at[pl.ds(s * 8, 8)])

    plsc.subcore_barrier()

    def _prep(q, slot):
        e0 = q * _CH
        pltpu.sync_copy(srcr.at[pl.ds(e0, _CH)], gidx_v.at[slot])
        pltpu.sync_copy(dstr.at[pl.ds(e0, _CH)], dst_v.at[slot])
        for j in range(_CH // 16):
            sl = pl.ds(j * 16, 16)
            gidx_v[slot, sl] = gidx_v[slot, sl] * 2 + c

        @pl.when(c == 0)
        def _():
            for j in range(_CH // 16):
                d16 = dst_v[slot, pl.ds(j * 16, 16)]
                r16 = lax.shift_right_logical(d16, 7)
                c16 = lax.bitwise_and(d16, 127)
                plsc.addupdate_scatter(hist_v, [r16, c16], one16)

    def _gather(slot):
        return pltpu.async_copy(x2.at[gidx_v.at[slot]], rows_v.at[slot], gsem)

    def _scatter(slot):
        return pltpu.async_copy(
            rows_v.at[slot], acc_sh.at[dst_v.at[slot]], ssem, add=True)

    def _pipe_chunks(qs):
        n = len(qs)
        gd = [None] * n
        sd = [None] * n
        for i in range(n):
            slot = i % _SL
            if i >= _SL:
                sd[i - _SL].wait()
            _prep(qs[i], slot)
            if i >= 1:
                gd[i - 1].wait()
                sd[i - 1] = _scatter((i - 1) % _SL)
            gd[i] = _gather(slot)
        gd[n - 1].wait()
        sd[n - 1] = _scatter((n - 1) % _SL)
        for i in range(max(0, n - _SL), n):
            sd[i].wait()

    def _chunk_body(g, _):
        _pipe_chunks([(g * _K + i) * _NS + s for i in range(_K)])
        return 0

    lax.fori_loop(0, _NFULL // _K, _chunk_body, 0)

    @pl.when(s < _REM)
    def _():
        q = _NFULL * _NS + s
        _prep(q, 0)
        pltpu.async_copy(x2.at[gidx_v.at[0]], rows_v.at[0], gsem).wait()
        pltpu.sync_copy(rows_v.at[0], acc_sh.at[dst_v.at[0]], add=True)

    @pl.when(c == 0)
    def _():
        pltpu.sync_copy(hist_v, cnt_sh.at[hidx_v], add=True)

    plsc.subcore_barrier()

    @pl.when(jnp.logical_and(c == 0, s < _HT))
    def _():
        pltpu.sync_copy(cnt_sh.at[pl.ds(s * 8, 8)], cnt_o.at[pl.ds(s * 8, 8)])

    odescs = []
    for p in range(_AROWS // _P):
        r0 = s * _AROWS + p * _P
        odescs.append(pltpu.async_copy(
            acc_sh.at[pl.ds(r0, _P)], agg_o.at[c, pl.ds(r0, _P)], gsem))
    for d in odescs:
        d.wait()


_sc_agg = functools.partial(
    pl.kernel,
    out_type=(
        jax.ShapeDtypeStruct((_NC, _NPAD, _DH), jnp.float32),
        jax.ShapeDtypeStruct((_HR, _DH), jnp.float32),
    ),
    mesh=_mesh,
    scratch_types=[
        pltpu.VMEM((_SL, _CH), jnp.int32),
        pltpu.VMEM((_SL, _CH), jnp.int32),
        pltpu.VMEM((_SL, _CH, _DH), jnp.float32),
        pltpu.VMEM((_HR, _DH), jnp.float32),
        pltpu.VMEM((_HR,), jnp.int32),
        pltpu.VMEM_SHARED((_NPAD, _DH), jnp.float32),
        pltpu.VMEM_SHARED((_HR, _DH), jnp.float32),
        pltpu.SemaphoreType.DMA,
        pltpu.SemaphoreType.DMA,
    ],
    compiler_params=pltpu.CompilerParams(needs_layout_passes=False),
)(_sc_agg_body)


_BN = 1000


def _tc_dense_body(agg_ref, cnt_ref, x_ref, wn_ref, bn_ref, ws_ref,
                   w1_ref, b1_ref, w2_ref, b2_ref, o_ref):
    a0 = agg_ref[0]
    a1 = agg_ref[1]
    recip = 1.0 / jnp.maximum(cnt_ref[...], 1.0)
    xb = x_ref[...]
    wn = wn_ref[...]
    conv = (
        jnp.dot(a0 * recip, wn[:_DH], preferred_element_type=jnp.float32)
        + jnp.dot(a1 * recip, wn[_DH:], preferred_element_type=jnp.float32)
        + jnp.dot(xb, ws_ref[...], preferred_element_type=jnp.float32)
        + bn_ref[...]
    )
    h = jnp.maximum(conv, 0.0)
    z = xb + h
    hid = jnp.maximum(
        jnp.dot(z, w1_ref[...], preferred_element_type=jnp.float32) + b1_ref[...],
        0.0,
    )
    o_ref[...] = h + jnp.dot(hid, w2_ref[...], preferred_element_type=jnp.float32) + b2_ref[...]


def _tc_dense(agg, cnt, x, wn, bn, ws, w1, b1, w2, b2):
    return pl.pallas_call(
        _tc_dense_body,
        grid=(_N // _BN,),
        in_specs=[
            pl.BlockSpec((_NC, _BN, _DH), lambda i: (0, i, 0)),
            pl.BlockSpec((_BN, 1), lambda i: (i, 0)),
            pl.BlockSpec((_BN, _D), lambda i: (i, 0)),
            pl.BlockSpec((_D, _D), lambda i: (0, 0)),
            pl.BlockSpec((1, _D), lambda i: (0, 0)),
            pl.BlockSpec((_D, _D), lambda i: (0, 0)),
            pl.BlockSpec((_D, _DHID), lambda i: (0, 0)),
            pl.BlockSpec((1, _DHID), lambda i: (0, 0)),
            pl.BlockSpec((_DHID, _D), lambda i: (0, 0)),
            pl.BlockSpec((1, _D), lambda i: (0, 0)),
        ],
        out_specs=pl.BlockSpec((_BN, _D), lambda i: (i, 0)),
        out_shape=jax.ShapeDtypeStruct((_N, _D), jnp.float32),
    )(agg, cnt, x, wn, bn, ws, w1, b1, w2, b2)


def kernel(x, edge_index, W_neigh, b_neigh, W_self, W1, b1, W2, b2):
    src = edge_index[0].astype(jnp.int32)
    dst = edge_index[1].astype(jnp.int32)
    x2 = x.reshape(2 * _N, _DH)
    agg_pad, cnt_pad = _sc_agg(x2, src, dst)
    agg = agg_pad[:, :_N, :]
    cnt = cnt_pad.reshape(_NPAD)[:_N].reshape(_N, 1)
    return _tc_dense(
        agg, cnt, x, W_neigh, b_neigh.reshape(1, _D), W_self,
        W1, b1.reshape(1, _DHID), W2, b2.reshape(1, _D),
    )

# --- scband reference (transcript-rebuilt; emitter-appended) ---
"""Pipeline reference for scband-gnnplus-layer-81630148428323 (READ-ONLY COPY).

The authoritative reference and input builder live on the scoring server;
editing this copy changes nothing except your own understanding.
"""

import jax, jax.numpy as jnp
import numpy as np

N_NODES = 10000
N_EDGES = 160000
D = 256
D_HID = 512


def setup_inputs(seed: int = 0) -> dict:
    key = jax.random.key(seed)
    ks = jax.random.split(key, 10)
    x = jax.random.normal(ks[0], (N_NODES, D), dtype=jnp.float32)
    edge_index = jax.random.randint(ks[1], (2, N_EDGES), 0, N_NODES, dtype=jnp.int64)
    # SAGEConv params: lin_l acts on aggregated neighbors (with bias), lin_r on root
    W_neigh = jax.random.normal(ks[2], (D, D), dtype=jnp.float32) * (1.0 / np.sqrt(D))
    b_neigh = jnp.zeros((D,), dtype=jnp.float32)
    W_self = jax.random.normal(ks[3], (D, D), dtype=jnp.float32) * (1.0 / np.sqrt(D))
    # MLP: Linear(D, 2D) -> ReLU -> Linear(2D, D)
    W1 = jax.random.normal(ks[4], (D, D_HID), dtype=jnp.float32) * (1.0 / np.sqrt(D))
    b1 = jnp.zeros((D_HID,), dtype=jnp.float32)
    W2 = jax.random.normal(ks[5], (D_HID, D), dtype=jnp.float32) * (1.0 / np.sqrt(D_HID))
    b2 = jnp.zeros((D,), dtype=jnp.float32)
    return {
        "x": x,
        "edge_index": edge_index,
        "W_neigh": W_neigh,
        "b_neigh": b_neigh,
        "W_self": W_self,
        "W1": W1,
        "b1": b1,
        "W2": W2,
        "b2": b2,
    }


def reference(x, edge_index, W_neigh, b_neigh, W_self, W1, b1, W2, b2):
    n = x.shape[0]
    src = edge_index[0]
    dst = edge_index[1]
    # --- SAGEConv with mean aggregation ---
    msgs = jnp.take(x, src, axis=0)                       # gather [E, D]
    agg = jax.ops.segment_sum(msgs, dst, num_segments=n)  # scatter-add [N, D]
    cnt = jax.ops.segment_sum(jnp.ones((msgs.shape[0],), dtype=x.dtype), dst, num_segments=n)
    cnt = jnp.clip(cnt, 1.0, None)
    mean_agg = agg / cnt[:, None]
    conv = mean_agg @ W_neigh + b_neigh + x @ W_self
    # --- norm=Identity, dropout=identity (eval), relu ---
    h = jax.nn.relu(conv)
    # --- residual MLP: din==dout so proj is Identity -> x_proj = x ---
    z = x + h
    mlp_out = jax.nn.relu(z @ W1 + b1) @ W2 + b2
    return h + mlp_out

if __name__ == "__main__":
    import jax
    _d = setup_inputs()
    print(jax.jit(kernel)(*tuple(_d.values())))

</pallas_src>

<mosaic_0001>
#map = affine_map<(d0, d1) -> (0, 0)>
#map1 = affine_map<(d0, d1) -> (0)>
#map2 = affine_map<(d0, d1) -> (0, 0, 0)>
module attributes {stable_mosaic.version = 14 : i64} {
  func.func @_sc_agg_body(%arg0: i32, %arg1: i32, %arg2: memref<20000x128xf32, #tpu.memory_space<hbm>>, %arg3: memref<160000xi32, #tpu.memory_space<hbm>>, %arg4: memref<160000xi32, #tpu.memory_space<hbm>>, %arg5: memref<2x10240x128xf32, #tpu.memory_space<hbm>>, %arg6: memref<80x128xf32, #tpu.memory_space<hbm>>, %arg7: memref<2x128xi32, #tpu.memory_space<vmem>>, %arg8: memref<2x128xi32, #tpu.memory_space<vmem>>, %arg9: memref<2x128x128xf32, #tpu.memory_space<vmem>>, %arg10: memref<80x128xf32, #tpu.memory_space<vmem>>, %arg11: memref<80xi32, #tpu.memory_space<vmem>>, %arg12: memref<10240x128xf32, #tpu.memory_space<vmem_shared>>, %arg13: memref<80x128xf32, #tpu.memory_space<vmem_shared>>, %arg14: memref<!tpu.dma_semaphore, #tpu.memory_space<semaphore_mem>>, %arg15: memref<!tpu.dma_semaphore, #tpu.memory_space<semaphore_mem>>) attributes {dimension_semantics = [#tpu.dimension_semantics<core_parallel>, #tpu.dimension_semantics<subcore_parallel>], iteration_bounds = array<i64: 2, 16>, scalar_prefetch = 0 : i64, scratch_operands = 9 : i64, tpu.core_type = #tpu.core_type<sc_vector_subcore>, window_params = [{transform_indices = #map}, {transform_indices = #map1}, {transform_indices = #map1}, {transform_indices = #map2}, {transform_indices = #map}]} {
    %broadcast_in_dim3A = arith.constant 0.000000e+00 : f32
    %broadcast_in_dim3A_0 = vector.broadcast %broadcast_in_dim3A : f32 to vector<16xf32>
    %broadcast_in_dim3A_1 = arith.constant 1.000000e+00 : f32
    %broadcast_in_dim3A_2 = vector.broadcast %broadcast_in_dim3A_1 : f32 to vector<16xf32>
    %iota3A = tpu.iota {dimensions = array<i32: 0>} : vector<16xi32>
    %scan3A = arith.constant 0 : i32
    %scan3A_3 = arith.constant 0 : i32
    %scan3A_4 = arith.constant 80 : i32
    %scan3A_5 = arith.addi %scan3A_3, %scan3A_4 : i32
    %scan3A_6 = arith.constant 1 : i32
    %scan3A_7 = scf.for %scan3A_285 = %scan3A_3 to %scan3A_5 step %scan3A_6 iter_args(%scan3A_286 = %scan3A) -> (i32)  : i32 {
      %scan3A_287 = arith.constant 0 : i32
      %scan3A_288 = arith.constant 0 : i32
      %scan3A_289 = arith.constant 8 : i32
      %scan3A_290 = arith.addi %scan3A_288, %scan3A_289 : i32
      %scan3A_291 = arith.constant 1 : i32
      %scan3A_292 = scf.for %scan3A_295 = %scan3A_288 to %scan3A_290 step %scan3A_291 iter_args(%scan3A_296 = %scan3A_287) -> (i32)  : i32 {
        %mul3A_297 = arith.constant 16 : i32
        %mul3A_298 = arith.muli %scan3A_295, %mul3A_297 : i32
        %swap3A_299 = arith.index_cast %scan3A_285 : i32 to index
        %swap3A_300 = arith.index_cast %mul3A_298 : i32 to index
        %swap3A_301 = tpu.vector_load %arg10[%swap3A_299, %swap3A_300] {strides = array<i32>} : memref<80x128xf32, #tpu.memory_space<vmem>>, vector<16xf32>,
        tpu.vector_store %arg10[%swap3A_299, %swap3A_300], %broadcast_in_dim3A_0 {strides = array<i32>} : memref<80x128xf32, #tpu.memory_space<vmem>>, vector<16xf32>,
        %scan3A_302 = arith.constant 0 : i32
        scf.yield %scan3A_302 : i32
      }
      %scan3A_293 = arith.constant 8 : i32
      %scan3A_294 = arith.constant 0 : i32
      scf.yield %scan3A_294 : i32
    }
    %scan3A_8 = arith.constant 80 : i32
    %add3A = arith.constant 0 : i32
    %add3A_9 = vector.broadcast %add3A : i32 to vector<16xi32>
    %add3A_10 = arith.addi %iota3A, %add3A_9 : vector<16xi32>
    %swap3A = arith.constant 0 : index
    %swap3A_11 = tpu.vector_load %arg11[%swap3A] {strides = array<i32>} : memref<80xi32, #tpu.memory_space<vmem>>, vector<16xi32>,
    tpu.vector_store %arg11[%swap3A], %add3A_10 {strides = array<i32>} : memref<80xi32, #tpu.memory_space<vmem>>, vector<16xi32>,
    %add3A_12 = arith.constant 16 : i32
    %add3A_13 = vector.broadcast %add3A_12 : i32 to vector<16xi32>
    %add3A_14 = arith.addi %iota3A, %add3A_13 : vector<16xi32>
    %swap3A_15 = arith.constant 16 : index
    %swap3A_16 = tpu.vector_load %arg11[%swap3A_15] {strides = array<i32>} : memref<80xi32, #tpu.memory_space<vmem>>, vector<16xi32>,
    tpu.vector_store %arg11[%swap3A_15], %add3A_14 {strides = array<i32>} : memref<80xi32, #tpu.memory_space<vmem>>, vector<16xi32>,
    %add3A_17 = arith.constant 32 : i32
    %add3A_18 = vector.broadcast %add3A_17 : i32 to vector<16xi32>
    %add3A_19 = arith.addi %iota3A, %add3A_18 : vector<16xi32>
    %swap3A_20 = arith.constant 32 : index
    %swap3A_21 = tpu.vector_load %arg11[%swap3A_20] {strides = array<i32>} : memref<80xi32, #tpu.memory_space<vmem>>, vector<16xi32>,
    tpu.vector_store %arg11[%swap3A_20], %add3A_19 {strides = array<i32>} : memref<80xi32, #tpu.memory_space<vmem>>, vector<16xi32>,
    %add3A_22 = arith.constant 48 : i32
    %add3A_23 = vector.broadcast %add3A_22 : i32 to vector<16xi32>
    %add3A_24 = arith.addi %iota3A, %add3A_23 : vector<16xi32>
    %swap3A_25 = arith.constant 48 : index
    %swap3A_26 = tpu.vector_load %arg11[%swap3A_25] {strides = array<i32>} : memref<80xi32, #tpu.memory_space<vmem>>, vector<16xi32>,
    tpu.vector_store %arg11[%swap3A_25], %add3A_24 {strides = array<i32>} : memref<80xi32, #tpu.memory_space<vmem>>, vector<16xi32>,
    %add3A_27 = arith.constant 64 : i32
    %add3A_28 = vector.broadcast %add3A_27 : i32 to vector<16xi32>
    %add3A_29 = arith.addi %iota3A, %add3A_28 : vector<16xi32>
    %swap3A_30 = arith.constant 64 : index
    %swap3A_31 = tpu.vector_load %arg11[%swap3A_30] {strides = array<i32>} : memref<80xi32, #tpu.memory_space<vmem>>, vector<16xi32>,
    tpu.vector_store %arg11[%swap3A_30], %add3A_29 {strides = array<i32>} : memref<80xi32, #tpu.memory_space<vmem>>, vector<16xi32>,
    %scan3A_32 = arith.constant 0 : i32
    %scan3A_33 = arith.constant 0 : i32
    %scan3A_34 = arith.constant 128 : i32
    %scan3A_35 = arith.addi %scan3A_33, %scan3A_34 : i32
    %scan3A_36 = arith.constant 1 : i32
    %scan3A_37 = scf.for %scan3A_285 = %scan3A_33 to %scan3A_35 step %scan3A_36 iter_args(%scan3A_286 = %scan3A_32) -> (i32)  : i32 {
      %scan3A_287 = arith.constant 0 : i32
      %scan3A_288 = arith.constant 0 : i32
      %scan3A_289 = arith.constant 8 : i32
      %scan3A_290 = arith.addi %scan3A_288, %scan3A_289 : i32
      %scan3A_291 = arith.constant 1 : i32
      %scan3A_292 = scf.for %scan3A_295 = %scan3A_288 to %scan3A_290 step %scan3A_291 iter_args(%scan3A_296 = %scan3A_287) -> (i32)  : i32 {
        %mul3A_297 = arith.constant 16 : i32
        %mul3A_298 = arith.muli %scan3A_295, %mul3A_297 : i32
        %swap3A_299 = arith.constant 0 : i32
        %swap3A_300 = arith.index_cast %swap3A_299 : i32 to index
        %swap3A_301 = arith.index_cast %scan3A_285 : i32 to index
        %swap3A_302 = arith.index_cast %mul3A_298 : i32 to index
        %swap3A_303 = tpu.vector_load %arg9[%swap3A_300, %swap3A_301, %swap3A_302] {strides = array<i32>} : memref<2x128x128xf32, #tpu.memory_space<vmem>>, vector<16xf32>,
        tpu.vector_store %arg9[%swap3A_300, %swap3A_301, %swap3A_302], %broadcast_in_dim3A_0 {strides = array<i32>} : memref<2x128x128xf32, #tpu.memory_space<vmem>>, vector<16xf32>,
        %scan3A_304 = arith.constant 0 : i32
        scf.yield %scan3A_304 : i32
      }
      %scan3A_293 = arith.constant 8 : i32
      %scan3A_294 = arith.constant 0 : i32
      scf.yield %scan3A_294 : i32
    }
    %scan3A_38 = arith.constant 128 : i32
    %mul3A = arith.constant 640 : i32
    %mul3A_39 = arith.muli %arg1, %mul3A : i32
    %add3A_40 = arith.constant 0 : i32
    %add3A_41 = arith.addi %mul3A_39, %add3A_40 : i32
    %dma_start3A = arith.constant 0 : i32
    %dma_start3A_42 = arith.constant 0 : i32
    %dma_start3A_43 = arith.constant 0 : i32
    %dma_start3A_44 = tpu.memref_slice %arg9[%dma_start3A, %dma_start3A_42, %dma_start3A_43] : memref<2x128x128xf32, #tpu.memory_space<vmem>> -> memref<1x128x128xf32, #tpu.memory_space<vmem>>
    %dma_start3A_45 = tpu.memref_squeeze %dma_start3A_44 : memref<1x128x128xf32, #tpu.memory_space<vmem>> -> memref<128x128xf32, #tpu.memory_space<vmem>>
    %dma_start3A_46 = arith.constant 0 : i32
    %dma_start3A_47 = tpu.memref_slice %arg12[%add3A_41, %dma_start3A_46] : memref<10240x128xf32, #tpu.memory_space<vmem_shared>> -> memref<128x128xf32, #tpu.memory_space<vmem_shared>>
    %dma_start3A_48 = arith.constant 0 : i32
    %dma_start3A_49 = tpu.memref_slice %arg12[%add3A_41, %dma_start3A_48] : memref<10240x128xf32, #tpu.memory_space<vmem_shared>> -> memref<128x128xf32, #tpu.memory_space<vmem_shared>>
    %dma_start3A_50 = arith.constant 0 : i32
    %dma_start3A_51 = arith.constant 0 : i32
    %dma_start3A_52 = tpu.memref_slice %arg9[%dma_start3A, %dma_start3A_50, %dma_start3A_51] : memref<2x128x128xf32, #tpu.memory_space<vmem>> -> memref<1x128x128xf32, #tpu.memory_space<vmem>>
    %dma_start3A_53 = tpu.memref_squeeze %dma_start3A_52 : memref<1x128x128xf32, #tpu.memory_space<vmem>> -> memref<128x128xf32, #tpu.memory_space<vmem>>
    tpu.enqueue_dma source(%dma_start3A_53 : memref<128x128xf32, #tpu.memory_space<vmem>>) target(%dma_start3A_49 : memref<128x128xf32, #tpu.memory_space<vmem_shared>>) target_semaphore(%arg14 : memref<!tpu.dma_semaphore, #tpu.memory_space<semaphore_mem>>)
    %mul3A_54 = arith.constant 640 : i32
    %mul3A_55 = arith.muli %arg1, %mul3A_54 : i32
    %add3A_56 = arith.constant 128 : i32
    %add3A_57 = arith.addi %mul3A_55, %add3A_56 : i32
    %dma_start3A_58 = arith.constant 0 : i32
    %dma_start3A_59 = arith.constant 0 : i32
    %dma_start3A_60 = arith.constant 0 : i32
    %dma_start3A_61 = tpu.memref_slice %arg9[%dma_start3A_58, %dma_start3A_59, %dma_start3A_60] : memref<2x128x128xf32, #tpu.memory_space<vmem>> -> memref<1x128x128xf32, #tpu.memory_space<vmem>>
    %dma_start3A_62 = tpu.memref_squeeze %dma_start3A_61 : memref<1x128x128xf32, #tpu.memory_space<vmem>> -> memref<128x128xf32, #tpu.memory_space<vmem>>
    %dma_start3A_63 = arith.constant 0 : i32
    %dma_start3A_64 = tpu.memref_slice %arg12[%add3A_57, %dma_start3A_63] : memref<10240x128xf32, #tpu.memory_space<vmem_shared>> -> memref<128x128xf32, #tpu.memory_space<vmem_shared>>
    %dma_start3A_65 = arith.constant 0 : i32
    %dma_start3A_66 = tpu.memref_slice %arg12[%add3A_57, %dma_start3A_65] : memref<10240x128xf32, #tpu.memory_space<vmem_shared>> -> memref<128x128xf32, #tpu.memory_space<vmem_shared>>
    %dma_start3A_67 = arith.constant 0 : i32
    %dma_start3A_68 = arith.constant 0 : i32
    %dma_start3A_69 = tpu.memref_slice %arg9[%dma_start3A_58, %dma_start3A_67, %dma_start3A_68] : memref<2x128x128xf32, #tpu.memory_space<vmem>> -> memref<1x128x128xf32, #tpu.memory_space<vmem>>
    %dma_start3A_70 = tpu.memref_squeeze %dma_start3A_69 : memref<1x128x128xf32, #tpu.memory_space<vmem>> -> memref<128x128xf32, #tpu.memory_space<vmem>>
    tpu.enqueue_dma source(%dma_start3A_70 : memref<128x128xf32, #tpu.memory_space<vmem>>) target(%dma_start3A_66 : memref<128x128xf32, #tpu.memory_space<vmem_shared>>) target_semaphore(%arg14 : memref<!tpu.dma_semaphore, #tpu.memory_space<semaphore_mem>>)
    %mul3A_71 = arith.constant 640 : i32
    %mul3A_72 = arith.muli %arg1, %mul3A_71 : i32
    %add3A_73 = arith.constant 256 : i32
    %add3A_74 = arith.addi %mul3A_72, %add3A_73 : i32
    %dma_start3A_75 = arith.constant 0 : i32
    %dma_start3A_76 = arith.constant 0 : i32
    %dma_start3A_77 = arith.constant 0 : i32
    %dma_start3A_78 = tpu.memref_slice %arg9[%dma_start3A_75, %dma_start3A_76, %dma_start3A_77] : memref<2x128x128xf32, #tpu.memory_space<vmem>> -> memref<1x128x128xf32, #tpu.memory_space<vmem>>
    %dma_start3A_79 = tpu.memref_squeeze %dma_start3A_78 : memref<1x128x128xf32, #tpu.memory_space<vmem>> -> memref<128x128xf32, #tpu.memory_space<vmem>>
    %dma_start3A_80 = arith.constant 0 : i32
    %dma_start3A_81 = tpu.memref_slice %arg12[%add3A_74, %dma_start3A_80] : memref<10240x128xf32, #tpu.memory_space<vmem_shared>> -> memref<128x128xf32, #tpu.memory_space<vmem_shared>>
    %dma_start3A_82 = arith.constant 0 : i32
    %dma_start3A_83 = tpu.memref_slice %arg12[%add3A_74, %dma_start3A_82] : memref<10240x128xf32, #tpu.memory_space<vmem_shared>> -> memref<128x128xf32, #tpu.memory_space<vmem_shared>>
    %dma_start3A_84 = arith.constant 0 : i32
    %dma_start3A_85 = arith.constant 0 : i32
    %dma_start3A_86 = tpu.memref_slice %arg9[%dma_start3A_75, %dma_start3A_84, %dma_start3A_85] : memref<2x128x128xf32, #tpu.memory_space<vmem>> -> memref<1x128x128xf32, #tpu.memory_space<vmem>>
    %dma_start3A_87 = tpu.memref_squeeze %dma_start3A_86 : memref<1x128x128xf32, #tpu.memory_space<vmem>> -> memref<128x128xf32, #tpu.memory_space<vmem>>
    tpu.enqueue_dma source(%dma_start3A_87 : memref<128x128xf32, #tpu.memory_space<vmem>>) target(%dma_start3A_83 : memref<128x128xf32, #tpu.memory_space<vmem_shared>>) target_semaphore(%arg14 : memref<!tpu.dma_semaphore, #tpu.memory_space<semaphore_mem>>)
    %mul3A_88 = arith.constant 640 : i32
    %mul3A_89 = arith.muli %arg1, %mul3A_88 : i32
    %add3A_90 = arith.constant 384 : i32
    %add3A_91 = arith.addi %mul3A_89, %add3A_90 : i32
    %dma_start3A_92 = arith.constant 0 : i32
    %dma_start3A_93 = arith.constant 0 : i32
    %dma_start3A_94 = arith.constant 0 : i32
    %dma_start3A_95 = tpu.memref_slice %arg9[%dma_start3A_92, %dma_start3A_93, %dma_start3A_94] : memref<2x128x128xf32, #tpu.memory_space<vmem>> -> memref<1x128x128xf32, #tpu.memory_space<vmem>>
    %dma_start3A_96 = tpu.memref_squeeze %dma_start3A_95 : memref<1x128x128xf32, #tpu.memory_space<vmem>> -> memref<128x128xf32, #tpu.memory_space<vmem>>
    %dma_start3A_97 = arith.constant 0 : i32
    %dma_start3A_98 = tpu.memref_slice %arg12[%add3A_91, %dma_start3A_97] : memref<10240x128xf32, #tpu.memory_space<vmem_shared>> -> memref<128x128xf32, #tpu.memory_space<vmem_shared>>
    %dma_start3A_99 = arith.constant 0 : i32
    %dma_start3A_100 = tpu.memref_slice %arg12[%add3A_91, %dma_start3A_99] : memref<10240x128xf32, #tpu.memory_space<vmem_shared>> -> memref<128x128xf32, #tpu.memory_space<vmem_shared>>
    %dma_start3A_101 = arith.constant 0 : i32
    %dma_start3A_102 = arith.constant 0 : i32
    %dma_start3A_103 = tpu.memref_slice %arg9[%dma_start3A_92, %dma_start3A_101, %dma_start3A_102] : memref<2x128x128xf32, #tpu.memory_space<vmem>> -> memref<1x128x128xf32, #tpu.memory_space<vmem>>
    %dma_start3A_104 = tpu.memref_squeeze %dma_start3A_103 : memref<1x128x128xf32, #tpu.memory_space<vmem>> -> memref<128x128xf32, #tpu.memory_space<vmem>>
    tpu.enqueue_dma source(%dma_start3A_104 : memref<128x128xf32, #tpu.memory_space<vmem>>) target(%dma_start3A_100 : memref<128x128xf32, #tpu.memory_space<vmem_shared>>) target_semaphore(%arg14 : memref<!tpu.dma_semaphore, #tpu.memory_space<semaphore_mem>>)
    %mul3A_105 = arith.constant 640 : i32
    %mul3A_106 = arith.muli %arg1, %mul3A_105 : i32
    %add3A_107 = arith.constant 512 : i32
    %add3A_108 = arith.addi %mul3A_106, %add3A_107 : i32
    %dma_start3A_109 = arith.constant 0 : i32
    %dma_start3A_110 = arith.constant 0 : i32
    %dma_start3A_111 = arith.constant 0 : i32
    %dma_start3A_112 = tpu.memref_slice %arg9[%dma_start3A_109, %dma_start3A_110, %dma_start3A_111] : memref<2x128x128xf32, #tpu.memory_space<vmem>> -> memref<1x128x128xf32, #tpu.memory_space<vmem>>
    %dma_start3A_113 = tpu.memref_squeeze %dma_start3A_112 : memref<1x128x128xf32, #tpu.memory_space<vmem>> -> memref<128x128xf32, #tpu.memory_space<vmem>>
    %dma_start3A_114 = arith.constant 0 : i32
    %dma_start3A_115 = tpu.memref_slice %arg12[%add3A_108, %dma_start3A_114] : memref<10240x128xf32, #tpu.memory_space<vmem_shared>> -> memref<128x128xf32, #tpu.memory_space<vmem_shared>>
    %dma_start3A_116 = arith.constant 0 : i32
    %dma_start3A_117 = tpu.memref_slice %arg12[%add3A_108, %dma_start3A_116] : memref<10240x128xf32, #tpu.memory_space<vmem_shared>> -> memref<128x128xf32, #tpu.memory_space<vmem_shared>>
    %dma_start3A_118 = arith.constant 0 : i32
    %dma_start3A_119 = arith.constant 0 : i32
    %dma_start3A_120 = tpu.memref_slice %arg9[%dma_start3A_109, %dma_start3A_118, %dma_start3A_119] : memref<2x128x128xf32, #tpu.memory_space<vmem>> -> memref<1x128x128xf32, #tpu.memory_space<vmem>>
    %dma_start3A_121 = tpu.memref_squeeze %dma_start3A_120 : memref<1x128x128xf32, #tpu.memory_space<vmem>> -> memref<128x128xf32, #tpu.memory_space<vmem>>
    tpu.enqueue_dma source(%dma_start3A_121 : memref<128x128xf32, #tpu.memory_space<vmem>>) target(%dma_start3A_117 : memref<128x128xf32, #tpu.memory_space<vmem_shared>>) target_semaphore(%arg14 : memref<!tpu.dma_semaphore, #tpu.memory_space<semaphore_mem>>)
    %dma_wait3A = arith.constant 0 : i32
    %dma_wait3A_122 = arith.constant 0 : i32
    %dma_wait3A_123 = arith.constant 0 : i32
    %dma_wait3A_124 = tpu.memref_slice %arg9[%dma_wait3A, %dma_wait3A_122, %dma_wait3A_123] : memref<2x128x128xf32, #tpu.memory_space<vmem>> -> memref<1x128x128xf32, #tpu.memory_space<vmem>>
    %dma_wait3A_125 = tpu.memref_squeeze %dma_wait3A_124 : memref<1x128x128xf32, #tpu.memory_space<vmem>> -> memref<128x128xf32, #tpu.memory_space<vmem>>
    %dma_wait3A_126 = arith.constant 0 : i32
    %dma_wait3A_127 = tpu.memref_slice %arg12[%add3A_41, %dma_wait3A_126] : memref<10240x128xf32, #tpu.memory_space<vmem_shared>> -> memref<128x128xf32, #tpu.memory_space<vmem_shared>>
    %dma_wait3A_128 = arith.constant 0 : i32
    %dma_wait3A_129 = tpu.memref_slice %arg12[%add3A_41, %dma_wait3A_128] : memref<10240x128xf32, #tpu.memory_space<vmem_shared>> -> memref<128x128xf32, #tpu.memory_space<vmem_shared>>
    %dma_wait3A_130 = arith.constant 0 : i32
    %dma_wait3A_131 = arith.constant 0 : i32
    %dma_wait3A_132 = tpu.memref_slice %arg9[%dma_wait3A, %dma_wait3A_130, %dma_wait3A_131] : memref<2x128x128xf32, #tpu.memory_space<vmem>> -> memref<1x128x128xf32, #tpu.memory_space<vmem>>
    %dma_wait3A_133 = tpu.memref_squeeze %dma_wait3A_132 : memref<1x128x128xf32, #tpu.memory_space<vmem>> -> memref<128x128xf32, #tpu.memory_space<vmem>>
    tpu.wait_dma2 semaphore(%arg14 : memref<!tpu.dma_semaphore, #tpu.memory_space<semaphore_mem>>) src(%dma_wait3A_133 : memref<128x128xf32, #tpu.memory_space<vmem>>) dst(%dma_wait3A_129 : memref<128x128xf32, #tpu.memory_space<vmem_shared>>)
    %dma_wait3A_134 = arith.constant 0 : i32
    %dma_wait3A_135 = arith.constant 0 : i32
    %dma_wait3A_136 = arith.constant 0 : i32
    %dma_wait3A_137 = tpu.memref_slice %arg9[%dma_wait3A_134, %dma_wait3A_135, %dma_wait3A_136] : memref<2x128x128xf32, #tpu.memory_space<vmem>> -> memref<1x128x128xf32, #tpu.memory_space<vmem>>
    %dma_wait3A_138 = tpu.memref_squeeze %dma_wait3A_137 : memref<1x128x128xf32, #tpu.memory_space<vmem>> -> memref<128x128xf32, #tpu.memory_space<vmem>>
    %dma_wait3A_139 = arith.constant 0 : i32
    %dma_wait3A_140 = tpu.memref_slice %arg12[%add3A_57, %dma_wait3A_139] : memref<10240x128xf32, #tpu.memory_space<vmem_shared>> -> memref<128x128xf32, #tpu.memory_space<vmem_shared>>
    %dma_wait3A_141 = arith.constant 0 : i32
    %dma_wait3A_142 = tpu.memref_slice %arg12[%add3A_57, %dma_wait3A_141] : memref<10240x128xf32, #tpu.memory_space<vmem_shared>> -> memref<128x128xf32, #tpu.memory_space<vmem_shared>>
    %dma_wait3A_143 = arith.constant 0 : i32
    %dma_wait3A_144 = arith.constant 0 : i32
    %dma_wait3A_145 = tpu.memref_slice %arg9[%dma_wait3A_134, %dma_wait3A_143, %dma_wait3A_144] : memref<2x128x128xf32, #tpu.memory_space<vmem>> -> memref<1x128x128xf32, #tpu.memory_space<vmem>>
    %dma_wait3A_146 = tpu.memref_squeeze %dma_wait3A_145 : memref<1x128x128xf32, #tpu.memory_space<vmem>> -> memref<128x128xf32, #tpu.memory_space<vmem>>
    tpu.wait_dma2 semaphore(%arg14 : memref<!tpu.dma_semaphore, #tpu.memory_space<semaphore_mem>>) src(%dma_wait3A_146 : memref<128x128xf32, #tpu.memory_space<vmem>>) dst(%dma_wait3A_142 : memref<128x128xf32, #tpu.memory_space<vmem_shared>>)
    %dma_wait3A_147 = arith.constant 0 : i32
    %dma_wait3A_148 = arith.constant 0 : i32
    %dma_wait3A_149 = arith.constant 0 : i32
    %dma_wait3A_150 = tpu.memref_slice %arg9[%dma_wait3A_147, %dma_wait3A_148, %dma_wait3A_149] : memref<2x128x128xf32, #tpu.memory_space<vmem>> -> memref<1x128x128xf32, #tpu.memory_space<vmem>>
    %dma_wait3A_151 = tpu.memref_squeeze %dma_wait3A_150 : memref<1x128x128xf32, #tpu.memory_space<vmem>> -> memref<128x128xf32, #tpu.memory_space<vmem>>
    %dma_wait3A_152 = arith.constant 0 : i32
    %dma_wait3A_153 = tpu.memref_slice %arg12[%add3A_74, %dma_wait3A_152] : memref<10240x128xf32, #tpu.memory_space<vmem_shared>> -> memref<128x128xf32, #tpu.memory_space<vmem_shared>>
    %dma_wait3A_154 = arith.constant 0 : i32
    %dma_wait3A_155 = tpu.memref_slice %arg12[%add3A_74, %dma_wait3A_154] : memref<10240x128xf32, #tpu.memory_space<vmem_shared>> -> memref<128x128xf32, #tpu.memory_space<vmem_shared>>
    %dma_wait3A_156 = arith.constant 0 : i32
    %dma_wait3A_157 = arith.constant 0 : i32
    %dma_wait3A_158 = tpu.memref_slice %arg9[%dma_wait3A_147, %dma_wait3A_156, %dma_wait3A_157] : memref<2x128x128xf32, #tpu.memory_space<vmem>> -> memref<1x128x128xf32, #tpu.memory_space<vmem>>
    %dma_wait3A_159 = tpu.memref_squeeze %dma_wait3A_158 : memref<1x128x128xf32, #tpu.memory_space<vmem>> -> memref<128x128xf32, #tpu.memory_space<vmem>>
    tpu.wait_dma2 semaphore(%arg14 : memref<!tpu.dma_semaphore, #tpu.memory_space<semaphore_mem>>) src(%dma_wait3A_159 : memref<128x128xf32, #tpu.memory_space<vmem>>) dst(%dma_wait3A_155 : memref<128x128xf32, #tpu.memory_space<vmem_shared>>)
    %dma_wait3A_160 = arith.constant 0 : i32
    %dma_wait3A_161 = arith.constant 0 : i32
    %dma_wait3A_162 = arith.constant 0 : i32
    %dma_wait3A_163 = tpu.memref_slice %arg9[%dma_wait3A_160, %dma_wait3A_161, %dma_wait3A_162] : memref<2x128x128xf32, #tpu.memory_space<vmem>> -> memref<1x128x128xf32, #tpu.memory_space<vmem>>
    %dma_wait3A_164 = tpu.memref_squeeze %dma_wait3A_163 : memref<1x128x128xf32, #tpu.memory_space<vmem>> -> memref<128x128xf32, #tpu.memory_space<vmem>>
    %dma_wait3A_165 = arith.constant 0 : i32
    %dma_wait3A_166 = tpu.memref_slice %arg12[%add3A_91, %dma_wait3A_165] : memref<10240x128xf32, #tpu.memory_space<vmem_shared>> -> memref<128x128xf32, #tpu.memory_space<vmem_shared>>
    %dma_wait3A_167 = arith.constant 0 : i32
    %dma_wait3A_168 = tpu.memref_slice %arg12[%add3A_91, %dma_wait3A_167] : memref<10240x128xf32, #tpu.memory_space<vmem_shared>> -> memref<128x128xf32, #tpu.memory_space<vmem_shared>>
    %dma_wait3A_169 = arith.constant 0 : i32
    %dma_wait3A_170 = arith.constant 0 : i32
    %dma_wait3A_171 = tpu.memref_slice %arg9[%dma_wait3A_160, %dma_wait3A_169, %dma_wait3A_170] : memref<2x128x128xf32, #tpu.memory_space<vmem>> -> memref<1x128x128xf32, #tpu.memory_space<vmem>>
    %dma_wait3A_172 = tpu.memref_squeeze %dma_wait3A_171 : memref<1x128x128xf32, #tpu.memory_space<vmem>> -> memref<128x128xf32, #tpu.memory_space<vmem>>
    tpu.wait_dma2 semaphore(%arg14 : memref<!tpu.dma_semaphore, #tpu.memory_space<semaphore_mem>>) src(%dma_wait3A_172 : memref<128x128xf32, #tpu.memory_space<vmem>>) dst(%dma_wait3A_168 : memref<128x128xf32, #tpu.memory_space<vmem_shared>>)
    %dma_wait3A_173 = arith.constant 0 : i32
    %dma_wait3A_174 = arith.constant 0 : i32
    %dma_wait3A_175 = arith.constant 0 : i32
    %dma_wait3A_176 = tpu.memref_slice %arg9[%dma_wait3A_173, %dma_wait3A_174, %dma_wait3A_175] : memref<2x128x128xf32, #tpu.memory_space<vmem>> -> memref<1x128x128xf32, #tpu.memory_space<vmem>>
    %dma_wait3A_177 = tpu.memref_squeeze %dma_wait3A_176 : memref<1x128x128xf32, #tpu.memory_space<vmem>> -> memref<128x128xf32, #tpu.memory_space<vmem>>
    %dma_wait3A_178 = arith.constant 0 : i32
    %dma_wait3A_179 = tpu.memref_slice %arg12[%add3A_108, %dma_wait3A_178] : memref<10240x128xf32, #tpu.memory_space<vmem_shared>> -> memref<128x128xf32, #tpu.memory_space<vmem_shared>>
    %dma_wait3A_180 = arith.constant 0 : i32
    %dma_wait3A_181 = tpu.memref_slice %arg12[%add3A_108, %dma_wait3A_180] : memref<10240x128xf32, #tpu.memory_space<vmem_shared>> -> memref<128x128xf32, #tpu.memory_space<vmem_shared>>
    %dma_wait3A_182 = arith.constant 0 : i32
    %dma_wait3A_183 = arith.constant 0 : i32
    %dma_wait3A_184 = tpu.memref_slice %arg9[%dma_wait3A_173, %dma_wait3A_182, %dma_wait3A_183] : memref<2x128x128xf32, #tpu.memory_space<vmem>> -> memref<1x128x128xf32, #tpu.memory_space<vmem>>
    %dma_wait3A_185 = tpu.memref_squeeze %dma_wait3A_184 : memref<1x128x128xf32, #tpu.memory_space<vmem>> -> memref<128x128xf32, #tpu.memory_space<vmem>>
    tpu.wait_dma2 semaphore(%arg14 : memref<!tpu.dma_semaphore, #tpu.memory_space<semaphore_mem>>) src(%dma_wait3A_185 : memref<128x128xf32, #tpu.memory_space<vmem>>) dst(%dma_wait3A_181 : memref<128x128xf32, #tpu.memory_space<vmem_shared>>)
    %eq3A = arith.constant 0 : i32
    %eq3A_186 = arith.cmpi eq, %arg0, %eq3A : i32
    %lt3A = arith.constant 10 : i32
    %lt3A_187 = arith.cmpi slt, %arg1, %lt3A : i32
    %and3A = arith.andi %eq3A_186, %lt3A_187 : i1
    %convert_element_type3A = arith.extui %and3A : i1 to i32
    %cond3A = arith.constant 0 : i32
    %cond3A_188 = arith.cmpi ne, %convert_element_type3A, %cond3A : i32
    scf.if %cond3A_188 {
      %mul3A_285 = arith.constant 8 : i32
      %mul3A_286 = arith.muli %arg1, %mul3A_285 : i32
      %run_scoped3A = arith.constant 0 : i32
      "tpu.region"() ({
        %run_scoped3A_287 = tpu.sem_alloc : memref<!tpu.dma_semaphore, #tpu.memory_space<semaphore_mem>>
        %dma_start3A_288 = arith.constant 0 : i32
        %dma_start3A_289 = arith.constant 0 : i32
        %dma_start3A_290 = tpu.memref_slice %arg9[%run_scoped3A, %dma_start3A_288, %dma_start3A_289] : memref<2x128x128xf32, #tpu.memory_space<vmem>> -> memref<1x8x128xf32, #tpu.memory_space<vmem>>
        %dma_start3A_291 = tpu.memref_squeeze %dma_start3A_290 : memref<1x8x128xf32, #tpu.memory_space<vmem>> -> memref<8x128xf32, #tpu.memory_space<vmem>>
        %dma_start3A_292 = arith.constant 0 : i32
        %dma_start3A_293 = tpu.memref_slice %arg13[%mul3A_286, %dma_start3A_292] : memref<80x128xf32, #tpu.memory_space<vmem_shared>> -> memref<8x128xf32, #tpu.memory_space<vmem_shared>>
        %dma_start3A_294 = arith.constant 0 : i32
        %dma_start3A_295 = tpu.memref_slice %arg13[%mul3A_286, %dma_start3A_294] : memref<80x128xf32, #tpu.memory_space<vmem_shared>> -> memref<8x128xf32, #tpu.memory_space<vmem_shared>>
        %dma_start3A_296 = arith.constant 0 : i32
        %dma_start3A_297 = arith.constant 0 : i32
        %dma_start3A_298 = tpu.memref_slice %arg9[%run_scoped3A, %dma_start3A_296, %dma_start3A_297] : memref<2x128x128xf32, #tpu.memory_space<vmem>> -> memref<1x8x128xf32, #tpu.memory_space<vmem>>
        %dma_start3A_299 = tpu.memref_squeeze %dma_start3A_298 : memref<1x8x128xf32, #tpu.memory_space<vmem>> -> memref<8x128xf32, #tpu.memory_space<vmem>>
        tpu.enqueue_dma source(%dma_start3A_299 : memref<8x128xf32, #tpu.memory_space<vmem>>) target(%dma_start3A_295 : memref<8x128xf32, #tpu.memory_space<vmem_shared>>) target_semaphore(%run_scoped3A_287 : memref<!tpu.dma_semaphore, #tpu.memory_space<semaphore_mem>>)
        %dma_wait3A_300 = arith.constant 0 : i32
        %dma_wait3A_301 = arith.constant 0 : i32
        %dma_wait3A_302 = tpu.memref_slice %arg9[%run_scoped3A, %dma_wait3A_300, %dma_wait3A_301] : memref<2x128x128xf32, #tpu.memory_space<vmem>> -> memref<1x8x128xf32, #tpu.memory_space<vmem>>
        %dma_wait3A_303 = tpu.memref_squeeze %dma_wait3A_302 : memref<1x8x128xf32, #tpu.memory_space<vmem>> -> memref<8x128xf32, #tpu.memory_space<vmem>>
        %dma_wait3A_304 = arith.constant 0 : i32
        %dma_wait3A_305 = tpu.memref_slice %arg13[%mul3A_286, %dma_wait3A_304] : memref<80x128xf32, #tpu.memory_space<vmem_shared>> -> memref<8x128xf32, #tpu.memory_space<vmem_shared>>
        %dma_wait3A_306 = arith.constant 0 : i32
        %dma_wait3A_307 = tpu.memref_slice %arg13[%mul3A_286, %dma_wait3A_306] : memref<80x128xf32, #tpu.memory_space<vmem_shared>> -> memref<8x128xf32, #tpu.memory_space<vmem_shared>>
        %dma_wait3A_308 = arith.constant 0 : i32
        %dma_wait3A_309 = arith.constant 0 : i32
        %dma_wait3A_310 = tpu.memref_slice %arg9[%run_scoped3A, %dma_wait3A_308, %dma_wait3A_309] : memref<2x128x128xf32, #tpu.memory_space<vmem>> -> memref<1x8x128xf32, #tpu.memory_space<vmem>>
        %dma_wait3A_311 = tpu.memref_squeeze %dma_wait3A_310 : memref<1x8x128xf32, #tpu.memory_space<vmem>> -> memref<8x128xf32, #tpu.memory_space<vmem>>
        tpu.wait_dma2 semaphore(%run_scoped3A_287 : memref<!tpu.dma_semaphore, #tpu.memory_space<semaphore_mem>>) src(%dma_wait3A_311 : memref<8x128xf32, #tpu.memory_space<vmem>>) dst(%dma_wait3A_307 : memref<8x128xf32, #tpu.memory_space<vmem_shared>>)
        tpu.yield
      }) : () -> ()
    } else {
    }
    %barrier3A = arith.constant 0 : index
    tpu.barrier barrier_id(%barrier3A)
    %scan3A_189 = arith.constant 0 : i32
    %scan3A_190 = arith.constant 0 : i32
    %scan3A_191 = arith.constant 13 : i32
    %scan3A_192 = arith.addi %scan3A_190, %scan3A_191 : i32
    %scan3A_193 = arith.constant 1 : i32
    %scan3A_194 = scf.for %scan3A_285 = %scan3A_190 to %scan3A_192 step %scan3A_193 iter_args(%scan3A_286 = %scan3A_189) -> (i32)  : i32 {
      %mul3A_287 = arith.constant 6 : i32
      %mul3A_288 = arith.muli %scan3A_285, %mul3A_287 : i32
      %add3A_289 = arith.constant 0 : i32
      %add3A_290 = arith.addi %mul3A_288, %add3A_289 : i32
      %mul3A_291 = arith.constant 16 : i32
      %mul3A_292 = arith.muli %add3A_290, %mul3A_291 : i32
      %add3A_293 = arith.addi %mul3A_292, %arg1 : i32
      %mul3A_294 = arith.constant 6 : i32
      %mul3A_295 = arith.muli %scan3A_285, %mul3A_294 : i32
      %add3A_296 = arith.constant 1 : i32
      %add3A_297 = arith.addi %mul3A_295, %add3A_296 : i32
      %mul3A_298 = arith.constant 16 : i32
      %mul3A_299 = arith.muli %add3A_297, %mul3A_298 : i32
      %add3A_300 = arith.addi %mul3A_299, %arg1 : i32
      %mul3A_301 = arith.constant 6 : i32
      %mul3A_302 = arith.muli %scan3A_285, %mul3A_301 : i32
      %add3A_303 = arith.constant 2 : i32
      %add3A_304 = arith.addi %mul3A_302, %add3A_303 : i32
      %mul3A_305 = arith.constant 16 : i32
      %mul3A_306 = arith.muli %add3A_304, %mul3A_305 : i32
      %add3A_307 = arith.addi %mul3A_306, %arg1 : i32
      %mul3A_308 = arith.constant 6 : i32
      %mul3A_309 = arith.muli %scan3A_285, %mul3A_308 : i32
      %add3A_310 = arith.constant 3 : i32
      %add3A_311 = arith.addi %mul3A_309, %add3A_310 : i32
      %mul3A_312 = arith.constant 16 : i32
      %mul3A_313 = arith.muli %add3A_311, %mul3A_312 : i32
      %add3A_314 = arith.addi %mul3A_313, %arg1 : i32
      %mul3A_315 = arith.constant 6 : i32
      %mul3A_316 = arith.muli %scan3A_285, %mul3A_315 : i32
      %add3A_317 = arith.constant 4 : i32
      %add3A_318 = arith.addi %mul3A_316, %add3A_317 : i32
      %mul3A_319 = arith.constant 16 : i32
      %mul3A_320 = arith.muli %add3A_318, %mul3A_319 : i32
      %add3A_321 = arith.addi %mul3A_320, %arg1 : i32
      %mul3A_322 = arith.constant 6 : i32
      %mul3A_323 = arith.muli %scan3A_285, %mul3A_322 : i32
      %add3A_324 = arith.constant 5 : i32
      %add3A_325 = arith.addi %mul3A_323, %add3A_324 : i32
      %mul3A_326 = arith.constant 16 : i32
      %mul3A_327 = arith.muli %add3A_325, %mul3A_326 : i32
      %add3A_328 = arith.addi %mul3A_327, %arg1 : i32
      %mul3A_329 = arith.constant 128 : i32
      %mul3A_330 = arith.muli %add3A_293, %mul3A_329 : i32
      %run_scoped3A = arith.constant 0 : i32
      "tpu.region"() ({
        %run_scoped3A_1294 = tpu.sem_alloc : memref<!tpu.dma_semaphore, #tpu.memory_space<semaphore_mem>>
        %dma_start3A_1295 = arith.constant 0 : i32
        %dma_start3A_1296 = tpu.memref_slice %arg7[%run_scoped3A, %dma_start3A_1295] : memref<2x128xi32, #tpu.memory_space<vmem>> -> memref<1x128xi32, #tpu.memory_space<vmem>>
        %dma_start3A_1297 = tpu.memref_squeeze %dma_start3A_1296 : memref<1x128xi32, #tpu.memory_space<vmem>> -> memref<128xi32, #tpu.memory_space<vmem>>
        %dma_start3A_1298 = tpu.memref_slice %arg3[%mul3A_330] : memref<160000xi32, #tpu.memory_space<hbm>> -> memref<128xi32, #tpu.memory_space<hbm>>
        %dma_start3A_1299 = arith.constant 0 : i32
        %dma_start3A_1300 = tpu.memref_slice %arg7[%run_scoped3A, %dma_start3A_1299] : memref<2x128xi32, #tpu.memory_space<vmem>> -> memref<1x128xi32, #tpu.memory_space<vmem>>
        %dma_start3A_1301 = tpu.memref_squeeze %dma_start3A_1300 : memref<1x128xi32, #tpu.memory_space<vmem>> -> memref<128xi32, #tpu.memory_space<vmem>>
        %dma_start3A_1302 = tpu.memref_slice %arg3[%mul3A_330] : memref<160000xi32, #tpu.memory_space<hbm>> -> memref<128xi32, #tpu.memory_space<hbm>>
        tpu.enqueue_dma source(%dma_start3A_1302 : memref<128xi32, #tpu.memory_space<hbm>>) target(%dma_start3A_1301 : memref<128xi32, #tpu.memory_space<vmem>>) target_semaphore(%run_scoped3A_1294 : memref<!tpu.dma_semaphore, #tpu.memory_space<semaphore_mem>>)
        %dma_wait3A_1303 = arith.constant 0 : i32
        %dma_wait3A_1304 = tpu.memref_slice %arg7[%run_scoped3A, %dma_wait3A_1303] : memref<2x128xi32, #tpu.memory_space<vmem>> -> memref<1x128xi32, #tpu.memory_space<vmem>>
        %dma_wait3A_1305 = tpu.memref_squeeze %dma_wait3A_1304 : memref<1x128xi32, #tpu.memory_space<vmem>> -> memref<128xi32, #tpu.memory_space<vmem>>
        %dma_wait3A_1306 = tpu.memref_slice %arg3[%mul3A_330] : memref<160000xi32, #tpu.memory_space<hbm>> -> memref<128xi32, #tpu.memory_space<hbm>>
        %dma_wait3A_1307 = arith.constant 0 : i32
        %dma_wait3A_1308 = tpu.memref_slice %arg7[%run_scoped3A, %dma_wait3A_1307] : memref<2x128xi32, #tpu.memory_space<vmem>> -> memref<1x128xi32, #tpu.memory_space<vmem>>
        %dma_wait3A_1309 = tpu.memref_squeeze %dma_wait3A_1308 : memref<1x128xi32, #tpu.memory_space<vmem>> -> memref<128xi32, #tpu.memory_space<vmem>>
        %dma_wait3A_1310 = tpu.memref_slice %arg3[%mul3A_330] : memref<160000xi32, #tpu.memory_space<hbm>> -> memref<128xi32, #tpu.memory_space<hbm>>
        tpu.wait_dma2 semaphore(%run_scoped3A_1294 : memref<!tpu.dma_semaphore, #tpu.memory_space<semaphore_mem>>) src(%dma_wait3A_1310 : memref<128xi32, #tpu.memory_space<hbm>>) dst(%dma_wait3A_1309 : memref<128xi32, #tpu.memory_space<vmem>>)
        tpu.yield
      }) : () -> ()
      %run_scoped3A_331 = arith.constant 0 : i32
      "tpu.region"() ({
        %run_scoped3A_1294 = tpu.sem_alloc : memref<!tpu.dma_semaphore, #tpu.memory_space<semaphore_mem>>
        %dma_start3A_1295 = arith.constant 0 : i32
        %dma_start3A_1296 = tpu.memref_slice %arg8[%run_scoped3A_331, %dma_start3A_1295] : memref<2x128xi32, #tpu.memory_space<vmem>> -> memref<1x128xi32, #tpu.memory_space<vmem>>
        %dma_start3A_1297 = tpu.memref_squeeze %dma_start3A_1296 : memref<1x128xi32, #tpu.memory_space<vmem>> -> memref<128xi32, #tpu.memory_space<vmem>>
        %dma_start3A_1298 = tpu.memref_slice %arg4[%mul3A_330] : memref<160000xi32, #tpu.memory_space<hbm>> -> memref<128xi32, #tpu.memory_space<hbm>>
        %dma_start3A_1299 = arith.constant 0 : i32
        %dma_start3A_1300 = tpu.memref_slice %arg8[%run_scoped3A_331, %dma_start3A_1299] : memref<2x128xi32, #tpu.memory_space<vmem>> -> memref<1x128xi32, #tpu.memory_space<vmem>>
        %dma_start3A_1301 = tpu.memref_squeeze %dma_start3A_1300 : memref<1x128xi32, #tpu.memory_space<vmem>> -> memref<128xi32, #tpu.memory_space<vmem>>
        %dma_start3A_1302 = tpu.memref_slice %arg4[%mul3A_330] : memref<160000xi32, #tpu.memory_space<hbm>> -> memref<128xi32, #tpu.memory_space<hbm>>
        tpu.enqueue_dma source(%dma_start3A_1302 : memref<128xi32, #tpu.memory_space<hbm>>) target(%dma_start3A_1301 : memref<128xi32, #tpu.memory_space<vmem>>) target_semaphore(%run_scoped3A_1294 : memref<!tpu.dma_semaphore, #tpu.memory_space<semaphore_mem>>)
        %dma_wait3A_1303 = arith.constant 0 : i32
        %dma_wait3A_1304 = tpu.memref_slice %arg8[%run_scoped3A_331, %dma_wait3A_1303] : memref<2x128xi32, #tpu.memory_space<vmem>> -> memref<1x128xi32, #tpu.memory_space<vmem>>
        %dma_wait3A_1305 = tpu.memref_squeeze %dma_wait3A_1304 : memref<1x128xi32, #tpu.memory_space<vmem>> -> memref<128xi32, #tpu.memory_space<vmem>>
        %dma_wait3A_1306 = tpu.memref_slice %arg4[%mul3A_330] : memref<160000xi32, #tpu.memory_space<hbm>> -> memref<128xi32, #tpu.memory_space<hbm>>
        %dma_wait3A_1307 = arith.constant 0 : i32
        %dma_wait3A_1308 = tpu.memref_slice %arg8[%run_scoped3A_331, %dma_wait3A_1307] : memref<2x128xi32, #tpu.memory_space<vmem>> -> memref<1x128xi32, #tpu.memory_space<vmem>>
        %dma_wait3A_1309 = tpu.memref_squeeze %dma_wait3A_1308 : memref<1x128xi32, #tpu.memory_space<vmem>> -> memref<128xi32, #tpu.memory_space<vmem>>
        %dma_wait3A_1310 = tpu.memref_slice %arg4[%mul3A_330] : memref<160000xi32, #tpu.memory_space<hbm>> -> memref<128xi32, #tpu.memory_space<hbm>>
        tpu.wait_dma2 semaphore(%run_scoped3A_1294 : memref<!tpu.dma_semaphore, #tpu.memory_space<semaphore_mem>>) src(%dma_wait3A_1310 : memref<128xi32, #tpu.memory_space<hbm>>) dst(%dma_wait3A_1309 : memref<128xi32, #tpu.memory_space<vmem>>)
        tpu.yield
      }) : () -> ()
      %get3A = arith.constant 0 : i32
      %get3A_332 = arith.index_cast %get3A : i32 to index
      %get3A_333 = arith.constant 0 : index
      %get3A_334 = tpu.vector_load %arg7[%get3A_332, %get3A_333] {strides = array<i32>} : memref<2x128xi32, #tpu.memory_space<vmem>>, vector<16xi32>,
      %mul3A_335 = arith.constant 2 : i32
      %mul3A_336 = vector.broadcast %mul3A_335 : i32 to vector<16xi32>
      %mul3A_337 = arith.muli %get3A_334, %mul3A_336 : vector<16xi32>
      %add3A_338 = vector.broadcast %arg0 : i32 to vector<16xi32>
      %add3A_339 = arith.addi %mul3A_337, %add3A_338 : vector<16xi32>
      %swap3A_340 = arith.constant 0 : i32
      %swap3A_341 = arith.index_cast %swap3A_340 : i32 to index
      %swap3A_342 = arith.constant 0 : index
      %swap3A_343 = tpu.vector_load %arg7[%swap3A_341, %swap3A_342] {strides = array<i32>} : memref<2x128xi32, #tpu.memory_space<vmem>>, vector<16xi32>,
      tpu.vector_store %arg7[%swap3A_341, %swap3A_342], %add3A_339 {strides = array<i32>} : memref<2x128xi32, #tpu.memory_space<vmem>>, vector<16xi32>,
      %get3A_344 = arith.constant 0 : i32
      %get3A_345 = arith.index_cast %get3A_344 : i32 to index
      %get3A_346 = arith.constant 16 : index
      %get3A_347 = tpu.vector_load %arg7[%get3A_345, %get3A_346] {strides = array<i32>} : memref<2x128xi32, #tpu.memory_space<vmem>>, vector<16xi32>,
      %mul3A_348 = arith.constant 2 : i32
      %mul3A_349 = vector.broadcast %mul3A_348 : i32 to vector<16xi32>
      %mul3A_350 = arith.muli %get3A_347, %mul3A_349 : vector<16xi32>
      %add3A_351 = vector.broadcast %arg0 : i32 to vector<16xi32>
      %add3A_352 = arith.addi %mul3A_350, %add3A_351 : vector<16xi32>
      %swap3A_353 = arith.constant 0 : i32
      %swap3A_354 = arith.index_cast %swap3A_353 : i32 to index
      %swap3A_355 = arith.constant 16 : index
      %swap3A_356 = tpu.vector_load %arg7[%swap3A_354, %swap3A_355] {strides = array<i32>} : memref<2x128xi32, #tpu.memory_space<vmem>>, vector<16xi32>,
      tpu.vector_store %arg7[%swap3A_354, %swap3A_355], %add3A_352 {strides = array<i32>} : memref<2x128xi32, #tpu.memory_space<vmem>>, vector<16xi32>,
      %get3A_357 = arith.constant 0 : i32
      %get3A_358 = arith.index_cast %get3A_357 : i32 to index
      %get3A_359 = arith.constant 32 : index
      %get3A_360 = tpu.vector_load %arg7[%get3A_358, %get3A_359] {strides = array<i32>} : memref<2x128xi32, #tpu.memory_space<vmem>>, vector<16xi32>,
      %mul3A_361 = arith.constant 2 : i32
      %mul3A_362 = vector.broadcast %mul3A_361 : i32 to vector<16xi32>
      %mul3A_363 = arith.muli %get3A_360, %mul3A_362 : vector<16xi32>
      %add3A_364 = vector.broadcast %arg0 : i32 to vector<16xi32>
      %add3A_365 = arith.addi %mul3A_363, %add3A_364 : vector<16xi32>
      %swap3A_366 = arith.constant 0 : i32
      %swap3A_367 = arith.index_cast %swap3A_366 : i32 to index
      %swap3A_368 = arith.constant 32 : index
      %swap3A_369 = tpu.vector_load %arg7[%swap3A_367, %swap3A_368] {strides = array<i32>} : memref<2x128xi32, #tpu.memory_space<vmem>>, vector<16xi32>,
      tpu.vector_store %arg7[%swap3A_367, %swap3A_368], %add3A_365 {strides = array<i32>} : memref<2x128xi32, #tpu.memory_space<vmem>>, vector<16xi32>,
      %get3A_370 = arith.constant 0 : i32
      %get3A_371 = arith.index_cast %get3A_370 : i32 to index
      %get3A_372 = arith.constant 48 : index
      %get3A_373 = tpu.vector_load %arg7[%get3A_371, %get3A_372] {strides = array<i32>} : memref<2x128xi32, #tpu.memory_space<vmem>>, vector<16xi32>,
      %mul3A_374 = arith.constant 2 : i32
      %mul3A_375 = vector.broadcast %mul3A_374 : i32 to vector<16xi32>
      %mul3A_376 = arith.muli %get3A_373, %mul3A_375 : vector<16xi32>
      %add3A_377 = vector.broadcast %arg0 : i32 to vector<16xi32>
      %add3A_378 = arith.addi %mul3A_376, %add3A_377 : vector<16xi32>
      %swap3A_379 = arith.constant 0 : i32
      %swap3A_380 = arith.index_cast %swap3A_379 : i32 to index
      %swap3A_381 = arith.constant 48 : index
      %swap3A_382 = tpu.vector_load %arg7[%swap3A_380, %swap3A_381] {strides = array<i32>} : memref<2x128xi32, #tpu.memory_space<vmem>>, vector<16xi32>,
      tpu.vector_store %arg7[%swap3A_380, %swap3A_381], %add3A_378 {strides = array<i32>} : memref<2x128xi32, #tpu.memory_space<vmem>>, vector<16xi32>,
      %get3A_383 = arith.constant 0 : i32
      %get3A_384 = arith.index_cast %get3A_383 : i32 to index
      %get3A_385 = arith.constant 64 : index
      %get3A_386 = tpu.vector_load %arg7[%get3A_384, %get3A_385] {strides = array<i32>} : memref<2x128xi32, #tpu.memory_space<vmem>>, vector<16xi32>,
      %mul3A_387 = arith.constant 2 : i32
      %mul3A_388 = vector.broadcast %mul3A_387 : i32 to vector<16xi32>
      %mul3A_389 = arith.muli %get3A_386, %mul3A_388 : vector<16xi32>
      %add3A_390 = vector.broadcast %arg0 : i32 to vector<16xi32>
      %add3A_391 = arith.addi %mul3A_389, %add3A_390 : vector<16xi32>
      %swap3A_392 = arith.constant 0 : i32
      %swap3A_393 = arith.index_cast %swap3A_392 : i32 to index
      %swap3A_394 = arith.constant 64 : index
      %swap3A_395 = tpu.vector_load %arg7[%swap3A_393, %swap3A_394] {strides = array<i32>} : memref<2x128xi32, #tpu.memory_space<vmem>>, vector<16xi32>,
      tpu.vector_store %arg7[%swap3A_393, %swap3A_394], %add3A_391 {strides = array<i32>} : memref<2x128xi32, #tpu.memory_space<vmem>>, vector<16xi32>,
      %get3A_396 = arith.constant 0 : i32
      %get3A_397 = arith.index_cast %get3A_396 : i32 to index
      %get3A_398 = arith.constant 80 : index
      %get3A_399 = tpu.vector_load %arg7[%get3A_397, %get3A_398] {strides = array<i32>} : memref<2x128xi32, #tpu.memory_space<vmem>>, vector<16xi32>,
      %mul3A_400 = arith.constant 2 : i32
      %mul3A_401 = vector.broadcast %mul3A_400 : i32 to vector<16xi32>
      %mul3A_402 = arith.muli %get3A_399, %mul3A_401 : vector<16xi32>
      %add3A_403 = vector.broadcast %arg0 : i32 to vector<16xi32>
      %add3A_404 = arith.addi %mul3A_402, %add3A_403 : vector<16xi32>
      %swap3A_405 = arith.constant 0 : i32
      %swap3A_406 = arith.index_cast %swap3A_405 : i32 to index
      %swap3A_407 = arith.constant 80 : index
      %swap3A_408 = tpu.vector_load %arg7[%swap3A_406, %swap3A_407] {strides = array<i32>} : memref<2x128xi32, #tpu.memory_space<vmem>>, vector<16xi32>,
      tpu.vector_store %arg7[%swap3A_406, %swap3A_407], %add3A_404 {strides = array<i32>} : memref<2x128xi32, #tpu.memory_space<vmem>>, vector<16xi32>,
      %get3A_409 = arith.constant 0 : i32
      %get3A_410 = arith.index_cast %get3A_409 : i32 to index
      %get3A_411 = arith.constant 96 : index
      %get3A_412 = tpu.vector_load %arg7[%get3A_410, %get3A_411] {strides = array<i32>} : memref<2x128xi32, #tpu.memory_space<vmem>>, vector<16xi32>,
      %mul3A_413 = arith.constant 2 : i32
      %mul3A_414 = vector.broadcast %mul3A_413 : i32 to vector<16xi32>
      %mul3A_415 = arith.muli %get3A_412, %mul3A_414 : vector<16xi32>
      %add3A_416 = vector.broadcast %arg0 : i32 to vector<16xi32>
      %add3A_417 = arith.addi %mul3A_415, %add3A_416 : vector<16xi32>
      %swap3A_418 = arith.constant 0 : i32
      %swap3A_419 = arith.index_cast %swap3A_418 : i32 to index
      %swap3A_420 = arith.constant 96 : index
      %swap3A_421 = tpu.vector_load %arg7[%swap3A_419, %swap3A_420] {strides = array<i32>} : memref<2x128xi32, #tpu.memory_space<vmem>>, vector<16xi32>,
      tpu.vector_store %arg7[%swap3A_419, %swap3A_420], %add3A_417 {strides = array<i32>} : memref<2x128xi32, #tpu.memory_space<vmem>>, vector<16xi32>,
      %get3A_422 = arith.constant 0 : i32
      %get3A_423 = arith.index_cast %get3A_422 : i32 to index
      %get3A_424 = arith.constant 112 : index
      %get3A_425 = tpu.vector_load %arg7[%get3A_423, %get3A_424] {strides = array<i32>} : memref<2x128xi32, #tpu.memory_space<vmem>>, vector<16xi32>,
      %mul3A_426 = arith.constant 2 : i32
      %mul3A_427 = vector.broadcast %mul3A_426 : i32 to vector<16xi32>
      %mul3A_428 = arith.muli %get3A_425, %mul3A_427 : vector<16xi32>
      %add3A_429 = vector.broadcast %arg0 : i32 to vector<16xi32>
      %add3A_430 = arith.addi %mul3A_428, %add3A_429 : vector<16xi32>
      %swap3A_431 = arith.constant 0 : i32
      %swap3A_432 = arith.index_cast %swap3A_431 : i32 to index
      %swap3A_433 = arith.constant 112 : index
      %swap3A_434 = tpu.vector_load %arg7[%swap3A_432, %swap3A_433] {strides = array<i32>} : memref<2x128xi32, #tpu.memory_space<vmem>>, vector<16xi32>,
      tpu.vector_store %arg7[%swap3A_432, %swap3A_433], %add3A_430 {strides = array<i32>} : memref<2x128xi32, #tpu.memory_space<vmem>>, vector<16xi32>,
      %eq3A_435 = arith.constant 0 : i32
      %eq3A_436 = arith.cmpi eq, %arg0, %eq3A_435 : i32
      %convert_element_type3A_437 = arith.extui %eq3A_436 : i1 to i32
      %cond3A_438 = arith.constant 0 : i32
      %cond3A_439 = arith.cmpi ne, %convert_element_type3A_437, %cond3A_438 : i32
      scf.if %cond3A_439 {
        %get3A_1294 = arith.constant 0 : i32
        %get3A_1295 = arith.index_cast %get3A_1294 : i32 to index
        %get3A_1296 = arith.constant 0 : index
        %get3A_1297 = tpu.vector_load %arg8[%get3A_1295, %get3A_1296] {strides = array<i32>} : memref<2x128xi32, #tpu.memory_space<vmem>>, vector<16xi32>,
        %shift_right_logical3A = arith.constant 7 : i32
        %shift_right_logical3A_1298 = vector.broadcast %shift_right_logical3A : i32 to vector<16xi32>
        %shift_right_logical3A_1299 = arith.shrui %get3A_1297, %shift_right_logical3A_1298 : vector<16xi32>
        %and3A_1300 = arith.constant 127 : i32
        %and3A_1301 = vector.broadcast %and3A_1300 : i32 to vector<16xi32>
        %and3A_1302 = arith.andi %get3A_1297, %and3A_1301 : vector<16xi32>
        tpu.vector_store_idx %arg10[%shift_right_logical3A_1299, %and3A_1302], %broadcast_in_dim3A_2 {add = true} : memref<80x128xf32, #tpu.memory_space<vmem>>[vector<16xi32>, vector<16xi32>], vector<16xf32>,
        %get3A_1303 = arith.constant 0 : i32
        %get3A_1304 = arith.index_cast %get3A_1303 : i32 to index
        %get3A_1305 = arith.constant 16 : index
        %get3A_1306 = tpu.vector_load %arg8[%get3A_1304, %get3A_1305] {strides = array<i32>} : memref<2x128xi32, #tpu.memory_space<vmem>>, vector<16xi32>,
        %shift_right_logical3A_1307 = arith.constant 7 : i32
        %shift_right_logical3A_1308 = vector.broadcast %shift_right_logical3A_1307 : i32 to vector<16xi32>
        %shift_right_logical3A_1309 = arith.shrui %get3A_1306, %shift_right_logical3A_1308 : vector<16xi32>
        %and3A_1310 = arith.constant 127 : i32
        %and3A_1311 = vector.broadcast %and3A_1310 : i32 to vector<16xi32>
        %and3A_1312 = arith.andi %get3A_1306, %and3A_1311 : vector<16xi32>
        tpu.vector_store_idx %arg10[%shift_right_logical3A_1309, %and3A_1312], %broadcast_in_dim3A_2 {add = true} : memref<80x128xf32, #tpu.memory_space<vmem>>[vector<16xi32>, vector<16xi32>], vector<16xf32>,
        %get3A_1313 = arith.constant 0 : i32
        %get3A_1314 = arith.index_cast %get3A_1313 : i32 to index
        %get3A_1315 = arith.constant 32 : index
        %get3A_1316 = tpu.vector_load %arg8[%get3A_1314, %get3A_1315] {strides = array<i32>} : memref<2x128xi32, #tpu.memory_space<vmem>>, vector<16xi32>,
        %shift_right_logical3A_1317 = arith.constant 7 : i32
        %shift_right_logical3A_1318 = vector.broadcast %shift_right_logical3A_1317 : i32 to vector<16xi32>
        %shift_right_logical3A_1319 = arith.shrui %get3A_1316, %shift_right_logical3A_1318 : vector<16xi32>
        %and3A_1320 = arith.constant 127 : i32
        %and3A_1321 = vector.broadcast %and3A_1320 : i32 to vector<16xi32>
        %and3A_1322 = arith.andi %get3A_1316, %and3A_1321 : vector<16xi32>
        tpu.vector_store_idx %arg10[%shift_right_logical3A_1319, %and3A_1322], %broadcast_in_dim3A_2 {add = true} : memref<80x128xf32, #tpu.memory_space<vmem>>[vector<16xi32>, vector<16xi32>], vector<16xf32>,
        %get3A_1323 = arith.constant 0 : i32
        %get3A_1324 = arith.index_cast %get3A_1323 : i32 to index
        %get3A_1325 = arith.constant 48 : index
        %get3A_1326 = tpu.vector_load %arg8[%get3A_1324, %get3A_1325] {strides = array<i32>} : memref<2x128xi32, #tpu.memory_space<vmem>>, vector<16xi32>,
        %shift_right_logical3A_1327 = arith.constant 7 : i32
        %shift_right_logical3A_1328 = vector.broadcast %shift_right_logical3A_1327 : i32 to vector<16xi32>
        %shift_right_logical3A_1329 = arith.shrui %get3A_1326, %shift_right_logical3A_1328 : vector<16xi32>
        %and3A_1330 = arith.constant 127 : i32
        %and3A_1331 = vector.broadcast %and3A_1330 : i32 to vector<16xi32>
        %and3A_1332 = arith.andi %get3A_1326, %and3A_1331 : vector<16xi32>
        tpu.vector_store_idx %arg10[%shift_right_logical3A_1329, %and3A_1332], %broadcast_in_dim3A_2 {add = true} : memref<80x128xf32, #tpu.memory_space<vmem>>[vector<16xi32>, vector<16xi32>], vector<16xf32>,
        %get3A_1333 = arith.constant 0 : i32
        %get3A_1334 = arith.index_cast %get3A_1333 : i32 to index
        %get3A_1335 = arith.constant 64 : index
        %get3A_1336 = tpu.vector_load %arg8[%get3A_1334, %get3A_1335] {strides = array<i32>} : memref<2x128xi32, #tpu.memory_space<vmem>>, vector<16xi32>,
        %shift_right_logical3A_1337 = arith.constant 7 : i32
        %shift_right_logical3A_1338 = vector.broadcast %shift_right_logical3A_1337 : i32 to vector<16xi32>
        %shift_right_logical3A_1339 = arith.shrui %get3A_1336, %shift_right_logical3A_1338 : vector<16xi32>
        %and3A_1340 = arith.constant 127 : i32
        %and3A_1341 = vector.broadcast %and3A_1340 : i32 to vector<16xi32>
        %and3A_1342 = arith.andi %get3A_1336, %and3A_1341 : vector<16xi32>
        tpu.vector_store_idx %arg10[%shift_right_logical3A_1339, %and3A_1342], %broadcast_in_dim3A_2 {add = true} : memref<80x128xf32, #tpu.memory_space<vmem>>[vector<16xi32>, vector<16xi32>], vector<16xf32>,
        %get3A_1343 = arith.constant 0 : i32
        %get3A_1344 = arith.index_cast %get3A_1343 : i32 to index
        %get3A_1345 = arith.constant 80 : index
        %get3A_1346 = tpu.vector_load %arg8[%get3A_1344, %get3A_1345] {strides = array<i32>} : memref<2x128xi32, #tpu.memory_space<vmem>>, vector<16xi32>,
        %shift_right_logical3A_1347 = arith.constant 7 : i32
        %shift_right_logical3A_1348 = vector.broadcast %shift_right_logical3A_1347 : i32 to vector<16xi32>
        %shift_right_logical3A_1349 = arith.shrui %get3A_1346, %shift_right_logical3A_1348 : vector<16xi32>
        %and3A_1350 = arith.constant 127 : i32
        %and3A_1351 = vector.broadcast %and3A_1350 : i32 to vector<16xi32>
        %and3A_1352 = arith.andi %get3A_1346, %and3A_1351 : vector<16xi32>
        tpu.vector_store_idx %arg10[%shift_right_logical3A_1349, %and3A_1352], %broadcast_in_dim3A_2 {add = true} : memref<80x128xf32, #tpu.memory_space<vmem>>[vector<16xi32>, vector<16xi32>], vector<16xf32>,
        %get3A_1353 = arith.constant 0 : i32
        %get3A_1354 = arith.index_cast %get3A_1353 : i32 to index
        %get3A_1355 = arith.constant 96 : index
        %get3A_1356 = tpu.vector_load %arg8[%get3A_1354, %get3A_1355] {strides = array<i32>} : memref<2x128xi32, #tpu.memory_space<vmem>>, vector<16xi32>,
        %shift_right_logical3A_1357 = arith.constant 7 : i32
        %shift_right_logical3A_1358 = vector.broadcast %shift_right_logical3A_1357 : i32 to vector<16xi32>
        %shift_right_logical3A_1359 = arith.shrui %get3A_1356, %shift_right_logical3A_1358 : vector<16xi32>
        %and3A_1360 = arith.constant 127 : i32
        %and3A_1361 = vector.broadcast %and3A_1360 : i32 to vector<16xi32>
        %and3A_1362 = arith.andi %get3A_1356, %and3A_1361 : vector<16xi32>
        tpu.vector_store_idx %arg10[%shift_right_logical3A_1359, %and3A_1362], %broadcast_in_dim3A_2 {add = true} : memref<80x128xf32, #tpu.memory_space<vmem>>[vector<16xi32>, vector<16xi32>], vector<16xf32>,
        %get3A_1363 = arith.constant 0 : i32
        %get3A_1364 = arith.index_cast %get3A_1363 : i32 to index
        %get3A_1365 = arith.constant 112 : index
        %get3A_1366 = tpu.vector_load %arg8[%get3A_1364, %get3A_1365] {strides = array<i32>} : memref<2x128xi32, #tpu.memory_space<vmem>>, vector<16xi32>,
        %shift_right_logical3A_1367 = arith.constant 7 : i32
        %shift_right_logical3A_1368 = vector.broadcast %shift_right_logical3A_1367 : i32 to vector<16xi32>
        %shift_right_logical3A_1369 = arith.shrui %get3A_1366, %shift_right_logical3A_1368 : vector<16xi32>
        %and3A_1370 = arith.constant 127 : i32
        %and3A_1371 = vector.broadcast %and3A_1370 : i32 to vector<16xi32>
        %and3A_1372 = arith.andi %get3A_1366, %and3A_1371 : vector<16xi32>
        tpu.vector_store_idx %arg10[%shift_right_logical3A_1369, %and3A_1372], %broadcast_in_dim3A_2 {add = true} : memref<80x128xf32, #tpu.memory_space<vmem>>[vector<16xi32>, vector<16xi32>], vector<16xf32>,
      } else {
      }
      %dma_start3A_440 = arith.constant 0 : i32
      %dma_start3A_441 = arith.constant 0 : i32
      %dma_start3A_442 = arith.constant 0 : i32
      %dma_start3A_443 = arith.constant 0 : i32
      %dma_start3A_444 = tpu.memref_slice %arg9[%dma_start3A_441, %dma_start3A_442, %dma_start3A_443] : memref<2x128x128xf32, #tpu.memory_space<vmem>> -> memref<1x128x128xf32, #tpu.memory_space<vmem>>
      %dma_start3A_445 = tpu.memref_squeeze %dma_start3A_444 : memref<1x128x128xf32, #tpu.memory_space<vmem>> -> memref<128x128xf32, #tpu.memory_space<vmem>>
      %dma_start3A_446 = arith.constant 0 : i32
      %dma_start3A_447 = tpu.memref_slice %arg7[%dma_start3A_440, %dma_start3A_446] : memref<2x128xi32, #tpu.memory_space<vmem>> -> memref<1x128xi32, #tpu.memory_space<vmem>>
      %dma_start3A_448 = tpu.memref_squeeze %dma_start3A_447 : memref<1x128xi32, #tpu.memory_space<vmem>> -> memref<128xi32, #tpu.memory_space<vmem>>
      %dma_start3A_449 = arith.constant 0 : i32
      %dma_start3A_450 = arith.constant 0 : i32
      %dma_start3A_451 = tpu.memref_slice %arg2[%dma_start3A_449, %dma_start3A_450] : memref<20000x128xf32, #tpu.memory_space<hbm>> -> memref<20000x128xf32, #tpu.memory_space<hbm>>
      tpu.enqueue_indirect_dma source(%dma_start3A_451 : memref<20000x128xf32, #tpu.memory_space<hbm>>) target(%dma_start3A_445 : memref<128x128xf32, #tpu.memory_space<vmem>>) offsets(%dma_start3A_448 : memref<128xi32, #tpu.memory_space<vmem>>) semaphore(%arg14 : memref<!tpu.dma_semaphore, #tpu.memory_space<semaphore_mem>>)
      %mul3A_452 = arith.constant 128 : i32
      %mul3A_453 = arith.muli %add3A_300, %mul3A_452 : i32
      %run_scoped3A_454 = arith.constant 1 : i32
      "tpu.region"() ({
        %run_scoped3A_1294 = tpu.sem_alloc : memref<!tpu.dma_semaphore, #tpu.memory_space<semaphore_mem>>
        %dma_start3A_1295 = arith.constant 0 : i32
        %dma_start3A_1296 = tpu.memref_slice %arg7[%run_scoped3A_454, %dma_start3A_1295] : memref<2x128xi32, #tpu.memory_space<vmem>> -> memref<1x128xi32, #tpu.memory_space<vmem>>
        %dma_start3A_1297 = tpu.memref_squeeze %dma_start3A_1296 : memref<1x128xi32, #tpu.memory_space<vmem>> -> memref<128xi32, #tpu.memory_space<vmem>>
        %dma_start3A_1298 = tpu.memref_slice %arg3[%mul3A_453] : memref<160000xi32, #tpu.memory_space<hbm>> -> memref<128xi32, #tpu.memory_space<hbm>>
        %dma_start3A_1299 = arith.constant 0 : i32
        %dma_start3A_1300 = tpu.memref_slice %arg7[%run_scoped3A_454, %dma_start3A_1299] : memref<2x128xi32, #tpu.memory_space<vmem>> -> memref<1x128xi32, #tpu.memory_space<vmem>>
        %dma_start3A_1301 = tpu.memref_squeeze %dma_start3A_1300 : memref<1x128xi32, #tpu.memory_space<vmem>> -> memref<128xi32, #tpu.memory_space<vmem>>
        %dma_start3A_1302 = tpu.memref_slice %arg3[%mul3A_453] : memref<160000xi32, #tpu.memory_space<hbm>> -> memref<128xi32, #tpu.memory_space<hbm>>
        tpu.enqueue_dma source(%dma_start3A_1302 : memref<128xi32, #tpu.memory_space<hbm>>) target(%dma_start3A_1301 : memref<128xi32, #tpu.memory_space<vmem>>) target_semaphore(%run_scoped3A_1294 : memref<!tpu.dma_semaphore, #tpu.memory_space<semaphore_mem>>)
        %dma_wait3A_1303 = arith.constant 0 : i32
        %dma_wait3A_1304 = tpu.memref_slice %arg7[%run_scoped3A_454, %dma_wait3A_1303] : memref<2x128xi32, #tpu.memory_space<vmem>> -> memref<1x128xi32, #tpu.memory_space<vmem>>
        %dma_wait3A_1305 = tpu.memref_squeeze %dma_wait3A_1304 : memref<1x128xi32, #tpu.memory_space<vmem>> -> memref<128xi32, #tpu.memory_space<vmem>>
        %dma_wait3A_1306 = tpu.memref_slice %arg3[%mul3A_453] : memref<160000xi32, #tpu.memory_space<hbm>> -> memref<128xi32, #tpu.memory_space<hbm>>
        %dma_wait3A_1307 = arith.constant 0 : i32
        %dma_wait3A_1308 = tpu.memref_slice %arg7[%run_scoped3A_454, %dma_wait3A_1307] : memref<2x128xi32, #tpu.memory_space<vmem>> -> memref<1x128xi32, #tpu.memory_space<vmem>>
        %dma_wait3A_1309 = tpu.memref_squeeze %dma_wait3A_1308 : memref<1x128xi32, #tpu.memory_space<vmem>> -> memref<128xi32, #tpu.memory_space<vmem>>
        %dma_wait3A_1310 = tpu.memref_slice %arg3[%mul3A_453] : memref<160000xi32, #tpu.memory_space<hbm>> -> memref<128xi32, #tpu.memory_space<hbm>>
        tpu.wait_dma2 semaphore(%run_scoped3A_1294 : memref<!tpu.dma_semaphore, #tpu.memory_space<semaphore_mem>>) src(%dma_wait3A_1310 : memref<128xi32, #tpu.memory_space<hbm>>) dst(%dma_wait3A_1309 : memref<128xi32, #tpu.memory_space<vmem>>)
        tpu.yield
      }) : () -> ()
      %run_scoped3A_455 = arith.constant 1 : i32
      "tpu.region"() ({
        %run_scoped3A_1294 = tpu.sem_alloc : memref<!tpu.dma_semaphore, #tpu.memory_space<semaphore_mem>>
        %dma_start3A_1295 = arith.constant 0 : i32
        %dma_start3A_1296 = tpu.memref_slice %arg8[%run_scoped3A_455, %dma_start3A_1295] : memref<2x128xi32, #tpu.memory_space<vmem>> -> memref<1x128xi32, #tpu.memory_space<vmem>>
        %dma_start3A_1297 = tpu.memref_squeeze %dma_start3A_1296 : memref<1x128xi32, #tpu.memory_space<vmem>> -> memref<128xi32, #tpu.memory_space<vmem>>
        %dma_start3A_1298 = tpu.memref_slice %arg4[%mul3A_453] : memref<160000xi32, #tpu.memory_space<hbm>> -> memref<128xi32, #tpu.memory_space<hbm>>
        %dma_start3A_1299 = arith.constant 0 : i32
        %dma_start3A_1300 = tpu.memref_slice %arg8[%run_scoped3A_455, %dma_start3A_1299] : memref<2x128xi32, #tpu.memory_space<vmem>> -> memref<1x128xi32, #tpu.memory_space<vmem>>
        %dma_start3A_1301 = tpu.memref_squeeze %dma_start3A_1300 : memref<1x128xi32, #tpu.memory_space<vmem>> -> memref<128xi32, #tpu.memory_space<vmem>>
        %dma_start3A_1302 = tpu.memref_slice %arg4[%mul3A_453] : memref<160000xi32, #tpu.memory_space<hbm>> -> memref<128xi32, #tpu.memory_space<hbm>>
        tpu.enqueue_dma source(%dma_start3A_1302 : memref<128xi32, #tpu.memory_space<hbm>>) target(%dma_start3A_1301 : memref<128xi32, #tpu.memory_space<vmem>>) target_semaphore(%run_scoped3A_1294 : memref<!tpu.dma_semaphore, #tpu.memory_space<semaphore_mem>>)
        %dma_wait3A_1303 = arith.constant 0 : i32
        %dma_wait3A_1304 = tpu.memref_slice %arg8[%run_scoped3A_455, %dma_wait3A_1303] : memref<2x128xi32, #tpu.memory_space<vmem>> -> memref<1x128xi32, #tpu.memory_space<vmem>>
        %dma_wait3A_1305 = tpu.memref_squeeze %dma_wait3A_1304 : memref<1x128xi32, #tpu.memory_space<vmem>> -> memref<128xi32, #tpu.memory_space<vmem>>
        %dma_wait3A_1306 = tpu.memref_slice %arg4[%mul3A_453] : memref<160000xi32, #tpu.memory_space<hbm>> -> memref<128xi32, #tpu.memory_space<hbm>>
        %dma_wait3A_1307 = arith.constant 0 : i32
        %dma_wait3A_1308 = tpu.memref_slice %arg8[%run_scoped3A_455, %dma_wait3A_1307] : memref<2x128xi32, #tpu.memory_space<vmem>> -> memref<1x128xi32, #tpu.memory_space<vmem>>
        %dma_wait3A_1309 = tpu.memref_squeeze %dma_wait3A_1308 : memref<1x128xi32, #tpu.memory_space<vmem>> -> memref<128xi32, #tpu.memory_space<vmem>>
        %dma_wait3A_1310 = tpu.memref_slice %arg4[%mul3A_453] : memref<160000xi32, #tpu.memory_space<hbm>> -> memref<128xi32, #tpu.memory_space<hbm>>
        tpu.wait_dma2 semaphore(%run_scoped3A_1294 : memref<!tpu.dma_semaphore, #tpu.memory_space<semaphore_mem>>) src(%dma_wait3A_1310 : memref<128xi32, #tpu.memory_space<hbm>>) dst(%dma_wait3A_1309 : memref<128xi32, #tpu.memory_space<vmem>>)
        tpu.yield
      }) : () -> ()
      %get3A_456 = arith.constant 1 : i32
      %get3A_457 = arith.index_cast %get3A_456 : i32 to index
      %get3A_458 = arith.constant 0 : index
      %get3A_459 = tpu.vector_load %arg7[%get3A_457, %get3A_458] {strides = array<i32>} : memref<2x128xi32, #tpu.memory_space<vmem>>, vector<16xi32>,
      %mul3A_460 = arith.constant 2 : i32
      %mul3A_461 = vector.broadcast %mul3A_460 : i32 to vector<16xi32>
      %mul3A_462 = arith.muli %get3A_459, %mul3A_461 : vector<16xi32>
      %add3A_463 = vector.broadcast %arg0 : i32 to vector<16xi32>
      %add3A_464 = arith.addi %mul3A_462, %add3A_463 : vector<16xi32>
      %swap3A_465 = arith.constant 1 : i32
      %swap3A_466 = arith.index_cast %swap3A_465 : i32 to index
      %swap3A_467 = arith.constant 0 : index
      %swap3A_468 = tpu.vector_load %arg7[%swap3A_466, %swap3A_467] {strides = array<i32>} : memref<2x128xi32, #tpu.memory_space<vmem>>, vector<16xi32>,
      tpu.vector_store %arg7[%swap3A_466, %swap3A_467], %add3A_464 {strides = array<i32>} : memref<2x128xi32, #tpu.memory_space<vmem>>, vector<16xi32>,
      %get3A_469 = arith.constant 1 : i32
      %get3A_470 = arith.index_cast %get3A_469 : i32 to index
      %get3A_471 = arith.constant 16 : index
      %get3A_472 = tpu.vector_load %arg7[%get3A_470, %get3A_471] {strides = array<i32>} : memref<2x128xi32, #tpu.memory_space<vmem>>, vector<16xi32>,
      %mul3A_473 = arith.constant 2 : i32
      %mul3A_474 = vector.broadcast %mul3A_473 : i32 to vector<16xi32>
      %mul3A_475 = arith.muli %get3A_472, %mul3A_474 : vector<16xi32>
      %add3A_476 = vector.broadcast %arg0 : i32 to vector<16xi32>
      %add3A_477 = arith.addi %mul3A_475, %add3A_476 : vector<16xi32>
      %swap3A_478 = arith.constant 1 : i32
      %swap3A_479 = arith.index_cast %swap3A_478 : i32 to index
      %swap3A_480 = arith.constant 16 : index
      %swap3A_481 = tpu.vector_load %arg7[%swap3A_479, %swap3A_480] {strides = array<i32>} : memref<2x128xi32, #tpu.memory_space<vmem>>, vector<16xi32>,
      tpu.vector_store %arg7[%swap3A_479, %swap3A_480], %add3A_477 {strides = array<i32>} : memref<2x128xi32, #tpu.memory_space<vmem>>, vector<16xi32>,
      %get3A_482 = arith.constant 1 : i32
      %get3A_483 = arith.index_cast %get3A_482 : i32 to index
      %get3A_484 = arith.constant 32 : index
      %get3A_485 = tpu.vector_load %arg7[%get3A_483, %get3A_484] {strides = array<i32>} : memref<2x128xi32, #tpu.memory_space<vmem>>, vector<16xi32>,
      %mul3A_486 = arith.constant 2 : i32
      %mul3A_487 = vector.broadcast %mul3A_486 : i32 to vector<16xi32>
      %mul3A_488 = arith.muli %get3A_485, %mul3A_487 : vector<16xi32>
      %add3A_489 = vector.broadcast %arg0 : i32 to vector<16xi32>
      %add3A_490 = arith.addi %mul3A_488, %add3A_489 : vector<16xi32>
      %swap3A_491 = arith.constant 1 : i32
      %swap3A_492 = arith.index_cast %swap3A_491 : i32 to index
      %swap3A_493 = arith.constant 32 : index
      %swap3A_494 = tpu.vector_load %arg7[%swap3A_492, %swap3A_493] {strides = array<i32>} : memref<2x128xi32, #tpu.memory_space<vmem>>, vector<16xi32>,
      tpu.vector_store %arg7[%swap3A_492, %swap3A_493], %add3A_490 {strides = array<i32>} : memref<2x128xi32, #tpu.memory_space<vmem>>, vector<16xi32>,
      %get3A_495 = arith.constant 1 : i32
      %get3A_496 = arith.index_cast %get3A_495 : i32 to index
      %get3A_497 = arith.constant 48 : index
      %get3A_498 = tpu.vector_load %arg7[%get3A_496, %get3A_497] {strides = array<i32>} : memref<2x128xi32, #tpu.memory_space<vmem>>, vector<16xi32>,
      %mul3A_499 = arith.constant 2 : i32
      %mul3A_500 = vector.broadcast %mul3A_499 : i32 to vector<16xi32>
      %mul3A_501 = arith.muli %get3A_498, %mul3A_500 : vector<16xi32>
      %add3A_502 = vector.broadcast %arg0 : i32 to vector<16xi32>
      %add3A_503 = arith.addi %mul3A_501, %add3A_502 : vector<16xi32>
      %swap3A_504 = arith.constant 1 : i32
      %swap3A_505 = arith.index_cast %swap3A_504 : i32 to index
      %swap3A_506 = arith.constant 48 : index
      %swap3A_507 = tpu.vector_load %arg7[%swap3A_505, %swap3A_506] {strides = array<i32>} : memref<2x128xi32, #tpu.memory_space<vmem>>, vector<16xi32>,
      tpu.vector_store %arg7[%swap3A_505, %swap3A_506], %add3A_503 {strides = array<i32>} : memref<2x128xi32, #tpu.memory_space<vmem>>, vector<16xi32>,
      %get3A_508 = arith.constant 1 : i32
      %get3A_509 = arith.index_cast %get3A_508 : i32 to index
      %get3A_510 = arith.constant 64 : index
      %get3A_511 = tpu.vector_load %arg7[%get3A_509, %get3A_510] {strides = array<i32>} : memref<2x128xi32, #tpu.memory_space<vmem>>, vector<16xi32>,
      %mul3A_512 = arith.constant 2 : i32
      %mul3A_513 = vector.broadcast %mul3A_512 : i32 to vector<16xi32>
      %mul3A_514 = arith.muli %get3A_511, %mul3A_513 : vector<16xi32>
      %add3A_515 = vector.broadcast %arg0 : i32 to vector<16xi32>
      %add3A_516 = arith.addi %mul3A_514, %add3A_515 : vector<16xi32>
      %swap3A_517 = arith.constant 1 : i32
      %swap3A_518 = arith.index_cast %swap3A_517 : i32 to index
      %swap3A_519 = arith.constant 64 : index
      %swap3A_520 = tpu.vector_load %arg7[%swap3A_518, %swap3A_519] {strides = array<i32>} : memref<2x128xi32, #tpu.memory_space<vmem>>, vector<16xi32>,
      tpu.vector_store %arg7[%swap3A_518, %swap3A_519], %add3A_516 {strides = array<i32>} : memref<2x128xi32, #tpu.memory_space<vmem>>, vector<16xi32>,
      %get3A_521 = arith.constant 1 : i32
      %get3A_522 = arith.index_cast %get3A_521 : i32 to index
      %get3A_523 = arith.constant 80 : index
      %get3A_524 = tpu.vector_load %arg7[%get3A_522, %get3A_523] {strides = array<i32>} : memref<2x128xi32, #tpu.memory_space<vmem>>, vector<16xi32>,
      %mul3A_525 = arith.constant 2 : i32
      %mul3A_526 = vector.broadcast %mul3A_525 : i32 to vector<16xi32>
      %mul3A_527 = arith.muli %get3A_524, %mul3A_526 : vector<16xi32>
      %add3A_528 = vector.broadcast %arg0 : i32 to vector<16xi32>
      %add3A_529 = arith.addi %mul3A_527, %add3A_528 : vector<16xi32>
      %swap3A_530 = arith.constant 1 : i32
      %swap3A_531 = arith.index_cast %swap3A_530 : i32 to index
      %swap3A_532 = arith.constant 80 : index
      %swap3A_533 = tpu.vector_load %arg7[%swap3A_531, %swap3A_532] {strides = array<i32>} : memref<2x128xi32, #tpu.memory_space<vmem>>, vector<16xi32>,
      tpu.vector_store %arg7[%swap3A_531, %swap3A_532], %add3A_529 {strides = array<i32>} : memref<2x128xi32, #tpu.memory_space<vmem>>, vector<16xi32>,
      %get3A_534 = arith.constant 1 : i32
      %get3A_535 = arith.index_cast %get3A_534 : i32 to index
      %get3A_536 = arith.constant 96 : index
      %get3A_537 = tpu.vector_load %arg7[%get3A_535, %get3A_536] {strides = array<i32>} : memref<2x128xi32, #tpu.memory_space<vmem>>, vector<16xi32>,
      %mul3A_538 = arith.constant 2 : i32
      %mul3A_539 = vector.broadcast %mul3A_538 : i32 to vector<16xi32>
      %mul3A_540 = arith.muli %get3A_537, %mul3A_539 : vector<16xi32>
      %add3A_541 = vector.broadcast %arg0 : i32 to vector<16xi32>
      %add3A_542 = arith.addi %mul3A_540, %add3A_541 : vector<16xi32>
      %swap3A_543 = arith.constant 1 : i32
      %swap3A_544 = arith.index_cast %swap3A_543 : i32 to index
      %swap3A_545 = arith.constant 96 : index
      %swap3A_546 = tpu.vector_load %arg7[%swap3A_544, %swap3A_545] {strides = array<i32>} : memref<2x128xi32, #tpu.memory_space<vmem>>, vector<16xi32>,
      tpu.vector_store %arg7[%swap3A_544, %swap3A_545], %add3A_542 {strides = array<i32>} : memref<2x128xi32, #tpu.memory_space<vmem>>, vector<16xi32>,
      %get3A_547 = arith.constant 1 : i32
      %get3A_548 = arith.index_cast %get3A_547 : i32 to index
      %get3A_549 = arith.constant 112 : index
      %get3A_550 = tpu.vector_load %arg7[%get3A_548, %get3A_549] {strides = array<i32>} : memref<2x128xi32, #tpu.memory_space<vmem>>, vector<16xi32>,
      %mul3A_551 = arith.constant 2 : i32
      %mul3A_552 = vector.broadcast %mul3A_551 : i32 to vector<16xi32>
      %mul3A_553 = arith.muli %get3A_550, %mul3A_552 : vector<16xi32>
      %add3A_554 = vector.broadcast %arg0 : i32 to vector<16xi32>
      %add3A_555 = arith.addi %mul3A_553, %add3A_554 : vector<16xi32>
      %swap3A_556 = arith.constant 1 : i32
      %swap3A_557 = arith.index_cast %swap3A_556 : i32 to index
      %swap3A_558 = arith.constant 112 : index
      %swap3A_559 = tpu.vector_load %arg7[%swap3A_557, %swap3A_558] {strides = array<i32>} : memref<2x128xi32, #tpu.memory_space<vmem>>, vector<16xi32>,
      tpu.vector_store %arg7[%swap3A_557, %swap3A_558], %add3A_555 {strides = array<i32>} : memref<2x128xi32, #tpu.memory_space<vmem>>, vector<16xi32>,
      %eq3A_560 = arith.constant 0 : i32
      %eq3A_561 = arith.cmpi eq, %arg0, %eq3A_560 : i32
      %convert_element_type3A_562 = arith.extui %eq3A_561 : i1 to i32
      %cond3A_563 = arith.constant 0 : i32
      %cond3A_564 = arith.cmpi ne, %convert_element_type3A_562, %cond3A_563 : i32
      scf.if %cond3A_564 {
        %get3A_1294 = arith.constant 1 : i32
        %get3A_1295 = arith.index_cast %get3A_1294 : i32 to index
        %get3A_1296 = arith.constant 0 : index
        %get3A_1297 = tpu.vector_load %arg8[%get3A_1295, %get3A_1296] {strides = array<i32>} : memref<2x128xi32, #tpu.memory_space<vmem>>, vector<16xi32>,
        %shift_right_logical3A = arith.constant 7 : i32
        %shift_right_logical3A_1298 = vector.broadcast %shift_right_logical3A : i32 to vector<16xi32>
        %shift_right_logical3A_1299 = arith.shrui %get3A_1297, %shift_right_logical3A_1298 : vector<16xi32>
        %and3A_1300 = arith.constant 127 : i32
        %and3A_1301 = vector.broadcast %and3A_1300 : i32 to vector<16xi32>
        %and3A_1302 = arith.andi %get3A_1297, %and3A_1301 : vector<16xi32>
        tpu.vector_store_idx %arg10[%shift_right_logical3A_1299, %and3A_1302], %broadcast_in_dim3A_2 {add = true} : memref<80x128xf32, #tpu.memory_space<vmem>>[vector<16xi32>, vector<16xi32>], vector<16xf32>,
        %get3A_1303 = arith.constant 1 : i32
        %get3A_1304 = arith.index_cast %get3A_1303 : i32 to index
        %get3A_1305 = arith.constant 16 : index
        %get3A_1306 = tpu.vector_load %arg8[%get3A_1304, %get3A_1305] {strides = array<i32>} : memref<2x128xi32, #tpu.memory_space<vmem>>, vector<16xi32>,
        %shift_right_logical3A_1307 = arith.constant 7 : i32
        %shift_right_logical3A_1308 = vector.broadcast %shift_right_logical3A_1307 : i32 to vector<16xi32>
        %shift_right_logical3A_1309 = arith.shrui %get3A_1306, %shift_right_logical3A_1308 : vector<16xi32>
        %and3A_1310 = arith.constant 127 : i32
        %and3A_1311 = vector.broadcast %and3A_1310 : i32 to vector<16xi32>
        %and3A_1312 = arith.andi %get3A_1306, %and3A_1311 : vector<16xi32>
        tpu.vector_store_idx %arg10[%shift_right_logical3A_1309, %and3A_1312], %broadcast_in_dim3A_2 {add = true} : memref<80x128xf32, #tpu.memory_space<vmem>>[vector<16xi32>, vector<16xi32>], vector<16xf32>,
        %get3A_1313 = arith.constant 1 : i32
        %get3A_1314 = arith.index_cast %get3A_1313 : i32 to index
        %get3A_1315 = arith.constant 32 : index
        %get3A_1316 = tpu.vector_load %arg8[%get3A_1314, %get3A_1315] {strides = array<i32>} : memref<2x128xi32, #tpu.memory_space<vmem>>, vector<16xi32>,
        %shift_right_logical3A_1317 = arith.constant 7 : i32
        %shift_right_logical3A_1318 = vector.broadcast %shift_right_logical3A_1317 : i32 to vector<16xi32>
        %shift_right_logical3A_1319 = arith.shrui %get3A_1316, %shift_right_logical3A_1318 : vector<16xi32>
        %and3A_1320 = arith.constant 127 : i32
        %and3A_1321 = vector.broadcast %and3A_1320 : i32 to vector<16xi32>
        %and3A_1322 = arith.andi %get3A_1316, %and3A_1321 : vector<16xi32>
        tpu.vector_store_idx %arg10[%shift_right_logical3A_1319, %and3A_1322], %broadcast_in_dim3A_2 {add = true} : memref<80x128xf32, #tpu.memory_space<vmem>>[vector<16xi32>, vector<16xi32>], vector<16xf32>,
        %get3A_1323 = arith.constant 1 : i32
        %get3A_1324 = arith.index_cast %get3A_1323 : i32 to index
        %get3A_1325 = arith.constant 48 : index
        %get3A_1326 = tpu.vector_load %arg8[%get3A_1324, %get3A_1325] {strides = array<i32>} : memref<2x128xi32, #tpu.memory_space<vmem>>, vector<16xi32>,
        %shift_right_logical3A_1327 = arith.constant 7 : i32
        %shift_right_logical3A_1328 = vector.broadcast %shift_right_logical3A_1327 : i32 to vector<16xi32>
        %shift_right_logical3A_1329 = arith.shrui %get3A_1326, %shift_right_logical3A_1328 : vector<16xi32>
        %and3A_1330 = arith.constant 127 : i32
        %and3A_1331 = vector.broadcast %and3A_1330 : i32 to vector<16xi32>
        %and3A_1332 = arith.andi %get3A_1326, %and3A_1331 : vector<16xi32>
        tpu.vector_store_idx %arg10[%shift_right_logical3A_1329, %and3A_1332], %broadcast_in_dim3A_2 {add = true} : memref<80x128xf32, #tpu.memory_space<vmem>>[vector<16xi32>, vector<16xi32>], vector<16xf32>,
        %get3A_1333 = arith.constant 1 : i32
        %get3A_1334 = arith.index_cast %get3A_1333 : i32 to index
        %get3A_1335 = arith.constant 64 : index
        %get3A_1336 = tpu.vector_load %arg8[%get3A_1334, %get3A_1335] {strides = array<i32>} : memref<2x128xi32, #tpu.memory_space<vmem>>, vector<16xi32>,
        %shift_right_logical3A_1337 = arith.constant 7 : i32
        %shift_right_logical3A_1338 = vector.broadcast %shift_right_logical3A_1337 : i32 to vector<16xi32>
        %shift_right_logical3A_1339 = arith.shrui %get3A_1336, %shift_right_logical3A_1338 : vector<16xi32>
        %and3A_1340 = arith.constant 127 : i32
        %and3A_1341 = vector.broadcast %and3A_1340 : i32 to vector<16xi32>
        %and3A_1342 = arith.andi %get3A_1336, %and3A_1341 : vector<16xi32>
        tpu.vector_store_idx %arg10[%shift_right_logical3A_1339, %and3A_1342], %broadcast_in_dim3A_2 {add = true} : memref<80x128xf32, #tpu.memory_space<vmem>>[vector<16xi32>, vector<16xi32>], vector<16xf32>,
        %get3A_1343 = arith.constant 1 : i32
        %get3A_1344 = arith.index_cast %get3A_1343 : i32 to index
        %get3A_1345 = arith.constant 80 : index
        %get3A_1346 = tpu.vector_load %arg8[%get3A_1344, %get3A_1345] {strides = array<i32>} : memref<2x128xi32, #tpu.memory_space<vmem>>, vector<16xi32>,
        %shift_right_logical3A_1347 = arith.constant 7 : i32
        %shift_right_logical3A_1348 = vector.broadcast %shift_right_logical3A_1347 : i32 to vector<16xi32>
        %shift_right_logical3A_1349 = arith.shrui %get3A_1346, %shift_right_logical3A_1348 : vector<16xi32>
        %and3A_1350 = arith.constant 127 : i32
        %and3A_1351 = vector.broadcast %and3A_1350 : i32 to vector<16xi32>
        %and3A_1352 = arith.andi %get3A_1346, %and3A_1351 : vector<16xi32>
        tpu.vector_store_idx %arg10[%shift_right_logical3A_1349, %and3A_1352], %broadcast_in_dim3A_2 {add = true} : memref<80x128xf32, #tpu.memory_space<vmem>>[vector<16xi32>, vector<16xi32>], vector<16xf32>,
        %get3A_1353 = arith.constant 1 : i32
        %get3A_1354 = arith.index_cast %get3A_1353 : i32 to index
        %get3A_1355 = arith.constant 96 : index
        %get3A_1356 = tpu.vector_load %arg8[%get3A_1354, %get3A_1355] {strides = array<i32>} : memref<2x128xi32, #tpu.memory_space<vmem>>, vector<16xi32>,
        %shift_right_logical3A_1357 = arith.constant 7 : i32
        %shift_right_logical3A_1358 = vector.broadcast %shift_right_logical3A_1357 : i32 to vector<16xi32>
        %shift_right_logical3A_1359 = arith.shrui %get3A_1356, %shift_right_logical3A_1358 : vector<16xi32>
        %and3A_1360 = arith.constant 127 : i32
        %and3A_1361 = vector.broadcast %and3A_1360 : i32 to vector<16xi32>
        %and3A_1362 = arith.andi %get3A_1356, %and3A_1361 : vector<16xi32>
        tpu.vector_store_idx %arg10[%shift_right_logical3A_1359, %and3A_1362], %broadcast_in_dim3A_2 {add = true} : memref<80x128xf32, #tpu.memory_space<vmem>>[vector<16xi32>, vector<16xi32>], vector<16xf32>,
        %get3A_1363 = arith.constant 1 : i32
        %get3A_1364 = arith.index_cast %get3A_1363 : i32 to index
        %get3A_1365 = arith.constant 112 : index
        %get3A_1366 = tpu.vector_load %arg8[%get3A_1364, %get3A_1365] {strides = array<i32>} : memref<2x128xi32, #tpu.memory_space<vmem>>, vector<16xi32>,
        %shift_right_logical3A_1367 = arith.constant 7 : i32
        %shift_right_logical3A_1368 = vector.broadcast %shift_right_logical3A_1367 : i32 to vector<16xi32>
        %shift_right_logical3A_1369 = arith.shrui %get3A_1366, %shift_right_logical3A_1368 : vector<16xi32>
        %and3A_1370 = arith.constant 127 : i32
        %and3A_1371 = vector.broadcast %and3A_1370 : i32 to vector<16xi32>
        %and3A_1372 = arith.andi %get3A_1366, %and3A_1371 : vector<16xi32>
        tpu.vector_store_idx %arg10[%shift_right_logical3A_1369, %and3A_1372], %broadcast_in_dim3A_2 {add = true} : memref<80x128xf32, #tpu.memory_space<vmem>>[vector<16xi32>, vector<16xi32>], vector<16xf32>,
      } else {
      }
      %dma_wait3A_565 = arith.constant 0 : i32
      %dma_wait3A_566 = arith.constant 0 : i32
      %dma_wait3A_567 = arith.constant 0 : i32
      %dma_wait3A_568 = arith.constant 0 : i32
      %dma_wait3A_569 = tpu.memref_slice %arg9[%dma_wait3A_566, %dma_wait3A_567, %dma_wait3A_568] : memref<2x128x128xf32, #tpu.memory_space<vmem>> -> memref<1x128x128xf32, #tpu.memory_space<vmem>>
      %dma_wait3A_570 = tpu.memref_squeeze %dma_wait3A_569 : memref<1x128x128xf32, #tpu.memory_space<vmem>> -> memref<128x128xf32, #tpu.memory_space<vmem>>
      %dma_wait3A_571 = arith.constant 0 : i32
      %dma_wait3A_572 = tpu.memref_slice %arg7[%dma_wait3A_565, %dma_wait3A_571] : memref<2x128xi32, #tpu.memory_space<vmem>> -> memref<1x128xi32, #tpu.memory_space<vmem>>
      %dma_wait3A_573 = tpu.memref_squeeze %dma_wait3A_572 : memref<1x128xi32, #tpu.memory_space<vmem>> -> memref<128xi32, #tpu.memory_space<vmem>>
      %dma_wait3A_574 = arith.constant 0 : i32
      %dma_wait3A_575 = arith.constant 0 : i32
      %dma_wait3A_576 = tpu.memref_slice %arg2[%dma_wait3A_574, %dma_wait3A_575] : memref<20000x128xf32, #tpu.memory_space<hbm>> -> memref<20000x128xf32, #tpu.memory_space<hbm>>
      tpu.wait_indirect_dma semaphore(%arg14 : memref<!tpu.dma_semaphore, #tpu.memory_space<semaphore_mem>>) src(%dma_wait3A_576 : memref<20000x128xf32, #tpu.memory_space<hbm>>) dst(%dma_wait3A_570 : memref<128x128xf32, #tpu.memory_space<vmem>>)
      %dma_start3A_577 = arith.constant 0 : i32
      %dma_start3A_578 = arith.constant 0 : i32
      %dma_start3A_579 = arith.constant 0 : i32
      %dma_start3A_580 = arith.constant 0 : i32
      %dma_start3A_581 = tpu.memref_slice %arg9[%dma_start3A_577, %dma_start3A_579, %dma_start3A_580] : memref<2x128x128xf32, #tpu.memory_space<vmem>> -> memref<1x128x128xf32, #tpu.memory_space<vmem>>
      %dma_start3A_582 = tpu.memref_squeeze %dma_start3A_581 : memref<1x128x128xf32, #tpu.memory_space<vmem>> -> memref<128x128xf32, #tpu.memory_space<vmem>>
      %dma_start3A_583 = arith.constant 0 : i32
      %dma_start3A_584 = tpu.memref_slice %arg8[%dma_start3A_578, %dma_start3A_583] : memref<2x128xi32, #tpu.memory_space<vmem>> -> memref<1x128xi32, #tpu.memory_space<vmem>>
      %dma_start3A_585 = tpu.memref_squeeze %dma_start3A_584 : memref<1x128xi32, #tpu.memory_space<vmem>> -> memref<128xi32, #tpu.memory_space<vmem>>
      %dma_start3A_586 = arith.constant 0 : i32
      %dma_start3A_587 = arith.constant 0 : i32
      %dma_start3A_588 = tpu.memref_slice %arg12[%dma_start3A_586, %dma_start3A_587] : memref<10240x128xf32, #tpu.memory_space<vmem_shared>> -> memref<10240x128xf32, #tpu.memory_space<vmem_shared>>
      tpu.enqueue_indirect_dma source(%dma_start3A_582 : memref<128x128xf32, #tpu.memory_space<vmem>>) target(%dma_start3A_588 : memref<10240x128xf32, #tpu.memory_space<vmem_shared>>) offsets(%dma_start3A_585 : memref<128xi32, #tpu.memory_space<vmem>>) semaphore(%arg15 : memref<!tpu.dma_semaphore, #tpu.memory_space<semaphore_mem>>) {add = true}
      %dma_start3A_589 = arith.constant 1 : i32
      %dma_start3A_590 = arith.constant 1 : i32
      %dma_start3A_591 = arith.constant 0 : i32
      %dma_start3A_592 = arith.constant 0 : i32
      %dma_start3A_593 = tpu.memref_slice %arg9[%dma_start3A_590, %dma_start3A_591, %dma_start3A_592] : memref<2x128x128xf32, #tpu.memory_space<vmem>> -> memref<1x128x128xf32, #tpu.memory_space<vmem>>
      %dma_start3A_594 = tpu.memref_squeeze %dma_start3A_593 : memref<1x128x128xf32, #tpu.memory_space<vmem>> -> memref<128x128xf32, #tpu.memory_space<vmem>>
      %dma_start3A_595 = arith.constant 0 : i32
      %dma_start3A_596 = tpu.memref_slice %arg7[%dma_start3A_589, %dma_start3A_595] : memref<2x128xi32, #tpu.memory_space<vmem>> -> memref<1x128xi32, #tpu.memory_space<vmem>>
      %dma_start3A_597 = tpu.memref_squeeze %dma_start3A_596 : memref<1x128xi32, #tpu.memory_space<vmem>> -> memref<128xi32, #tpu.memory_space<vmem>>
      %dma_start3A_598 = arith.constant 0 : i32
      %dma_start3A_599 = arith.constant 0 : i32
      %dma_start3A_600 = tpu.memref_slice %arg2[%dma_start3A_598, %dma_start3A_599] : memref<20000x128xf32, #tpu.memory_space<hbm>> -> memref<20000x128xf32, #tpu.memory_space<hbm>>
      tpu.enqueue_indirect_dma source(%dma_start3A_600 : memref<20000x128xf32, #tpu.memory_space<hbm>>) target(%dma_start3A_594 : memref<128x128xf32, #tpu.memory_space<vmem>>) offsets(%dma_start3A_597 : memref<128xi32, #tpu.memory_space<vmem>>) semaphore(%arg14 : memref<!tpu.dma_semaphore, #tpu.memory_space<semaphore_mem>>)
      %dma_wait3A_601 = arith.constant 0 : i32
      %dma_wait3A_602 = arith.constant 0 : i32
      %dma_wait3A_603 = arith.constant 0 : i32
      %dma_wait3A_604 = arith.constant 0 : i32
      %dma_wait3A_605 = tpu.memref_slice %arg9[%dma_wait3A_601, %dma_wait3A_603, %dma_wait3A_604] : memref<2x128x128xf32, #tpu.memory_space<vmem>> -> memref<1x128x128xf32, #tpu.memory_space<vmem>>
      %dma_wait3A_606 = tpu.memref_squeeze %dma_wait3A_605 : memref<1x128x128xf32, #tpu.memory_space<vmem>> -> memref<128x128xf32, #tpu.memory_space<vmem>>
      %dma_wait3A_607 = arith.constant 0 : i32
      %dma_wait3A_608 = tpu.memref_slice %arg8[%dma_wait3A_602, %dma_wait3A_607] : memref<2x128xi32, #tpu.memory_space<vmem>> -> memref<1x128xi32, #tpu.memory_space<vmem>>
      %dma_wait3A_609 = tpu.memref_squeeze %dma_wait3A_608 : memref<1x128xi32, #tpu.memory_space<vmem>> -> memref<128xi32, #tpu.memory_space<vmem>>
      %dma_wait3A_610 = arith.constant 0 : i32
      %dma_wait3A_611 = arith.constant 0 : i32
      %dma_wait3A_612 = tpu.memref_slice %arg12[%dma_wait3A_610, %dma_wait3A_611] : memref<10240x128xf32, #tpu.memory_space<vmem_shared>> -> memref<10240x128xf32, #tpu.memory_space<vmem_shared>>
      tpu.wait_indirect_dma semaphore(%arg15 : memref<!tpu.dma_semaphore, #tpu.memory_space<semaphore_mem>>) src(%dma_wait3A_606 : memref<128x128xf32, #tpu.memory_space<vmem>>) dst(%dma_wait3A_612 : memref<10240x128xf32, #tpu.memory_space<vmem_shared>>)
      %mul3A_613 = arith.constant 128 : i32
      %mul3A_614 = arith.muli %add3A_307, %mul3A_613 : i32
      %run_scoped3A_615 = arith.constant 0 : i32
      "tpu.region"() ({
        %run_scoped3A_1294 = tpu.sem_alloc : memref<!tpu.dma_semaphore, #tpu.memory_space<semaphore_mem>>
        %dma_start3A_1295 = arith.constant 0 : i32
        %dma_start3A_1296 = tpu.memref_slice %arg7[%run_scoped3A_615, %dma_start3A_1295] : memref<2x128xi32, #tpu.memory_space<vmem>> -> memref<1x128xi32, #tpu.memory_space<vmem>>
        %dma_start3A_1297 = tpu.memref_squeeze %dma_start3A_1296 : memref<1x128xi32, #tpu.memory_space<vmem>> -> memref<128xi32, #tpu.memory_space<vmem>>
        %dma_start3A_1298 = tpu.memref_slice %arg3[%mul3A_614] : memref<160000xi32, #tpu.memory_space<hbm>> -> memref<128xi32, #tpu.memory_space<hbm>>
        %dma_start3A_1299 = arith.constant 0 : i32
        %dma_start3A_1300 = tpu.memref_slice %arg7[%run_scoped3A_615, %dma_start3A_1299] : memref<2x128xi32, #tpu.memory_space<vmem>> -> memref<1x128xi32, #tpu.memory_space<vmem>>
        %dma_start3A_1301 = tpu.memref_squeeze %dma_start3A_1300 : memref<1x128xi32, #tpu.memory_space<vmem>> -> memref<128xi32, #tpu.memory_space<vmem>>
        %dma_start3A_1302 = tpu.memref_slice %arg3[%mul3A_614] : memref<160000xi32, #tpu.memory_space<hbm>> -> memref<128xi32, #tpu.memory_space<hbm>>
        tpu.enqueue_dma source(%dma_start3A_1302 : memref<128xi32, #tpu.memory_space<hbm>>) target(%dma_start3A_1301 : memref<128xi32, #tpu.memory_space<vmem>>) target_semaphore(%run_scoped3A_1294 : memref<!tpu.dma_semaphore, #tpu.memory_space<semaphore_mem>>)
        %dma_wait3A_1303 = arith.constant 0 : i32
        %dma_wait3A_1304 = tpu.memref_slice %arg7[%run_scoped3A_615, %dma_wait3A_1303] : memref<2x128xi32, #tpu.memory_space<vmem>> -> memref<1x128xi32, #tpu.memory_space<vmem>>
        %dma_wait3A_1305 = tpu.memref_squeeze %dma_wait3A_1304 : memref<1x128xi32, #tpu.memory_space<vmem>> -> memref<128xi32, #tpu.memory_space<vmem>>
        %dma_wait3A_1306 = tpu.memref_slice %arg3[%mul3A_614] : memref<160000xi32, #tpu.memory_space<hbm>> -> memref<128xi32, #tpu.memory_space<hbm>>
        %dma_wait3A_1307 = arith.constant 0 : i32
        %dma_wait3A_1308 = tpu.memref_slice %arg7[%run_scoped3A_615, %dma_wait3A_1307] : memref<2x128xi32, #tpu.memory_space<vmem>> -> memref<1x128xi32, #tpu.memory_space<vmem>>
        %dma_wait3A_1309 = tpu.memref_squeeze %dma_wait3A_1308 : memref<1x128xi32, #tpu.memory_space<vmem>> -> memref<128xi32, #tpu.memory_space<vmem>>
        %dma_wait3A_1310 = tpu.memref_slice %arg3[%mul3A_614] : memref<160000xi32, #tpu.memory_space<hbm>> -> memref<128xi32, #tpu.memory_space<hbm>>
        tpu.wait_dma2 semaphore(%run_scoped3A_1294 : memref<!tpu.dma_semaphore, #tpu.memory_space<semaphore_mem>>) src(%dma_wait3A_1310 : memref<128xi32, #tpu.memory_space<hbm>>) dst(%dma_wait3A_1309 : memref<128xi32, #tpu.memory_space<vmem>>)
        tpu.yield
      }) : () -> ()
      %run_scoped3A_616 = arith.constant 0 : i32
      "tpu.region"() ({
        %run_scoped3A_1294 = tpu.sem_alloc : memref<!tpu.dma_semaphore, #tpu.memory_space<semaphore_mem>>
        %dma_start3A_1295 = arith.constant 0 : i32
        %dma_start3A_1296 = tpu.memref_slice %arg8[%run_scoped3A_616, %dma_start3A_1295] : memref<2x128xi32, #tpu.memory_space<vmem>> -> memref<1x128xi32, #tpu.memory_space<vmem>>
        %dma_start3A_1297 = tpu.memref_squeeze %dma_start3A_1296 : memref<1x128xi32, #tpu.memory_space<vmem>> -> memref<128xi32, #tpu.memory_space<vmem>>
        %dma_start3A_1298 = tpu.memref_slice %arg4[%mul3A_614] : memref<160000xi32, #tpu.memory_space<hbm>> -> memref<128xi32, #tpu.memory_space<hbm>>
        %dma_start3A_1299 = arith.constant 0 : i32
        %dma_start3A_1300 = tpu.memref_slice %arg8[%run_scoped3A_616, %dma_start3A_1299] : memref<2x128xi32, #tpu.memory_space<vmem>> -> memref<1x128xi32, #tpu.memory_space<vmem>>
        %dma_start3A_1301 = tpu.memref_squeeze %dma_start3A_1300 : memref<1x128xi32, #tpu.memory_space<vmem>> -> memref<128xi32, #tpu.memory_space<vmem>>
        %dma_start3A_1302 = tpu.memref_slice %arg4[%mul3A_614] : memref<160000xi32, #tpu.memory_space<hbm>> -> memref<128xi32, #tpu.memory_space<hbm>>
        tpu.enqueue_dma source(%dma_start3A_1302 : memref<128xi32, #tpu.memory_space<hbm>>) target(%dma_start3A_1301 : memref<128xi32, #tpu.memory_space<vmem>>) target_semaphore(%run_scoped3A_1294 : memref<!tpu.dma_semaphore, #tpu.memory_space<semaphore_mem>>)
        %dma_wait3A_1303 = arith.constant 0 : i32
        %dma_wait3A_1304 = tpu.memref_slice %arg8[%run_scoped3A_616, %dma_wait3A_1303] : memref<2x128xi32, #tpu.memory_space<vmem>> -> memref<1x128xi32, #tpu.memory_space<vmem>>
        %dma_wait3A_1305 = tpu.memref_squeeze %dma_wait3A_1304 : memref<1x128xi32, #tpu.memory_space<vmem>> -> memref<128xi32, #tpu.memory_space<vmem>>
        %dma_wait3A_1306 = tpu.memref_slice %arg4[%mul3A_614] : memref<160000xi32, #tpu.memory_space<hbm>> -> memref<128xi32, #tpu.memory_space<hbm>>
        %dma_wait3A_1307 = arith.constant 0 : i32
        %dma_wait3A_1308 = tpu.memref_slice %arg8[%run_scoped3A_616, %dma_wait3A_1307] : memref<2x128xi32, #tpu.memory_space<vmem>> -> memref<1x128xi32, #tpu.memory_space<vmem>>
        %dma_wait3A_1309 = tpu.memref_squeeze %dma_wait3A_1308 : memref<1x128xi32, #tpu.memory_space<vmem>> -> memref<128xi32, #tpu.memory_space<vmem>>
        %dma_wait3A_1310 = tpu.memref_slice %arg4[%mul3A_614] : memref<160000xi32, #tpu.memory_space<hbm>> -> memref<128xi32, #tpu.memory_space<hbm>>
        tpu.wait_dma2 semaphore(%run_scoped3A_1294 : memref<!tpu.dma_semaphore, #tpu.memory_space<semaphore_mem>>) src(%dma_wait3A_1310 : memref<128xi32, #tpu.memory_space<hbm>>) dst(%dma_wait3A_1309 : memref<128xi32, #tpu.memory_space<vmem>>)
        tpu.yield
      }) : () -> ()
      %get3A_617 = arith.constant 0 : i32
      %get3A_618 = arith.index_cast %get3A_617 : i32 to index
      %get3A_619 = arith.constant 0 : index
      %get3A_620 = tpu.vector_load %arg7[%get3A_618, %get3A_619] {strides = array<i32>} : memref<2x128xi32, #tpu.memory_space<vmem>>, vector<16xi32>,
      %mul3A_621 = arith.constant 2 : i32
      %mul3A_622 = vector.broadcast %mul3A_621 : i32 to vector<16xi32>
      %mul3A_623 = arith.muli %get3A_620, %mul3A_622 : vector<16xi32>
      %add3A_624 = vector.broadcast %arg0 : i32 to vector<16xi32>
      %add3A_625 = arith.addi %mul3A_623, %add3A_624 : vector<16xi32>
      %swap3A_626 = arith.constant 0 : i32
      %swap3A_627 = arith.index_cast %swap3A_626 : i32 to index
      %swap3A_628 = arith.constant 0 : index
      %swap3A_629 = tpu.vector_load %arg7[%swap3A_627, %swap3A_628] {strides = array<i32>} : memref<2x128xi32, #tpu.memory_space<vmem>>, vector<16xi32>,
      tpu.vector_store %arg7[%swap3A_627, %swap3A_628], %add3A_625 {strides = array<i32>} : memref<2x128xi32, #tpu.memory_space<vmem>>, vector<16xi32>,
      %get3A_630 = arith.constant 0 : i32
      %get3A_631 = arith.index_cast %get3A_630 : i32 to index
      %get3A_632 = arith.constant 16 : index
      %get3A_633 = tpu.vector_load %arg7[%get3A_631, %get3A_632] {strides = array<i32>} : memref<2x128xi32, #tpu.memory_space<vmem>>, vector<16xi32>,
      %mul3A_634 = arith.constant 2 : i32
      %mul3A_635 = vector.broadcast %mul3A_634 : i32 to vector<16xi32>
      %mul3A_636 = arith.muli %get3A_633, %mul3A_635 : vector<16xi32>
      %add3A_637 = vector.broadcast %arg0 : i32 to vector<16xi32>
      %add3A_638 = arith.addi %mul3A_636, %add3A_637 : vector<16xi32>
      %swap3A_639 = arith.constant 0 : i32
      %swap3A_640 = arith.index_cast %swap3A_639 : i32 to index
      %swap3A_641 = arith.constant 16 : index
      %swap3A_642 = tpu.vector_load %arg7[%swap3A_640, %swap3A_641] {strides = array<i32>} : memref<2x128xi32, #tpu.memory_space<vmem>>, vector<16xi32>,
      tpu.vector_store %arg7[%swap3A_640, %swap3A_641], %add3A_638 {strides = array<i32>} : memref<2x128xi32, #tpu.memory_space<vmem>>, vector<16xi32>,
      %get3A_643 = arith.constant 0 : i32
      %get3A_644 = arith.index_cast %get3A_643 : i32 to index
      %get3A_645 = arith.constant 32 : index
      %get3A_646 = tpu.vector_load %arg7[%get3A_644, %get3A_645] {strides = array<i32>} : memref<2x128xi32, #tpu.memory_space<vmem>>, vector<16xi32>,
      %mul3A_647 = arith.constant 2 : i32
      %mul3A_648 = vector.broadcast %mul3A_647 : i32 to vector<16xi32>
      %mul3A_649 = arith.muli %get3A_646, %mul3A_648 : vector<16xi32>
      %add3A_650 = vector.broadcast %arg0 : i32 to vector<16xi32>
      %add3A_651 = arith.addi %mul3A_649, %add3A_650 : vector<16xi32>
      %swap3A_652 = arith.constant 0 : i32
      %swap3A_653 = arith.index_cast %swap3A_652 : i32 to index
      %swap3A_654 = arith.constant 32 : index
      %swap3A_655 = tpu.vector_load %arg7[%swap3A_653, %swap3A_654] {strides = array<i32>} : memref<2x128xi32, #tpu.memory_space<vmem>>, vector<16xi32>,
      tpu.vector_store %arg7[%swap3A_653, %swap3A_654], %add3A_651 {strides = array<i32>} : memref<2x128xi32, #tpu.memory_space<vmem>>, vector<16xi32>,
      %get3A_656 = arith.constant 0 : i32
      %get3A_657 = arith.index_cast %get3A_656 : i32 to index
      %get3A_658 = arith.constant 48 : index
      %get3A_659 = tpu.vector_load %arg7[%get3A_657, %get3A_658] {strides = array<i32>} : memref<2x128xi32, #tpu.memory_space<vmem>>, vector<16xi32>,
      %mul3A_660 = arith.constant 2 : i32
      %mul3A_661 = vector.broadcast %mul3A_660 : i32 to vector<16xi32>
      %mul3A_662 = arith.muli %get3A_659, %mul3A_661 : vector<16xi32>
      %add3A_663 = vector.broadcast %arg0 : i32 to vector<16xi32>
      %add3A_664 = arith.addi %mul3A_662, %add3A_663 : vector<16xi32>
      %swap3A_665 = arith.constant 0 : i32
      %swap3A_666 = arith.index_cast %swap3A_665 : i32 to index
      %swap3A_667 = arith.constant 48 : index
      %swap3A_668 = tpu.vector_load %arg7[%swap3A_666, %swap3A_667] {strides = array<i32>} : memref<2x128xi32, #tpu.memory_space<vmem>>, vector<16xi32>,
      tpu.vector_store %arg7[%swap3A_666, %swap3A_667], %add3A_664 {strides = array<i32>} : memref<2x128xi32, #tpu.memory_space<vmem>>, vector<16xi32>,
      %get3A_669 = arith.constant 0 : i32
      %get3A_670 = arith.index_cast %get3A_669 : i32 to index
      %get3A_671 = arith.constant 64 : index
      %get3A_672 = tpu.vector_load %arg7[%get3A_670, %get3A_671] {strides = array<i32>} : memref<2x128xi32, #tpu.memory_space<vmem>>, vector<16xi32>,
      %mul3A_673 = arith.constant 2 : i32
      %mul3A_674 = vector.broadcast %mul3A_673 : i32 to vector<16xi32>
      %mul3A_675 = arith.muli %get3A_672, %mul3A_674 : vector<16xi32>
      %add3A_676 = vector.broadcast %arg0 : i32 to vector<16xi32>
      %add3A_677 = arith.addi %mul3A_675, %add3A_676 : vector<16xi32>
      %swap3A_678 = arith.constant 0 : i32
      %swap3A_679 = arith.index_cast %swap3A_678 : i32 to index
      %swap3A_680 = arith.constant 64 : index
      %swap3A_681 = tpu.vector_load %arg7[%swap3A_679, %swap3A_680] {strides = array<i32>} : memref<2x128xi32, #tpu.memory_space<vmem>>, vector<16xi32>,
      tpu.vector_store %arg7[%swap3A_679, %swap3A_680], %add3A_677 {strides = array<i32>} : memref<2x128xi32, #tpu.memory_space<vmem>>, vector<16xi32>,
      %get3A_682 = arith.constant 0 : i32
      %get3A_683 = arith.index_cast %get3A_682 : i32 to index
      %get3A_684 = arith.constant 80 : index
      %get3A_685 = tpu.vector_load %arg7[%get3A_683, %get3A_684] {strides = array<i32>} : memref<2x128xi32, #tpu.memory_space<vmem>>, vector<16xi32>,
      %mul3A_686 = arith.constant 2 : i32
      %mul3A_687 = vector.broadcast %mul3A_686 : i32 to vector<16xi32>
      %mul3A_688 = arith.muli %get3A_685, %mul3A_687 : vector<16xi32>
      %add3A_689 = vector.broadcast %arg0 : i32 to vector<16xi32>
      %add3A_690 = arith.addi %mul3A_688, %add3A_689 : vector<16xi32>
      %swap3A_691 = arith.constant 0 : i32
      %swap3A_692 = arith.index_cast %swap3A_691 : i32 to index
      %swap3A_693 = arith.constant 80 : index
      %swap3A_694 = tpu.vector_load %arg7[%swap3A_692, %swap3A_693] {strides = array<i32>} : memref<2x128xi32, #tpu.memory_space<vmem>>, vector<16xi32>,
      tpu.vector_store %arg7[%swap3A_692, %swap3A_693], %add3A_690 {strides = array<i32>} : memref<2x128xi32, #tpu.memory_space<vmem>>, vector<16xi32>,
      %get3A_695 = arith.constant 0 : i32
      %get3A_696 = arith.index_cast %get3A_695 : i32 to index
      %get3A_697 = arith.constant 96 : index
      %get3A_698 = tpu.vector_load %arg7[%get3A_696, %get3A_697] {strides = array<i32>} : memref<2x128xi32, #tpu.memory_space<vmem>>, vector<16xi32>,
      %mul3A_699 = arith.constant 2 : i32
      %mul3A_700 = vector.broadcast %mul3A_699 : i32 to vector<16xi32>
      %mul3A_701 = arith.muli %get3A_698, %mul3A_700 : vector<16xi32>
      %add3A_702 = vector.broadcast %arg0 : i32 to vector<16xi32>
      %add3A_703 = arith.addi %mul3A_701, %add3A_702 : vector<16xi32>
      %swap3A_704 = arith.constant 0 : i32
      %swap3A_705 = arith.index_cast %swap3A_704 : i32 to index
      %swap3A_706 = arith.constant 96 : index
      %swap3A_707 = tpu.vector_load %arg7[%swap3A_705, %swap3A_706] {strides = array<i32>} : memref<2x128xi32, #tpu.memory_space<vmem>>, vector<16xi32>,
      tpu.vector_store %arg7[%swap3A_705, %swap3A_706], %add3A_703 {strides = array<i32>} : memref<2x128xi32, #tpu.memory_space<vmem>>, vector<16xi32>,
      %get3A_708 = arith.constant 0 : i32
      %get3A_709 = arith.index_cast %get3A_708 : i32 to index
      %get3A_710 = arith.constant 112 : index
      %get3A_711 = tpu.vector_load %arg7[%get3A_709, %get3A_710] {strides = array<i32>} : memref<2x128xi32, #tpu.memory_space<vmem>>, vector<16xi32>,
      %mul3A_712 = arith.constant 2 : i32
      %mul3A_713 = vector.broadcast %mul3A_712 : i32 to vector<16xi32>
      %mul3A_714 = arith.muli %get3A_711, %mul3A_713 : vector<16xi32>
      %add3A_715 = vector.broadcast %arg0 : i32 to vector<16xi32>
      %add3A_716 = arith.addi %mul3A_714, %add3A_715 : vector<16xi32>
      %swap3A_717 = arith.constant 0 : i32
      %swap3A_718 = arith.index_cast %swap3A_717 : i32 to index
      %swap3A_719 = arith.constant 112 : index
      %swap3A_720 = tpu.vector_load %arg7[%swap3A_718, %swap3A_719] {strides = array<i32>} : memref<2x128xi32, #tpu.memory_space<vmem>>, vector<16xi32>,
      tpu.vector_store %arg7[%swap3A_718, %swap3A_719], %add3A_716 {strides = array<i32>} : memref<2x128xi32, #tpu.memory_space<vmem>>, vector<16xi32>,
      %eq3A_721 = arith.constant 0 : i32
      %eq3A_722 = arith.cmpi eq, %arg0, %eq3A_721 : i32
      %convert_element_type3A_723 = arith.extui %eq3A_722 : i1 to i32
      %cond3A_724 = arith.constant 0 : i32
      %cond3A_725 = arith.cmpi ne, %convert_element_type3A_723, %cond3A_724 : i32
      scf.if %cond3A_725 {
        %get3A_1294 = arith.constant 0 : i32
        %get3A_1295 = arith.index_cast %get3A_1294 : i32 to index
        %get3A_1296 = arith.constant 0 : index
        %get3A_1297 = tpu.vector_load %arg8[%get3A_1295, %get3A_1296] {strides = array<i32>} : memref<2x128xi32, #tpu.memory_space<vmem>>, vector<16xi32>,
        %shift_right_logical3A = arith.constant 7 : i32
        %shift_right_logical3A_1298 = vector.broadcast %shift_right_logical3A : i32 to vector<16xi32>
        %shift_right_logical3A_1299 = arith.shrui %get3A_1297, %shift_right_logical3A_1298 : vector<16xi32>
        %and3A_1300 = arith.constant 127 : i32
        %and3A_1301 = vector.broadcast %and3A_1300 : i32 to vector<16xi32>
        %and3A_1302 = arith.andi %get3A_1297, %and3A_1301 : vector<16xi32>
        tpu.vector_store_idx %arg10[%shift_right_logical3A_1299, %and3A_1302], %broadcast_in_dim3A_2 {add = true} : memref<80x128xf32, #tpu.memory_space<vmem>>[vector<16xi32>, vector<16xi32>], vector<16xf32>,
        %get3A_1303 = arith.constant 0 : i32
        %get3A_1304 = arith.index_cast %get3A_1303 : i32 to index
        %get3A_1305 = arith.constant 16 : index
        %get3A_1306 = tpu.vector_load %arg8[%get3A_1304, %get3A_1305] {strides = array<i32>} : memref<2x128xi32, #tpu.memory_space<vmem>>, vector<16xi32>,
        %shift_right_logical3A_1307 = arith.constant 7 : i32
        %shift_right_logical3A_1308 = vector.broadcast %shift_right_logical3A_1307 : i32 to vector<16xi32>
        %shift_right_logical3A_1309 = arith.shrui %get3A_1306, %shift_right_logical3A_1308 : vector<16xi32>
        %and3A_1310 = arith.constant 127 : i32
        %and3A_1311 = vector.broadcast %and3A_1310 : i32 to vector<16xi32>
        %and3A_1312 = arith.andi %get3A_1306, %and3A_1311 : vector<16xi32>
        tpu.vector_store_idx %arg10[%shift_right_logical3A_1309, %and3A_1312], %broadcast_in_dim3A_2 {add = true} : memref<80x128xf32, #tpu.memory_space<vmem>>[vector<16xi32>, vector<16xi32>], vector<16xf32>,
        %get3A_1313 = arith.constant 0 : i32
        %get3A_1314 = arith.index_cast %get3A_1313 : i32 to index
        %get3A_1315 = arith.constant 32 : index
        %get3A_1316 = tpu.vector_load %arg8[%get3A_1314, %get3A_1315] {strides = array<i32>} : memref<2x128xi32, #tpu.memory_space<vmem>>, vector<16xi32>,
        %shift_right_logical3A_1317 = arith.constant 7 : i32
        %shift_right_logical3A_1318 = vector.broadcast %shift_right_logical3A_1317 : i32 to vector<16xi32>
        %shift_right_logical3A_1319 = arith.shrui %get3A_1316, %shift_right_logical3A_1318 : vector<16xi32>
        %and3A_1320 = arith.constant 127 : i32
        %and3A_1321 = vector.broadcast %and3A_1320 : i32 to vector<16xi32>
        %and3A_1322 = arith.andi %get3A_1316, %and3A_1321 : vector<16xi32>
        tpu.vector_store_idx %arg10[%shift_right_logical3A_1319, %and3A_1322], %broadcast_in_dim3A_2 {add = true} : memref<80x128xf32, #tpu.memory_space<vmem>>[vector<16xi32>, vector<16xi32>], vector<16xf32>,
        %get3A_1323 = arith.constant 0 : i32
        %get3A_1324 = arith.index_cast %get3A_1323 : i32 to index
        %get3A_1325 = arith.constant 48 : index
        %get3A_1326 = tpu.vector_load %arg8[%get3A_1324, %get3A_1325] {strides = array<i32>} : memref<2x128xi32, #tpu.memory_space<vmem>>, vector<16xi32>,
        %shift_right_logical3A_1327 = arith.constant 7 : i32
        %shift_right_logical3A_1328 = vector.broadcast %shift_right_logical3A_1327 : i32 to vector<16xi32>
        %shift_right_logical3A_1329 = arith.shrui %get3A_1326, %shift_right_logical3A_1328 : vector<16xi32>
        %and3A_1330 = arith.constant 127 : i32
        %and3A_1331 = vector.broadcast %and3A_1330 : i32 to vector<16xi32>
        %and3A_1332 = arith.andi %get3A_1326, %and3A_1331 : vector<16xi32>
        tpu.vector_store_idx %arg10[%shift_right_logical3A_1329, %and3A_1332], %broadcast_in_dim3A_2 {add = true} : memref<80x128xf32, #tpu.memory_space<vmem>>[vector<16xi32>, vector<16xi32>], vector<16xf32>,
        %get3A_1333 = arith.constant 0 : i32
        %get3A_1334 = arith.index_cast %get3A_1333 : i32 to index
        %get3A_1335 = arith.constant 64 : index
        %get3A_1336 = tpu.vector_load %arg8[%get3A_1334, %get3A_1335] {strides = array<i32>} : memref<2x128xi32, #tpu.memory_space<vmem>>, vector<16xi32>,
        %shift_right_logical3A_1337 = arith.constant 7 : i32
        %shift_right_logical3A_1338 = vector.broadcast %shift_right_logical3A_1337 : i32 to vector<16xi32>
        %shift_right_logical3A_1339 = arith.shrui %get3A_1336, %shift_right_logical3A_1338 : vector<16xi32>
        %and3A_1340 = arith.constant 127 : i32
        %and3A_1341 = vector.broadcast %and3A_1340 : i32 to vector<16xi32>
        %and3A_1342 = arith.andi %get3A_1336, %and3A_1341 : vector<16xi32>
        tpu.vector_store_idx %arg10[%shift_right_logical3A_1339, %and3A_1342], %broadcast_in_dim3A_2 {add = true} : memref<80x128xf32, #tpu.memory_space<vmem>>[vector<16xi32>, vector<16xi32>], vector<16xf32>,
        %get3A_1343 = arith.constant 0 : i32
        %get3A_1344 = arith.index_cast %get3A_1343 : i32 to index
        %get3A_1345 = arith.constant 80 : index
        %get3A_1346 = tpu.vector_load %arg8[%get3A_1344, %get3A_1345] {strides = array<i32>} : memref<2x128xi32, #tpu.memory_space<vmem>>, vector<16xi32>,
        %shift_right_logical3A_1347 = arith.constant 7 : i32
        %shift_right_logical3A_1348 = vector.broadcast %shift_right_logical3A_1347 : i32 to vector<16xi32>
        %shift_right_logical3A_1349 = arith.shrui %get3A_1346, %shift_right_logical3A_1348 : vector<16xi32>
        %and3A_1350 = arith.constant 127 : i32
        %and3A_1351 = vector.broadcast %and3A_1350 : i32 to vector<16xi32>
        %and3A_1352 = arith.andi %get3A_1346, %and3A_1351 : vector<16xi32>
        tpu.vector_store_idx %arg10[%shift_right_logical3A_1349, %and3A_1352], %broadcast_in_dim3A_2 {add = true} : memref<80x128xf32, #tpu.memory_space<vmem>>[vector<16xi32>, vector<16xi32>], vector<16xf32>,
        %get3A_1353 = arith.constant 0 : i32
        %get3A_1354 = arith.index_cast %get3A_1353 : i32 to index
        %get3A_1355 = arith.constant 96 : index
        %get3A_1356 = tpu.vector_load %arg8[%get3A_1354, %get3A_1355] {strides = array<i32>} : memref<2x128xi32, #tpu.memory_space<vmem>>, vector<16xi32>,
        %shift_right_logical3A_1357 = arith.constant 7 : i32
        %shift_right_logical3A_1358 = vector.broadcast %shift_right_logical3A_1357 : i32 to vector<16xi32>
        %shift_right_logical3A_1359 = arith.shrui %get3A_1356, %shift_right_logical3A_1358 : vector<16xi32>
        %and3A_1360 = arith.constant 127 : i32
        %and3A_1361 = vector.broadcast %and3A_1360 : i32 to vector<16xi32>
        %and3A_1362 = arith.andi %get3A_1356, %and3A_1361 : vector<16xi32>
        tpu.vector_store_idx %arg10[%shift_right_logical3A_1359, %and3A_1362], %broadcast_in_dim3A_2 {add = true} : memref<80x128xf32, #tpu.memory_space<vmem>>[vector<16xi32>, vector<16xi32>], vector<16xf32>,
        %get3A_1363 = arith.constant 0 : i32
        %get3A_1364 = arith.index_cast %get3A_1363 : i32 to index
        %get3A_1365 = arith.constant 112 : index
        %get3A_1366 = tpu.vector_load %arg8[%get3A_1364, %get3A_1365] {strides = array<i32>} : memref<2x128xi32, #tpu.memory_space<vmem>>, vector<16xi32>,
        %shift_right_logical3A_1367 = arith.constant 7 : i32
        %shift_right_logical3A_1368 = vector.broadcast %shift_right_logical3A_1367 : i32 to vector<16xi32>
        %shift_right_logical3A_1369 = arith.shrui %get3A_1366, %shift_right_logical3A_1368 : vector<16xi32>
        %and3A_1370 = arith.constant 127 : i32
        %and3A_1371 = vector.broadcast %and3A_1370 : i32 to vector<16xi32>
        %and3A_1372 = arith.andi %get3A_1366, %and3A_1371 : vector<16xi32>
        tpu.vector_store_idx %arg10[%shift_right_logical3A_1369, %and3A_1372], %broadcast_in_dim3A_2 {add = true} : memref<80x128xf32, #tpu.memory_space<vmem>>[vector<16xi32>, vector<16xi32>], vector<16xf32>,
      } else {
      }
      %dma_wait3A_726 = arith.constant 1 : i32
      %dma_wait3A_727 = arith.constant 1 : i32
      %dma_wait3A_728 = arith.constant 0 : i32
      %dma_wait3A_729 = arith.constant 0 : i32
      %dma_wait3A_730 = tpu.memref_slice %arg9[%dma_wait3A_727, %dma_wait3A_728, %dma_wait3A_729] : memref<2x128x128xf32, #tpu.memory_space<vmem>> -> memref<1x128x128xf32, #tpu.memory_space<vmem>>
      %dma_wait3A_731 = tpu.memref_squeeze %dma_wait3A_730 : memref<1x128x128xf32, #tpu.memory_space<vmem>> -> memref<128x128xf32, #tpu.memory_space<vmem>>
      %dma_wait3A_732 = arith.constant 0 : i32
      %dma_wait3A_733 = tpu.memref_slice %arg7[%dma_wait3A_726, %dma_wait3A_732] : memref<2x128xi32, #tpu.memory_space<vmem>> -> memref<1x128xi32, #tpu.memory_space<vmem>>
      %dma_wait3A_734 = tpu.memref_squeeze %dma_wait3A_733 : memref<1x128xi32, #tpu.memory_space<vmem>> -> memref<128xi32, #tpu.memory_space<vmem>>
      %dma_wait3A_735 = arith.constant 0 : i32
      %dma_wait3A_736 = arith.constant 0 : i32
      %dma_wait3A_737 = tpu.memref_slice %arg2[%dma_wait3A_735, %dma_wait3A_736] : memref<20000x128xf32, #tpu.memory_space<hbm>> -> memref<20000x128xf32, #tpu.memory_space<hbm>>
      tpu.wait_indirect_dma semaphore(%arg14 : memref<!tpu.dma_semaphore, #tpu.memory_space<semaphore_mem>>) src(%dma_wait3A_737 : memref<20000x128xf32, #tpu.memory_space<hbm>>) dst(%dma_wait3A_731 : memref<128x128xf32, #tpu.memory_space<vmem>>)
      %dma_start3A_738 = arith.constant 1 : i32
      %dma_start3A_739 = arith.constant 1 : i32
      %dma_start3A_740 = arith.constant 0 : i32
      %dma_start3A_741 = arith.constant 0 : i32
      %dma_start3A_742 = tpu.memref_slice %arg9[%dma_start3A_738, %dma_start3A_740, %dma_start3A_741] : memref<2x128x128xf32, #tpu.memory_space<vmem>> -> memref<1x128x128xf32, #tpu.memory_space<vmem>>
      %dma_start3A_743 = tpu.memref_squeeze %dma_start3A_742 : memref<1x128x128xf32, #tpu.memory_space<vmem>> -> memref<128x128xf32, #tpu.memory_space<vmem>>
      %dma_start3A_744 = arith.constant 0 : i32
      %dma_start3A_745 = tpu.memref_slice %arg8[%dma_start3A_739, %dma_start3A_744] : memref<2x128xi32, #tpu.memory_space<vmem>> -> memref<1x128xi32, #tpu.memory_space<vmem>>
      %dma_start3A_746 = tpu.memref_squeeze %dma_start3A_745 : memref<1x128xi32, #tpu.memory_space<vmem>> -> memref<128xi32, #tpu.memory_space<vmem>>
      %dma_start3A_747 = arith.constant 0 : i32
      %dma_start3A_748 = arith.constant 0 : i32
      %dma_start3A_749 = tpu.memref_slice %arg12[%dma_start3A_747, %dma_start3A_748] : memref<10240x128xf32, #tpu.memory_space<vmem_shared>> -> memref<10240x128xf32, #tpu.memory_space<vmem_shared>>
      tpu.enqueue_indirect_dma source(%dma_start3A_743 : memref<128x128xf32, #tpu.memory_space<vmem>>) target(%dma_start3A_749 : memref<10240x128xf32, #tpu.memory_space<vmem_shared>>) offsets(%dma_start3A_746 : memref<128xi32, #tpu.memory_space<vmem>>) semaphore(%arg15 : memref<!tpu.dma_semaphore, #tpu.memory_space<semaphore_mem>>) {add = true}
      %dma_start3A_750 = arith.constant 0 : i32
      %dma_start3A_751 = arith.constant 0 : i32
      %dma_start3A_752 = arith.constant 0 : i32
      %dma_start3A_753 = arith.constant 0 : i32
      %dma_start3A_754 = tpu.memref_slice %arg9[%dma_start3A_751, %dma_start3A_752, %dma_start3A_753] : memref<2x128x128xf32, #tpu.memory_space<vmem>> -> memref<1x128x128xf32, #tpu.memory_space<vmem>>
      %dma_start3A_755 = tpu.memref_squeeze %dma_start3A_754 : memref<1x128x128xf32, #tpu.memory_space<vmem>> -> memref<128x128xf32, #tpu.memory_space<vmem>>
      %dma_start3A_756 = arith.constant 0 : i32
      %dma_start3A_757 = tpu.memref_slice %arg7[%dma_start3A_750, %dma_start3A_756] : memref<2x128xi32, #tpu.memory_space<vmem>> -> memref<1x128xi32, #tpu.memory_space<vmem>>
      %dma_start3A_758 = tpu.memref_squeeze %dma_start3A_757 : memref<1x128xi32, #tpu.memory_space<vmem>> -> memref<128xi32, #tpu.memory_space<vmem>>
      %dma_start3A_759 = arith.constant 0 : i32
      %dma_start3A_760 = arith.constant 0 : i32
      %dma_start3A_761 = tpu.memref_slice %arg2[%dma_start3A_759, %dma_start3A_760] : memref<20000x128xf32, #tpu.memory_space<hbm>> -> memref<20000x128xf32, #tpu.memory_space<hbm>>
      tpu.enqueue_indirect_dma source(%dma_start3A_761 : memref<20000x128xf32, #tpu.memory_space<hbm>>) target(%dma_start3A_755 : memref<128x128xf32, #tpu.memory_space<vmem>>) offsets(%dma_start3A_758 : memref<128xi32, #tpu.memory_space<vmem>>) semaphore(%arg14 : memref<!tpu.dma_semaphore, #tpu.memory_space<semaphore_mem>>)
      %dma_wait3A_762 = arith.constant 1 : i32
      %dma_wait3A_763 = arith.constant 1 : i32
      %dma_wait3A_764 = arith.constant 0 : i32
      %dma_wait3A_765 = arith.constant 0 : i32
      %dma_wait3A_766 = tpu.memref_slice %arg9[%dma_wait3A_762, %dma_wait3A_764, %dma_wait3A_765] : memref<2x128x128xf32, #tpu.memory_space<vmem>> -> memref<1x128x128xf32, #tpu.memory_space<vmem>>
      %dma_wait3A_767 = tpu.memref_squeeze %dma_wait3A_766 : memref<1x128x128xf32, #tpu.memory_space<vmem>> -> memref<128x128xf32, #tpu.memory_space<vmem>>
      %dma_wait3A_768 = arith.constant 0 : i32
      %dma_wait3A_769 = tpu.memref_slice %arg8[%dma_wait3A_763, %dma_wait3A_768] : memref<2x128xi32, #tpu.memory_space<vmem>> -> memref<1x128xi32, #tpu.memory_space<vmem>>
      %dma_wait3A_770 = tpu.memref_squeeze %dma_wait3A_769 : memref<1x128xi32, #tpu.memory_space<vmem>> -> memref<128xi32, #tpu.memory_space<vmem>>
      %dma_wait3A_771 = arith.constant 0 : i32
      %dma_wait3A_772 = arith.constant 0 : i32
      %dma_wait3A_773 = tpu.memref_slice %arg12[%dma_wait3A_771, %dma_wait3A_772] : memref<10240x128xf32, #tpu.memory_space<vmem_shared>> -> memref<10240x128xf32, #tpu.memory_space<vmem_shared>>
      tpu.wait_indirect_dma semaphore(%arg15 : memref<!tpu.dma_semaphore, #tpu.memory_space<semaphore_mem>>) src(%dma_wait3A_767 : memref<128x128xf32, #tpu.memory_space<vmem>>) dst(%dma_wait3A_773 : memref<10240x128xf32, #tpu.memory_space<vmem_shared>>)
      %mul3A_774 = arith.constant 128 : i32
      %mul3A_775 = arith.muli %add3A_314, %mul3A_774 : i32
      %run_scoped3A_776 = arith.constant 1 : i32
      "tpu.region"() ({
        %run_scoped3A_1294 = tpu.sem_alloc : memref<!tpu.dma_semaphore, #tpu.memory_space<semaphore_mem>>
        %dma_start3A_1295 = arith.constant 0 : i32
        %dma_start3A_1296 = tpu.memref_slice %arg7[%run_scoped3A_776, %dma_start3A_1295] : memref<2x128xi32, #tpu.memory_space<vmem>> -> memref<1x128xi32, #tpu.memory_space<vmem>>
        %dma_start3A_1297 = tpu.memref_squeeze %dma_start3A_1296 : memref<1x128xi32, #tpu.memory_space<vmem>> -> memref<128xi32, #tpu.memory_space<vmem>>
        %dma_start3A_1298 = tpu.memref_slice %arg3[%mul3A_775] : memref<160000xi32, #tpu.memory_space<hbm>> -> memref<128xi32, #tpu.memory_space<hbm>>
        %dma_start3A_1299 = arith.constant 0 : i32
        %dma_start3A_1300 = tpu.memref_slice %arg7[%run_scoped3A_776, %dma_start3A_1299] : memref<2x128xi32, #tpu.memory_space<vmem>> -> memref<1x128xi32, #tpu.memory_space<vmem>>
        %dma_start3A_1301 = tpu.memref_squeeze %dma_start3A_1300 : memref<1x128xi32, #tpu.memory_space<vmem>> -> memref<128xi32, #tpu.memory_space<vmem>>
        %dma_start3A_1302 = tpu.memref_slice %arg3[%mul3A_775] : memref<160000xi32, #tpu.memory_space<hbm>> -> memref<128xi32, #tpu.memory_space<hbm>>
        tpu.enqueue_dma source(%dma_start3A_1302 : memref<128xi32, #tpu.memory_space<hbm>>) target(%dma_start3A_1301 : memref<128xi32, #tpu.memory_space<vmem>>) target_semaphore(%run_scoped3A_1294 : memref<!tpu.dma_semaphore, #tpu.memory_space<semaphore_mem>>)
        %dma_wait3A_1303 = arith.constant 0 : i32
        %dma_wait3A_1304 = tpu.memref_slice %arg7[%run_scoped3A_776, %dma_wait3A_1303] : memref<2x128xi32, #tpu.memory_space<vmem>> -> memref<1x128xi32, #tpu.memory_space<vmem>>
        %dma_wait3A_1305 = tpu.memref_squeeze %dma_wait3A_1304 : memref<1x128xi32, #tpu.memory_space<vmem>> -> memref<128xi32, #tpu.memory_space<vmem>>
        %dma_wait3A_1306 = tpu.memref_slice %arg3[%mul3A_775] : memref<160000xi32, #tpu.memory_space<hbm>> -> memref<128xi32, #tpu.memory_space<hbm>>
        %dma_wait3A_1307 = arith.constant 0 : i32
        %dma_wait3A_1308 = tpu.memref_slice %arg7[%run_scoped3A_776, %dma_wait3A_1307] : memref<2x128xi32, #tpu.memory_space<vmem>> -> memref<1x128xi32, #tpu.memory_space<vmem>>
        %dma_wait3A_1309 = tpu.memref_squeeze %dma_wait3A_1308 : memref<1x128xi32, #tpu.memory_space<vmem>> -> memref<128xi32, #tpu.memory_space<vmem>>
        %dma_wait3A_1310 = tpu.memref_slice %arg3[%mul3A_775] : memref<160000xi32, #tpu.memory_space<hbm>> -> memref<128xi32, #tpu.memory_space<hbm>>
        tpu.wait_dma2 semaphore(%run_scoped3A_1294 : memref<!tpu.dma_semaphore, #tpu.memory_space<semaphore_mem>>) src(%dma_wait3A_1310 : memref<128xi32, #tpu.memory_space<hbm>>) dst(%dma_wait3A_1309 : memref<128xi32, #tpu.memory_space<vmem>>)
        tpu.yield
      }) : () -> ()
      %run_scoped3A_777 = arith.constant 1 : i32
      "tpu.region"() ({
        %run_scoped3A_1294 = tpu.sem_alloc : memref<!tpu.dma_semaphore, #tpu.memory_space<semaphore_mem>>
        %dma_start3A_1295 = arith.constant 0 : i32
        %dma_start3A_1296 = tpu.memref_slice %arg8[%run_scoped3A_777, %dma_start3A_1295] : memref<2x128xi32, #tpu.memory_space<vmem>> -> memref<1x128xi32, #tpu.memory_space<vmem>>
        %dma_start3A_1297 = tpu.memref_squeeze %dma_start3A_1296 : memref<1x128xi32, #tpu.memory_space<vmem>> -> memref<128xi32, #tpu.memory_space<vmem>>
        %dma_start3A_1298 = tpu.memref_slice %arg4[%mul3A_775] : memref<160000xi32, #tpu.memory_space<hbm>> -> memref<128xi32, #tpu.memory_space<hbm>>
        %dma_start3A_1299 = arith.constant 0 : i32
        %dma_start3A_1300 = tpu.memref_slice %arg8[%run_scoped3A_777, %dma_start3A_1299] : memref<2x128xi32, #tpu.memory_space<vmem>> -> memref<1x128xi32, #tpu.memory_space<vmem>>
        %dma_start3A_1301 = tpu.memref_squeeze %dma_start3A_1300 : memref<1x128xi32, #tpu.memory_space<vmem>> -> memref<128xi32, #tpu.memory_space<vmem>>
        %dma_start3A_1302 = tpu.memref_slice %arg4[%mul3A_775] : memref<160000xi32, #tpu.memory_space<hbm>> -> memref<128xi32, #tpu.memory_space<hbm>>
        tpu.enqueue_dma source(%dma_start3A_1302 : memref<128xi32, #tpu.memory_space<hbm>>) target(%dma_start3A_1301 : memref<128xi32, #tpu.memory_space<vmem>>) target_semaphore(%run_scoped3A_1294 : memref<!tpu.dma_semaphore, #tpu.memory_space<semaphore_mem>>)
        %dma_wait3A_1303 = arith.constant 0 : i32
        %dma_wait3A_1304 = tpu.memref_slice %arg8[%run_scoped3A_777, %dma_wait3A_1303] : memref<2x128xi32, #tpu.memory_space<vmem>> -> memref<1x128xi32, #tpu.memory_space<vmem>>
        %dma_wait3A_1305 = tpu.memref_squeeze %dma_wait3A_1304 : memref<1x128xi32, #tpu.memory_space<vmem>> -> memref<128xi32, #tpu.memory_space<vmem>>
        %dma_wait3A_1306 = tpu.memref_slice %arg4[%mul3A_775] : memref<160000xi32, #tpu.memory_space<hbm>> -> memref<128xi32, #tpu.memory_space<hbm>>
        %dma_wait3A_1307 = arith.constant 0 : i32
        %dma_wait3A_1308 = tpu.memref_slice %arg8[%run_scoped3A_777, %dma_wait3A_1307] : memref<2x128xi32, #tpu.memory_space<vmem>> -> memref<1x128xi32, #tpu.memory_space<vmem>>
        %dma_wait3A_1309 = tpu.memref_squeeze %dma_wait3A_1308 : memref<1x128xi32, #tpu.memory_space<vmem>> -> memref<128xi32, #tpu.memory_space<vmem>>
        %dma_wait3A_1310 = tpu.memref_slice %arg4[%mul3A_775] : memref<160000xi32, #tpu.memory_space<hbm>> -> memref<128xi32, #tpu.memory_space<hbm>>
        tpu.wait_dma2 semaphore(%run_scoped3A_1294 : memref<!tpu.dma_semaphore, #tpu.memory_space<semaphore_mem>>) src(%dma_wait3A_1310 : memref<128xi32, #tpu.memory_space<hbm>>) dst(%dma_wait3A_1309 : memref<128xi32, #tpu.memory_space<vmem>>)
        tpu.yield
      }) : () -> ()
      %get3A_778 = arith.constant 1 : i32
      %get3A_779 = arith.index_cast %get3A_778 : i32 to index
      %get3A_780 = arith.constant 0 : index
      %get3A_781 = tpu.vector_load %arg7[%get3A_779, %get3A_780] {strides = array<i32>} : memref<2x128xi32, #tpu.memory_space<vmem>>, vector<16xi32>,
      %mul3A_782 = arith.constant 2 : i32
      %mul3A_783 = vector.broadcast %mul3A_782 : i32 to vector<16xi32>
      %mul3A_784 = arith.muli %get3A_781, %mul3A_783 : vector<16xi32>
      %add3A_785 = vector.broadcast %arg0 : i32 to vector<16xi32>
      %add3A_786 = arith.addi %mul3A_784, %add3A_785 : vector<16xi32>
      %swap3A_787 = arith.constant 1 : i32
      %swap3A_788 = arith.index_cast %swap3A_787 : i32 to index
      %swap3A_789 = arith.constant 0 : index
      %swap3A_790 = tpu.vector_load %arg7[%swap3A_788, %swap3A_789] {strides = array<i32>} : memref<2x128xi32, #tpu.memory_space<vmem>>, vector<16xi32>,
      tpu.vector_store %arg7[%swap3A_788, %swap3A_789], %add3A_786 {strides = array<i32>} : memref<2x128xi32, #tpu.memory_space<vmem>>, vector<16xi32>,
      %get3A_791 = arith.constant 1 : i32
      %get3A_792 = arith.index_cast %get3A_791 : i32 to index
      %get3A_793 = arith.constant 16 : index
      %get3A_794 = tpu.vector_load %arg7[%get3A_792, %get3A_793] {strides = array<i32>} : memref<2x128xi32, #tpu.memory_space<vmem>>, vector<16xi32>,
      %mul3A_795 = arith.constant 2 : i32
      %mul3A_796 = vector.broadcast %mul3A_795 : i32 to vector<16xi32>
      %mul3A_797 = arith.muli %get3A_794, %mul3A_796 : vector<16xi32>
      %add3A_798 = vector.broadcast %arg0 : i32 to vector<16xi32>
      %add3A_799 = arith.addi %mul3A_797, %add3A_798 : vector<16xi32>
      %swap3A_800 = arith.constant 1 : i32
      %swap3A_801 = arith.index_cast %swap3A_800 : i32 to index
      %swap3A_802 = arith.constant 16 : index
      %swap3A_803 = tpu.vector_load %arg7[%swap3A_801, %swap3A_802] {strides = array<i32>} : memref<2x128xi32, #tpu.memory_space<vmem>>, vector<16xi32>,
      tpu.vector_store %arg7[%swap3A_801, %swap3A_802], %add3A_799 {strides = array<i32>} : memref<2x128xi32, #tpu.memory_space<vmem>>, vector<16xi32>,
      %get3A_804 = arith.constant 1 : i32
      %get3A_805 = arith.index_cast %get3A_804 : i32 to index
      %get3A_806 = arith.constant 32 : index
      %get3A_807 = tpu.vector_load %arg7[%get3A_805, %get3A_806] {strides = array<i32>} : memref<2x128xi32, #tpu.memory_space<vmem>>, vector<16xi32>,
      %mul3A_808 = arith.constant 2 : i32
      %mul3A_809 = vector.broadcast %mul3A_808 : i32 to vector<16xi32>
      %mul3A_810 = arith.muli %get3A_807, %mul3A_809 : vector<16xi32>
      %add3A_811 = vector.broadcast %arg0 : i32 to vector<16xi32>
      %add3A_812 = arith.addi %mul3A_810, %add3A_811 : vector<16xi32>
      %swap3A_813 = arith.constant 1 : i32
      %swap3A_814 = arith.index_cast %swap3A_813 : i32 to index
      %swap3A_815 = arith.constant 32 : index
      %swap3A_816 = tpu.vector_load %arg7[%swap3A_814, %swap3A_815] {strides = array<i32>} : memref<2x128xi32, #tpu.memory_space<vmem>>, vector<16xi32>,
      tpu.vector_store %arg7[%swap3A_814, %swap3A_815], %add3A_812 {strides = array<i32>} : memref<2x128xi32, #tpu.memory_space<vmem>>, vector<16xi32>,
      %get3A_817 = arith.constant 1 : i32
      %get3A_818 = arith.index_cast %get3A_817 : i32 to index
      %get3A_819 = arith.constant 48 : index
      %get3A_820 = tpu.vector_load %arg7[%get3A_818, %get3A_819] {strides = array<i32>} : memref<2x128xi32, #tpu.memory_space<vmem>>, vector<16xi32>,
      %mul3A_821 = arith.constant 2 : i32
      %mul3A_822 = vector.broadcast %mul3A_821 : i32 to vector<16xi32>
      %mul3A_823 = arith.muli %get3A_820, %mul3A_822 : vector<16xi32>
      %add3A_824 = vector.broadcast %arg0 : i32 to vector<16xi32>
      %add3A_825 = arith.addi %mul3A_823, %add3A_824 : vector<16xi32>
      %swap3A_826 = arith.constant 1 : i32
      %swap3A_827 = arith.index_cast %swap3A_826 : i32 to index
      %swap3A_828 = arith.constant 48 : index
      %swap3A_829 = tpu.vector_load %arg7[%swap3A_827, %swap3A_828] {strides = array<i32>} : memref<2x128xi32, #tpu.memory_space<vmem>>, vector<16xi32>,
      tpu.vector_store %arg7[%swap3A_827, %swap3A_828], %add3A_825 {strides = array<i32>} : memref<2x128xi32, #tpu.memory_space<vmem>>, vector<16xi32>,
      %get3A_830 = arith.constant 1 : i32
      %get3A_831 = arith.index_cast %get3A_830 : i32 to index
      %get3A_832 = arith.constant 64 : index
      %get3A_833 = tpu.vector_load %arg7[%get3A_831, %get3A_832] {strides = array<i32>} : memref<2x128xi32, #tpu.memory_space<vmem>>, vector<16xi32>,
      %mul3A_834 = arith.constant 2 : i32
      %mul3A_835 = vector.broadcast %mul3A_834 : i32 to vector<16xi32>
      %mul3A_836 = arith.muli %get3A_833, %mul3A_835 : vector<16xi32>
      %add3A_837 = vector.broadcast %arg0 : i32 to vector<16xi32>
      %add3A_838 = arith.addi %mul3A_836, %add3A_837 : vector<16xi32>
      %swap3A_839 = arith.constant 1 : i32
      %swap3A_840 = arith.index_cast %swap3A_839 : i32 to index
      %swap3A_841 = arith.constant 64 : index
      %swap3A_842 = tpu.vector_load %arg7[%swap3A_840, %swap3A_841] {strides = array<i32>} : memref<2x128xi32, #tpu.memory_space<vmem>>, vector<16xi32>,
      tpu.vector_store %arg7[%swap3A_840, %swap3A_841], %add3A_838 {strides = array<i32>} : memref<2x128xi32, #tpu.memory_space<vmem>>, vector<16xi32>,
      %get3A_843 = arith.constant 1 : i32
      %get3A_844 = arith.index_cast %get3A_843 : i32 to index
      %get3A_845 = arith.constant 80 : index
      %get3A_846 = tpu.vector_load %arg7[%get3A_844, %get3A_845] {strides = array<i32>} : memref<2x128xi32, #tpu.memory_space<vmem>>, vector<16xi32>,
      %mul3A_847 = arith.constant 2 : i32
      %mul3A_848 = vector.broadcast %mul3A_847 : i32 to vector<16xi32>
      %mul3A_849 = arith.muli %get3A_846, %mul3A_848 : vector<16xi32>
      %add3A_850 = vector.broadcast %arg0 : i32 to vector<16xi32>
      %add3A_851 = arith.addi %mul3A_849, %add3A_850 : vector<16xi32>
      %swap3A_852 = arith.constant 1 : i32
      %swap3A_853 = arith.index_cast %swap3A_852 : i32 to index
      %swap3A_854 = arith.constant 80 : index
      %swap3A_855 = tpu.vector_load %arg7[%swap3A_853, %swap3A_854] {strides = array<i32>} : memref<2x128xi32, #tpu.memory_space<vmem>>, vector<16xi32>,
      tpu.vector_store %arg7[%swap3A_853, %swap3A_854], %add3A_851 {strides = array<i32>} : memref<2x128xi32, #tpu.memory_space<vmem>>, vector<16xi32>,
      %get3A_856 = arith.constant 1 : i32
      %get3A_857 = arith.index_cast %get3A_856 : i32 to index
      %get3A_858 = arith.constant 96 : index
      %get3A_859 = tpu.vector_load %arg7[%get3A_857, %get3A_858] {strides = array<i32>} : memref<2x128xi32, #tpu.memory_space<vmem>>, vector<16xi32>,
      %mul3A_860 = arith.constant 2 : i32
      %mul3A_861 = vector.broadcast %mul3A_860 : i32 to vector<16xi32>
      %mul3A_862 = arith.muli %get3A_859, %mul3A_861 : vector<16xi32>
      %add3A_863 = vector.broadcast %arg0 : i32 to vector<16xi32>
      %add3A_864 = arith.addi %mul3A_862, %add3A_863 : vector<16xi32>
      %swap3A_865 = arith.constant 1 : i32
      %swap3A_866 = arith.index_cast %swap3A_865 : i32 to index
      %swap3A_867 = arith.constant 96 : index
      %swap3A_868 = tpu.vector_load %arg7[%swap3A_866, %swap3A_867] {strides = array<i32>} : memref<2x128xi32, #tpu.memory_space<vmem>>, vector<16xi32>,
      tpu.vector_store %arg7[%swap3A_866, %swap3A_867], %add3A_864 {strides = array<i32>} : memref<2x128xi32, #tpu.memory_space<vmem>>, vector<16xi32>,
      %get3A_869 = arith.constant 1 : i32
      %get3A_870 = arith.index_cast %get3A_869 : i32 to index
      %get3A_871 = arith.constant 112 : index
      %get3A_872 = tpu.vector_load %arg7[%get3A_870, %get3A_871] {strides = array<i32>} : memref<2x128xi32, #tpu.memory_space<vmem>>, vector<16xi32>,
      %mul3A_873 = arith.constant 2 : i32
      %mul3A_874 = vector.broadcast %mul3A_873 : i32 to vector<16xi32>
      %mul3A_875 = arith.muli %get3A_872, %mul3A_874 : vector<16xi32>
      %add3A_876 = vector.broadcast %arg0 : i32 to vector<16xi32>
      %add3A_877 = arith.addi %mul3A_875, %add3A_876 : vector<16xi32>
      %swap3A_878 = arith.constant 1 : i32
      %swap3A_879 = arith.index_cast %swap3A_878 : i32 to index
      %swap3A_880 = arith.constant 112 : index
      %swap3A_881 = tpu.vector_load %arg7[%swap3A_879, %swap3A_880] {strides = array<i32>} : memref<2x128xi32, #tpu.memory_space<vmem>>, vector<16xi32>,
      tpu.vector_store %arg7[%swap3A_879, %swap3A_880], %add3A_877 {strides = array<i32>} : memref<2x128xi32, #tpu.memory_space<vmem>>, vector<16xi32>,
      %eq3A_882 = arith.constant 0 : i32
      %eq3A_883 = arith.cmpi eq, %arg0, %eq3A_882 : i32
      %convert_element_type3A_884 = arith.extui %eq3A_883 : i1 to i32
      %cond3A_885 = arith.constant 0 : i32
      %cond3A_886 = arith.cmpi ne, %convert_element_type3A_884, %cond3A_885 : i32
      scf.if %cond3A_886 {
        %get3A_1294 = arith.constant 1 : i32
        %get3A_1295 = arith.index_cast %get3A_1294 : i32 to index
        %get3A_1296 = arith.constant 0 : index
        %get3A_1297 = tpu.vector_load %arg8[%get3A_1295, %get3A_1296] {strides = array<i32>} : memref<2x128xi32, #tpu.memory_space<vmem>>, vector<16xi32>,
        %shift_right_logical3A = arith.constant 7 : i32
        %shift_right_logical3A_1298 = vector.broadcast %shift_right_logical3A : i32 to vector<16xi32>
        %shift_right_logical3A_1299 = arith.shrui %get3A_1297, %shift_right_logical3A_1298 : vector<16xi32>
        %and3A_1300 = arith.constant 127 : i32
        %and3A_1301 = vector.broadcast %and3A_1300 : i32 to vector<16xi32>
        %and3A_1302 = arith.andi %get3A_1297, %and3A_1301 : vector<16xi32>
        tpu.vector_store_idx %arg10[%shift_right_logical3A_1299, %and3A_1302], %broadcast_in_dim3A_2 {add = true} : memref<80x128xf32, #tpu.memory_space<vmem>>[vector<16xi32>, vector<16xi32>], vector<16xf32>,
        %get3A_1303 = arith.constant 1 : i32
        %get3A_1304 = arith.index_cast %get3A_1303 : i32 to index
        %get3A_1305 = arith.constant 16 : index
        %get3A_1306 = tpu.vector_load %arg8[%get3A_1304, %get3A_1305] {strides = array<i32>} : memref<2x128xi32, #tpu.memory_space<vmem>>, vector<16xi32>,
        %shift_right_logical3A_1307 = arith.constant 7 : i32
        %shift_right_logical3A_1308 = vector.broadcast %shift_right_logical3A_1307 : i32 to vector<16xi32>
        %shift_right_logical3A_1309 = arith.shrui %get3A_1306, %shift_right_logical3A_1308 : vector<16xi32>
        %and3A_1310 = arith.constant 127 : i32
        %and3A_1311 = vector.broadcast %and3A_1310 : i32 to vector<16xi32>
        %and3A_1312 = arith.andi %get3A_1306, %and3A_1311 : vector<16xi32>
        tpu.vector_store_idx %arg10[%shift_right_logical3A_1309, %and3A_1312], %broadcast_in_dim3A_2 {add = true} : memref<80x128xf32, #tpu.memory_space<vmem>>[vector<16xi32>, vector<16xi32>], vector<16xf32>,
        %get3A_1313 = arith.constant 1 : i32
        %get3A_1314 = arith.index_cast %get3A_1313 : i32 to index
        %get3A_1315 = arith.constant 32 : index
        %get3A_1316 = tpu.vector_load %arg8[%get3A_1314, %get3A_1315] {strides = array<i32>} : memref<2x128xi32, #tpu.memory_space<vmem>>, vector<16xi32>,
        %shift_right_logical3A_1317 = arith.constant 7 : i32
        %shift_right_logical3A_1318 = vector.broadcast %shift_right_logical3A_1317 : i32 to vector<16xi32>
        %shift_right_logical3A_1319 = arith.shrui %get3A_1316, %shift_right_logical3A_1318 : vector<16xi32>
        %and3A_1320 = arith.constant 127 : i32
        %and3A_1321 = vector.broadcast %and3A_1320 : i32 to vector<16xi32>
        %and3A_1322 = arith.andi %get3A_1316, %and3A_1321 : vector<16xi32>
        tpu.vector_store_idx %arg10[%shift_right_logical3A_1319, %and3A_1322], %broadcast_in_dim3A_2 {add = true} : memref<80x128xf32, #tpu.memory_space<vmem>>[vector<16xi32>, vector<16xi32>], vector<16xf32>,
        %get3A_1323 = arith.constant 1 : i32
        %get3A_1324 = arith.index_cast %get3A_1323 : i32 to index
        %get3A_1325 = arith.constant 48 : index
        %get3A_1326 = tpu.vector_load %arg8[%get3A_1324, %get3A_1325] {strides = array<i32>} : memref<2x128xi32, #tpu.memory_space<vmem>>, vector<16xi32>,
        %shift_right_logical3A_1327 = arith.constant 7 : i32
        %shift_right_logical3A_1328 = vector.broadcast %shift_right_logical3A_1327 : i32 to vector<16xi32>
        %shift_right_logical3A_1329 = arith.shrui %get3A_1326, %shift_right_logical3A_1328 : vector<16xi32>
        %and3A_1330 = arith.constant 127 : i32
        %and3A_1331 = vector.broadcast %and3A_1330 : i32 to vector<16xi32>
        %and3A_1332 = arith.andi %get3A_1326, %and3A_1331 : vector<16xi32>
        tpu.vector_store_idx %arg10[%shift_right_logical3A_1329, %and3A_1332], %broadcast_in_dim3A_2 {add = true} : memref<80x128xf32, #tpu.memory_space<vmem>>[vector<16xi32>, vector<16xi32>], vector<16xf32>,
        %get3A_1333 = arith.constant 1 : i32
        %get3A_1334 = arith.index_cast %get3A_1333 : i32 to index
        %get3A_1335 = arith.constant 64 : index
        %get3A_1336 = tpu.vector_load %arg8[%get3A_1334, %get3A_1335] {strides = array<i32>} : memref<2x128xi32, #tpu.memory_space<vmem>>, vector<16xi32>,
        %shift_right_logical3A_1337 = arith.constant 7 : i32
        %shift_right_logical3A_1338 = vector.broadcast %shift_right_logical3A_1337 : i32 to vector<16xi32>
        %shift_right_logical3A_1339 = arith.shrui %get3A_1336, %shift_right_logical3A_1338 : vector<16xi32>
        %and3A_1340 = arith.constant 127 : i32
        %and3A_1341 = vector.broadcast %and3A_1340 : i32 to vector<16xi32>
        %and3A_1342 = arith.andi %get3A_1336, %and3A_1341 : vector<16xi32>
        tpu.vector_store_idx %arg10[%shift_right_logical3A_1339, %and3A_1342], %broadcast_in_dim3A_2 {add = true} : memref<80x128xf32, #tpu.memory_space<vmem>>[vector<16xi32>, vector<16xi32>], vector<16xf32>,
        %get3A_1343 = arith.constant 1 : i32
        %get3A_1344 = arith.index_cast %get3A_1343 : i32 to index
        %get3A_1345 = arith.constant 80 : index
        %get3A_1346 = tpu.vector_load %arg8[%get3A_1344, %get3A_1345] {strides = array<i32>} : memref<2x128xi32, #tpu.memory_space<vmem>>, vector<16xi32>,
        %shift_right_logical3A_1347 = arith.constant 7 : i32
        %shift_right_logical3A_1348 = vector.broadcast %shift_right_logical3A_1347 : i32 to vector<16xi32>
        %shift_right_logical3A_1349 = arith.shrui %get3A_1346, %shift_right_logical3A_1348 : vector<16xi32>
        %and3A_1350 = arith.constant 127 : i32
        %and3A_1351 = vector.broadcast %and3A_1350 : i32 to vector<16xi32>
        %and3A_1352 = arith.andi %get3A_1346, %and3A_1351 : vector<16xi32>
        tpu.vector_store_idx %arg10[%shift_right_logical3A_1349, %and3A_1352], %broadcast_in_dim3A_2 {add = true} : memref<80x128xf32, #tpu.memory_space<vmem>>[vector<16xi32>, vector<16xi32>], vector<16xf32>,
        %get3A_1353 = arith.constant 1 : i32
        %get3A_1354 = arith.index_cast %get3A_1353 : i32 to index
        %get3A_1355 = arith.constant 96 : index
        %get3A_1356 = tpu.vector_load %arg8[%get3A_1354, %get3A_1355] {strides = array<i32>} : memref<2x128xi32, #tpu.memory_space<vmem>>, vector<16xi32>,
        %shift_right_logical3A_1357 = arith.constant 7 : i32
        %shift_right_logical3A_1358 = vector.broadcast %shift_right_logical3A_1357 : i32 to vector<16xi32>
        %shift_right_logical3A_1359 = arith.shrui %get3A_1356, %shift_right_logical3A_1358 : vector<16xi32>
        %and3A_1360 = arith.constant 127 : i32
        %and3A_1361 = vector.broadcast %and3A_1360 : i32 to vector<16xi32>
        %and3A_1362 = arith.andi %get3A_1356, %and3A_1361 : vector<16xi32>
        tpu.vector_store_idx %arg10[%shift_right_logical3A_1359, %and3A_1362], %broadcast_in_dim3A_2 {add = true} : memref<80x128xf32, #tpu.memory_space<vmem>>[vector<16xi32>, vector<16xi32>], vector<16xf32>,
        %get3A_1363 = arith.constant 1 : i32
        %get3A_1364 = arith.index_cast %get3A_1363 : i32 to index
        %get3A_1365 = arith.constant 112 : index
        %get3A_1366 = tpu.vector_load %arg8[%get3A_1364, %get3A_1365] {strides = array<i32>} : memref<2x128xi32, #tpu.memory_space<vmem>>, vector<16xi32>,
        %shift_right_logical3A_1367 = arith.constant 7 : i32
        %shift_right_logical3A_1368 = vector.broadcast %shift_right_logical3A_1367 : i32 to vector<16xi32>
        %shift_right_logical3A_1369 = arith.shrui %get3A_1366, %shift_right_logical3A_1368 : vector<16xi32>
        %and3A_1370 = arith.constant 127 : i32
        %and3A_1371 = vector.broadcast %and3A_1370 : i32 to vector<16xi32>
        %and3A_1372 = arith.andi %get3A_1366, %and3A_1371 : vector<16xi32>
        tpu.vector_store_idx %arg10[%shift_right_logical3A_1369, %and3A_1372], %broadcast_in_dim3A_2 {add = true} : memref<80x128xf32, #tpu.memory_space<vmem>>[vector<16xi32>, vector<16xi32>], vector<16xf32>,
      } else {
      }
      %dma_wait3A_887 = arith.constant 0 : i32
      %dma_wait3A_888 = arith.constant 0 : i32
      %dma_wait3A_889 = arith.constant 0 : i32
      %dma_wait3A_890 = arith.constant 0 : i32
      %dma_wait3A_891 = tpu.memref_slice %arg9[%dma_wait3A_888, %dma_wait3A_889, %dma_wait3A_890] : memref<2x128x128xf32, #tpu.memory_space<vmem>> -> memref<1x128x128xf32, #tpu.memory_space<vmem>>
      %dma_wait3A_892 = tpu.memref_squeeze %dma_wait3A_891 : memref<1x128x128xf32, #tpu.memory_space<vmem>> -> memref<128x128xf32, #tpu.memory_space<vmem>>
      %dma_wait3A_893 = arith.constant 0 : i32
      %dma_wait3A_894 = tpu.memref_slice %arg7[%dma_wait3A_887, %dma_wait3A_893] : memref<2x128xi32, #tpu.memory_space<vmem>> -> memref<1x128xi32, #tpu.memory_space<vmem>>
      %dma_wait3A_895 = tpu.memref_squeeze %dma_wait3A_894 : memref<1x128xi32, #tpu.memory_space<vmem>> -> memref<128xi32, #tpu.memory_space<vmem>>
      %dma_wait3A_896 = arith.constant 0 : i32
      %dma_wait3A_897 = arith.constant 0 : i32
      %dma_wait3A_898 = tpu.memref_slice %arg2[%dma_wait3A_896, %dma_wait3A_897] : memref<20000x128xf32, #tpu.memory_space<hbm>> -> memref<20000x128xf32, #tpu.memory_space<hbm>>
      tpu.wait_indirect_dma semaphore(%arg14 : memref<!tpu.dma_semaphore, #tpu.memory_space<semaphore_mem>>) src(%dma_wait3A_898 : memref<20000x128xf32, #tpu.memory_space<hbm>>) dst(%dma_wait3A_892 : memref<128x128xf32, #tpu.memory_space<vmem>>)
      %dma_start3A_899 = arith.constant 0 : i32
      %dma_start3A_900 = arith.constant 0 : i32
      %dma_start3A_901 = arith.constant 0 : i32
      %dma_start3A_902 = arith.constant 0 : i32
      %dma_start3A_903 = tpu.memref_slice %arg9[%dma_start3A_899, %dma_start3A_901, %dma_start3A_902] : memref<2x128x128xf32, #tpu.memory_space<vmem>> -> memref<1x128x128xf32, #tpu.memory_space<vmem>>
      %dma_start3A_904 = tpu.memref_squeeze %dma_start3A_903 : memref<1x128x128xf32, #tpu.memory_space<vmem>> -> memref<128x128xf32, #tpu.memory_space<vmem>>
      %dma_start3A_905 = arith.constant 0 : i32
      %dma_start3A_906 = tpu.memref_slice %arg8[%dma_start3A_900, %dma_start3A_905] : memref<2x128xi32, #tpu.memory_space<vmem>> -> memref<1x128xi32, #tpu.memory_space<vmem>>
      %dma_start3A_907 = tpu.memref_squeeze %dma_start3A_906 : memref<1x128xi32, #tpu.memory_space<vmem>> -> memref<128xi32, #tpu.memory_space<vmem>>
      %dma_start3A_908 = arith.constant 0 : i32
      %dma_start3A_909 = arith.constant 0 : i32
      %dma_start3A_910 = tpu.memref_slice %arg12[%dma_start3A_908, %dma_start3A_909] : memref<10240x128xf32, #tpu.memory_space<vmem_shared>> -> memref<10240x128xf32, #tpu.memory_space<vmem_shared>>
      tpu.enqueue_indirect_dma source(%dma_start3A_904 : memref<128x128xf32, #tpu.memory_space<vmem>>) target(%dma_start3A_910 : memref<10240x128xf32, #tpu.memory_space<vmem_shared>>) offsets(%dma_start3A_907 : memref<128xi32, #tpu.memory_space<vmem>>) semaphore(%arg15 : memref<!tpu.dma_semaphore, #tpu.memory_space<semaphore_mem>>) {add = true}
      %dma_start3A_911 = arith.constant 1 : i32
      %dma_start3A_912 = arith.constant 1 : i32
      %dma_start3A_913 = arith.constant 0 : i32
      %dma_start3A_914 = arith.constant 0 : i32
      %dma_start3A_915 = tpu.memref_slice %arg9[%dma_start3A_912, %dma_start3A_913, %dma_start3A_914] : memref<2x128x128xf32, #tpu.memory_space<vmem>> -> memref<1x128x128xf32, #tpu.memory_space<vmem>>
      %dma_start3A_916 = tpu.memref_squeeze %dma_start3A_915 : memref<1x128x128xf32, #tpu.memory_space<vmem>> -> memref<128x128xf32, #tpu.memory_space<vmem>>
      %dma_start3A_917 = arith.constant 0 : i32
      %dma_start3A_918 = tpu.memref_slice %arg7[%dma_start3A_911, %dma_start3A_917] : memref<2x128xi32, #tpu.memory_space<vmem>> -> memref<1x128xi32, #tpu.memory_space<vmem>>
      %dma_start3A_919 = tpu.memref_squeeze %dma_start3A_918 : memref<1x128xi32, #tpu.memory_space<vmem>> -> memref<128xi32, #tpu.memory_space<vmem>>
      %dma_start3A_920 = arith.constant 0 : i32
      %dma_start3A_921 = arith.constant 0 : i32
      %dma_start3A_922 = tpu.memref_slice %arg2[%dma_start3A_920, %dma_start3A_921] : memref<20000x128xf32, #tpu.memory_space<hbm>> -> memref<20000x128xf32, #tpu.memory_space<hbm>>
      tpu.enqueue_indirect_dma source(%dma_start3A_922 : memref<20000x128xf32, #tpu.memory_space<hbm>>) target(%dma_start3A_916 : memref<128x128xf32, #tpu.memory_space<vmem>>) offsets(%dma_start3A_919 : memref<128xi32, #tpu.memory_space<vmem>>) semaphore(%arg14 : memref<!tpu.dma_semaphore, #tpu.memory_space<semaphore_mem>>)
      %dma_wait3A_923 = arith.constant 0 : i32
      %dma_wait3A_924 = arith.constant 0 : i32
      %dma_wait3A_925 = arith.constant 0 : i32
      %dma_wait3A_926 = arith.constant 0 : i32
      %dma_wait3A_927 = tpu.memref_slice %arg9[%dma_wait3A_923, %dma_wait3A_925, %dma_wait3A_926] : memref<2x128x128xf32, #tpu.memory_space<vmem>> -> memref<1x128x128xf32, #tpu.memory_space<vmem>>
      %dma_wait3A_928 = tpu.memref_squeeze %dma_wait3A_927 : memref<1x128x128xf32, #tpu.memory_space<vmem>> -> memref<128x128xf32, #tpu.memory_space<vmem>>
      %dma_wait3A_929 = arith.constant 0 : i32
      %dma_wait3A_930 = tpu.memref_slice %arg8[%dma_wait3A_924, %dma_wait3A_929] : memref<2x128xi32, #tpu.memory_space<vmem>> -> memref<1x128xi32, #tpu.memory_space<vmem>>
      %dma_wait3A_931 = tpu.memref_squeeze %dma_wait3A_930 : memref<1x128xi32, #tpu.memory_space<vmem>> -> memref<128xi32, #tpu.memory_space<vmem>>
      %dma_wait3A_932 = arith.constant 0 : i32
      %dma_wait3A_933 = arith.constant 0 : i32
      %dma_wait3A_934 = tpu.memref_slice %arg12[%dma_wait3A_932, %dma_wait3A_933] : memref<10240x128xf32, #tpu.memory_space<vmem_shared>> -> memref<10240x128xf32, #tpu.memory_space<vmem_shared>>
      tpu.wait_indirect_dma semaphore(%arg15 : memref<!tpu.dma_semaphore, #tpu.memory_space<semaphore_mem>>) src(%dma_wait3A_928 : memref<128x128xf32, #tpu.memory_space<vmem>>) dst(%dma_wait3A_934 : memref<10240x128xf32, #tpu.memory_space<vmem_shared>>)
      %mul3A_935 = arith.constant 128 : i32
      %mul3A_936 = arith.muli %add3A_321, %mul3A_935 : i32
      %run_scoped3A_937 = arith.constant 0 : i32
      "tpu.region"() ({
        %run_scoped3A_1294 = tpu.sem_alloc : memref<!tpu.dma_semaphore, #tpu.memory_space<semaphore_mem>>
        %dma_start3A_1295 = arith.constant 0 : i32
        %dma_start3A_1296 = tpu.memref_slice %arg7[%run_scoped3A_937, %dma_start3A_1295] : memref<2x128xi32, #tpu.memory_space<vmem>> -> memref<1x128xi32, #tpu.memory_space<vmem>>
        %dma_start3A_1297 = tpu.memref_squeeze %dma_start3A_1296 : memref<1x128xi32, #tpu.memory_space<vmem>> -> memref<128xi32, #tpu.memory_space<vmem>>
        %dma_start3A_1298 = tpu.memref_slice %arg3[%mul3A_936] : memref<160000xi32, #tpu.memory_space<hbm>> -> memref<128xi32, #tpu.memory_space<hbm>>
        %dma_start3A_1299 = arith.constant 0 : i32
        %dma_start3A_1300 = tpu.memref_slice %arg7[%run_scoped3A_937, %dma_start3A_1299] : memref<2x128xi32, #tpu.memory_space<vmem>> -> memref<1x128xi32, #tpu.memory_space<vmem>>
        %dma_start3A_1301 = tpu.memref_squeeze %dma_start3A_1300 : memref<1x128xi32, #tpu.memory_space<vmem>> -> memref<128xi32, #tpu.memory_space<vmem>>
        %dma_start3A_1302 = tpu.memref_slice %arg3[%mul3A_936] : memref<160000xi32, #tpu.memory_space<hbm>> -> memref<128xi32, #tpu.memory_space<hbm>>
        tpu.enqueue_dma source(%dma_start3A_1302 : memref<128xi32, #tpu.memory_space<hbm>>) target(%dma_start3A_1301 : memref<128xi32, #tpu.memory_space<vmem>>) target_semaphore(%run_scoped3A_1294 : memref<!tpu.dma_semaphore, #tpu.memory_space<semaphore_mem>>)
        %dma_wait3A_1303 = arith.constant 0 : i32
        %dma_wait3A_1304 = tpu.memref_slice %arg7[%run_scoped3A_937, %dma_wait3A_1303] : memref<2x128xi32, #tpu.memory_space<vmem>> -> memref<1x128xi32, #tpu.memory_space<vmem>>
        %dma_wait3A_1305 = tpu.memref_squeeze %dma_wait3A_1304 : memref<1x128xi32, #tpu.memory_space<vmem>> -> memref<128xi32, #tpu.memory_space<vmem>>
        %dma_wait3A_1306 = tpu.memref_slice %arg3[%mul3A_936] : memref<160000xi32, #tpu.memory_space<hbm>> -> memref<128xi32, #tpu.memory_space<hbm>>
        %dma_wait3A_1307 = arith.constant 0 : i32
        %dma_wait3A_1308 = tpu.memref_slice %arg7[%run_scoped3A_937, %dma_wait3A_1307] : memref<2x128xi32, #tpu.memory_space<vmem>> -> memref<1x128xi32, #tpu.memory_space<vmem>>
        %dma_wait3A_1309 = tpu.memref_squeeze %dma_wait3A_1308 : memref<1x128xi32, #tpu.memory_space<vmem>> -> memref<128xi32, #tpu.memory_space<vmem>>
        %dma_wait3A_1310 = tpu.memref_slice %arg3[%mul3A_936] : memref<160000xi32, #tpu.memory_space<hbm>> -> memref<128xi32, #tpu.memory_space<hbm>>
        tpu.wait_dma2 semaphore(%run_scoped3A_1294 : memref<!tpu.dma_semaphore, #tpu.memory_space<semaphore_mem>>) src(%dma_wait3A_1310 : memref<128xi32, #tpu.memory_space<hbm>>) dst(%dma_wait3A_1309 : memref<128xi32, #tpu.memory_space<vmem>>)
        tpu.yield
      }) : () -> ()
      %run_scoped3A_938 = arith.constant 0 : i32
      "tpu.region"() ({
        %run_scoped3A_1294 = tpu.sem_alloc : memref<!tpu.dma_semaphore, #tpu.memory_space<semaphore_mem>>
        %dma_start3A_1295 = arith.constant 0 : i32
        %dma_start3A_1296 = tpu.memref_slice %arg8[%run_scoped3A_938, %dma_start3A_1295] : memref<2x128xi32, #tpu.memory_space<vmem>> -> memref<1x128xi32, #tpu.memory_space<vmem>>
        %dma_start3A_1297 = tpu.memref_squeeze %dma_start3A_1296 : memref<1x128xi32, #tpu.memory_space<vmem>> -> memref<128xi32, #tpu.memory_space<vmem>>
        %dma_start3A_1298 = tpu.memref_slice %arg4[%mul3A_936] : memref<160000xi32, #tpu.memory_space<hbm>> -> memref<128xi32, #tpu.memory_space<hbm>>
        %dma_start3A_1299 = arith.constant 0 : i32
        %dma_start3A_1300 = tpu.memref_slice %arg8[%run_scoped3A_938, %dma_start3A_1299] : memref<2x128xi32, #tpu.memory_space<vmem>> -> memref<1x128xi32, #tpu.memory_space<vmem>>
        %dma_start3A_1301 = tpu.memref_squeeze %dma_start3A_1300 : memref<1x128xi32, #tpu.memory_space<vmem>> -> memref<128xi32, #tpu.memory_space<vmem>>
        %dma_start3A_1302 = tpu.memref_slice %arg4[%mul3A_936] : memref<160000xi32, #tpu.memory_space<hbm>> -> memref<128xi32, #tpu.memory_space<hbm>>
        tpu.enqueue_dma source(%dma_start3A_1302 : memref<128xi32, #tpu.memory_space<hbm>>) target(%dma_start3A_1301 : memref<128xi32, #tpu.memory_space<vmem>>) target_semaphore(%run_scoped3A_1294 : memref<!tpu.dma_semaphore, #tpu.memory_space<semaphore_mem>>)
        %dma_wait3A_1303 = arith.constant 0 : i32
        %dma_wait3A_1304 = tpu.memref_slice %arg8[%run_scoped3A_938, %dma_wait3A_1303] : memref<2x128xi32, #tpu.memory_space<vmem>> -> memref<1x128xi32, #tpu.memory_space<vmem>>
        %dma_wait3A_1305 = tpu.memref_squeeze %dma_wait3A_1304 : memref<1x128xi32, #tpu.memory_space<vmem>> -> memref<128xi32, #tpu.memory_space<vmem>>
        %dma_wait3A_1306 = tpu.memref_slice %arg4[%mul3A_936] : memref<160000xi32, #tpu.memory_space<hbm>> -> memref<128xi32, #tpu.memory_space<hbm>>
        %dma_wait3A_1307 = arith.constant 0 : i32
        %dma_wait3A_1308 = tpu.memref_slice %arg8[%run_scoped3A_938, %dma_wait3A_1307] : memref<2x128xi32, #tpu.memory_space<vmem>> -> memref<1x128xi32, #tpu.memory_space<vmem>>
        %dma_wait3A_1309 = tpu.memref_squeeze %dma_wait3A_1308 : memref<1x128xi32, #tpu.memory_space<vmem>> -> memref<128xi32, #tpu.memory_space<vmem>>
        %dma_wait3A_1310 = tpu.memref_slice %arg4[%mul3A_936] : memref<160000xi32, #tpu.memory_space<hbm>> -> memref<128xi32, #tpu.memory_space<hbm>>
        tpu.wait_dma2 semaphore(%run_scoped3A_1294 : memref<!tpu.dma_semaphore, #tpu.memory_space<semaphore_mem>>) src(%dma_wait3A_1310 : memref<128xi32, #tpu.memory_space<hbm>>) dst(%dma_wait3A_1309 : memref<128xi32, #tpu.memory_space<vmem>>)
        tpu.yield
      }) : () -> ()
      %get3A_939 = arith.constant 0 : i32
      %get3A_940 = arith.index_cast %get3A_939 : i32 to index
      %get3A_941 = arith.constant 0 : index
      %get3A_942 = tpu.vector_load %arg7[%get3A_940, %get3A_941] {strides = array<i32>} : memref<2x128xi32, #tpu.memory_space<vmem>>, vector<16xi32>,
      %mul3A_943 = arith.constant 2 : i32
      %mul3A_944 = vector.broadcast %mul3A_943 : i32 to vector<16xi32>
      %mul3A_945 = arith.muli %get3A_942, %mul3A_944 : vector<16xi32>
      %add3A_946 = vector.broadcast %arg0 : i32 to vector<16xi32>
      %add3A_947 = arith.addi %mul3A_945, %add3A_946 : vector<16xi32>
      %swap3A_948 = arith.constant 0 : i32
      %swap3A_949 = arith.index_cast %swap3A_948 : i32 to index
      %swap3A_950 = arith.constant 0 : index
      %swap3A_951 = tpu.vector_load %arg7[%swap3A_949, %swap3A_950] {strides = array<i32>} : memref<2x128xi32, #tpu.memory_space<vmem>>, vector<16xi32>,
      tpu.vector_store %arg7[%swap3A_949, %swap3A_950], %add3A_947 {strides = array<i32>} : memref<2x128xi32, #tpu.memory_space<vmem>>, vector<16xi32>,
      %get3A_952 = arith.constant 0 : i32
      %get3A_953 = arith.index_cast %get3A_952 : i32 to index
      %get3A_954 = arith.constant 16 : index
      %get3A_955 = tpu.vector_load %arg7[%get3A_953, %get3A_954] {strides = array<i32>} : memref<2x128xi32, #tpu.memory_space<vmem>>, vector<16xi32>,
      %mul3A_956 = arith.constant 2 : i32
      %mul3A_957 = vector.broadcast %mul3A_956 : i32 to vector<16xi32>
      %mul3A_958 = arith.muli %get3A_955, %mul3A_957 : vector<16xi32>
      %add3A_959 = vector.broadcast %arg0 : i32 to vector<16xi32>
      %add3A_960 = arith.addi %mul3A_958, %add3A_959 : vector<16xi32>
      %swap3A_961 = arith.constant 0 : i32
      %swap3A_962 = arith.index_cast %swap3A_961 : i32 to index
      %swap3A_963 = arith.constant 16 : index
      %swap3A_964 = tpu.vector_load %arg7[%swap3A_962, %swap3A_963] {strides = array<i32>} : memref<2x128xi32, #tpu.memory_space<vmem>>, vector<16xi32>,
      tpu.vector_store %arg7[%swap3A_962, %swap3A_963], %add3A_960 {strides = array<i32>} : memref<2x128xi32, #tpu.memory_space<vmem>>, vector<16xi32>,
      %get3A_965 = arith.constant 0 : i32
      %get3A_966 = arith.index_cast %get3A_965 : i32 to index
      %get3A_967 = arith.constant 32 : index
      %get3A_968 = tpu.vector_load %arg7[%get3A_966, %get3A_967] {strides = array<i32>} : memref<2x128xi32, #tpu.memory_space<vmem>>, vector<16xi32>,
      %mul3A_969 = arith.constant 2 : i32
      %mul3A_970 = vector.broadcast %mul3A_969 : i32 to vector<16xi32>
      %mul3A_971 = arith.muli %get3A_968, %mul3A_970 : vector<16xi32>
      %add3A_972 = vector.broadcast %arg0 : i32 to vector<16xi32>
      %add3A_973 = arith.addi %mul3A_971, %add3A_972 : vector<16xi32>
      %swap3A_974 = arith.constant 0 : i32
      %swap3A_975 = arith.index_cast %swap3A_974 : i32 to index
      %swap3A_976 = arith.constant 32 : index
      %swap3A_977 = tpu.vector_load %arg7[%swap3A_975, %swap3A_976] {strides = array<i32>} : memref<2x128xi32, #tpu.memory_space<vmem>>, vector<16xi32>,
      tpu.vector_store %arg7[%swap3A_975, %swap3A_976], %add3A_973 {strides = array<i32>} : memref<2x128xi32, #tpu.memory_space<vmem>>, vector<16xi32>,
      %get3A_978 = arith.constant 0 : i32
      %get3A_979 = arith.index_cast %get3A_978 : i32 to index
      %get3A_980 = arith.constant 48 : index
      %get3A_981 = tpu.vector_load %arg7[%get3A_979, %get3A_980] {strides = array<i32>} : memref<2x128xi32, #tpu.memory_space<vmem>>, vector<16xi32>,
      %mul3A_982 = arith.constant 2 : i32
      %mul3A_983 = vector.broadcast %mul3A_982 : i32 to vector<16xi32>
      %mul3A_984 = arith.muli %get3A_981, %mul3A_983 : vector<16xi32>
      %add3A_985 = vector.broadcast %arg0 : i32 to vector<16xi32>
      %add3A_986 = arith.addi %mul3A_984, %add3A_985 : vector<16xi32>
      %swap3A_987 = arith.constant 0 : i32
      %swap3A_988 = arith.index_cast %swap3A_987 : i32 to index
      %swap3A_989 = arith.constant 48 : index
      %swap3A_990 = tpu.vector_load %arg7[%swap3A_988, %swap3A_989] {strides = array<i32>} : memref<2x128xi32, #tpu.memory_space<vmem>>, vector<16xi32>,
      tpu.vector_store %arg7[%swap3A_988, %swap3A_989], %add3A_986 {strides = array<i32>} : memref<2x128xi32, #tpu.memory_space<vmem>>, vector<16xi32>,
      %get3A_991 = arith.constant 0 : i32
      %get3A_992 = arith.index_cast %get3A_991 : i32 to index
      %get3A_993 = arith.constant 64 : index
      %get3A_994 = tpu.vector_load %arg7[%get3A_992, %get3A_993] {strides = array<i32>} : memref<2x128xi32, #tpu.memory_space<vmem>>, vector<16xi32>,
      %mul3A_995 = arith.constant 2 : i32
      %mul3A_996 = vector.broadcast %mul3A_995 : i32 to vector<16xi32>
      %mul3A_997 = arith.muli %get3A_994, %mul3A_996 : vector<16xi32>
      %add3A_998 = vector.broadcast %arg0 : i32 to vector<16xi32>
      %add3A_999 = arith.addi %mul3A_997, %add3A_998 : vector<16xi32>
      %swap3A_1000 = arith.constant 0 : i32
      %swap3A_1001 = arith.index_cast %swap3A_1000 : i32 to index
      %swap3A_1002 = arith.constant 64 : index
      %swap3A_1003 = tpu.vector_load %arg7[%swap3A_1001, %swap3A_1002] {strides = array<i32>} : memref<2x128xi32, #tpu.memory_space<vmem>>, vector<16xi32>,
      tpu.vector_store %arg7[%swap3A_1001, %swap3A_1002], %add3A_999 {strides = array<i32>} : memref<2x128xi32, #tpu.memory_space<vmem>>, vector<16xi32>,
      %get3A_1004 = arith.constant 0 : i32
      %get3A_1005 = arith.index_cast %get3A_1004 : i32 to index
      %get3A_1006 = arith.constant 80 : index
      %get3A_1007 = tpu.vector_load %arg7[%get3A_1005, %get3A_1006] {strides = array<i32>} : memref<2x128xi32, #tpu.memory_space<vmem>>, vector<16xi32>,
      %mul3A_1008 = arith.constant 2 : i32
      %mul3A_1009 = vector.broadcast %mul3A_1008 : i32 to vector<16xi32>
      %mul3A_1010 = arith.muli %get3A_1007, %mul3A_1009 : vector<16xi32>
      %add3A_1011 = vector.broadcast %arg0 : i32 to vector<16xi32>
      %add3A_1012 = arith.addi %mul3A_1010, %add3A_1011 : vector<16xi32>
      %swap3A_1013 = arith.constant 0 : i32
      %swap3A_1014 = arith.index_cast %swap3A_1013 : i32 to index
      %swap3A_1015 = arith.constant 80 : index
      %swap3A_1016 = tpu.vector_load %arg7[%swap3A_1014, %swap3A_1015] {strides = array<i32>} : memref<2x128xi32, #tpu.memory_space<vmem>>, vector<16xi32>,
      tpu.vector_store %arg7[%swap3A_1014, %swap3A_1015], %add3A_1012 {strides = array<i32>} : memref<2x128xi32, #tpu.memory_space<vmem>>, vector<16xi32>,
      %get3A_1017 = arith.constant 0 : i32
      %get3A_1018 = arith.index_cast %get3A_1017 : i32 to index
      %get3A_1019 = arith.constant 96 : index
      %get3A_1020 = tpu.vector_load %arg7[%get3A_1018, %get3A_1019] {strides = array<i32>} : memref<2x128xi32, #tpu.memory_space<vmem>>, vector<16xi32>,
      %mul3A_1021 = arith.constant 2 : i32
      %mul3A_1022 = vector.broadcast %mul3A_1021 : i32 to vector<16xi32>
      %mul3A_1023 = arith.muli %get3A_1020, %mul3A_1022 : vector<16xi32>
      %add3A_1024 = vector.broadcast %arg0 : i32 to vector<16xi32>
      %add3A_1025 = arith.addi %mul3A_1023, %add3A_1024 : vector<16xi32>
      %swap3A_1026 = arith.constant 0 : i32
      %swap3A_1027 = arith.index_cast %swap3A_1026 : i32 to index
      %swap3A_1028 = arith.constant 96 : index
      %swap3A_1029 = tpu.vector_load %arg7[%swap3A_1027, %swap3A_1028] {strides = array<i32>} : memref<2x128xi32, #tpu.memory_space<vmem>>, vector<16xi32>,
      tpu.vector_store %arg7[%swap3A_1027, %swap3A_1028], %add3A_1025 {strides = array<i32>} : memref<2x128xi32, #tpu.memory_space<vmem>>, vector<16xi32>,
      %get3A_1030 = arith.constant 0 : i32
      %get3A_1031 = arith.index_cast %get3A_1030 : i32 to index
      %get3A_1032 = arith.constant 112 : index
      %get3A_1033 = tpu.vector_load %arg7[%get3A_1031, %get3A_1032] {strides = array<i32>} : memref<2x128xi32, #tpu.memory_space<vmem>>, vector<16xi32>,
      %mul3A_1034 = arith.constant 2 : i32
      %mul3A_1035 = vector.broadcast %mul3A_1034 : i32 to vector<16xi32>
      %mul3A_1036 = arith.muli %get3A_1033, %mul3A_1035 : vector<16xi32>
      %add3A_1037 = vector.broadcast %arg0 : i32 to vector<16xi32>
      %add3A_1038 = arith.addi %mul3A_1036, %add3A_1037 : vector<16xi32>
      %swap3A_1039 = arith.constant 0 : i32
      %swap3A_1040 = arith.index_cast %swap3A_1039 : i32 to index
      %swap3A_1041 = arith.constant 112 : index
      %swap3A_1042 = tpu.vector_load %arg7[%swap3A_1040, %swap3A_1041] {strides = array<i32>} : memref<2x128xi32, #tpu.memory_space<vmem>>, vector<16xi32>,
      tpu.vector_store %arg7[%swap3A_1040, %swap3A_1041], %add3A_1038 {strides = array<i32>} : memref<2x128xi32, #tpu.memory_space<vmem>>, vector<16xi32>,
      %eq3A_1043 = arith.constant 0 : i32
      %eq3A_1044 = arith.cmpi eq, %arg0, %eq3A_1043 : i32
      %convert_element_type3A_1045 = arith.extui %eq3A_1044 : i1 to i32
      %cond3A_1046 = arith.constant 0 : i32
      %cond3A_1047 = arith.cmpi ne, %convert_element_type3A_1045, %cond3A_1046 : i32
      scf.if %cond3A_1047 {
        %get3A_1294 = arith.constant 0 : i32
        %get3A_1295 = arith.index_cast %get3A_1294 : i32 to index
        %get3A_1296 = arith.constant 0 : index
        %get3A_1297 = tpu.vector_load %arg8[%get3A_1295, %get3A_1296] {strides = array<i32>} : memref<2x128xi32, #tpu.memory_space<vmem>>, vector<16xi32>,
        %shift_right_logical3A = arith.constant 7 : i32
        %shift_right_logical3A_1298 = vector.broadcast %shift_right_logical3A : i32 to vector<16xi32>
        %shift_right_logical3A_1299 = arith.shrui %get3A_1297, %shift_right_logical3A_1298 : vector<16xi32>
        %and3A_1300 = arith.constant 127 : i32
        %and3A_1301 = vector.broadcast %and3A_1300 : i32 to vector<16xi32>
        %and3A_1302 = arith.andi %get3A_1297, %and3A_1301 : vector<16xi32>
        tpu.vector_store_idx %arg10[%shift_right_logical3A_1299, %and3A_1302], %broadcast_in_dim3A_2 {add = true} : memref<80x128xf32, #tpu.memory_space<vmem>>[vector<16xi32>, vector<16xi32>], vector<16xf32>,
        %get3A_1303 = arith.constant 0 : i32
        %get3A_1304 = arith.index_cast %get3A_1303 : i32 to index
        %get3A_1305 = arith.constant 16 : index
        %get3A_1306 = tpu.vector_load %arg8[%get3A_1304, %get3A_1305] {strides = array<i32>} : memref<2x128xi32, #tpu.memory_space<vmem>>, vector<16xi32>,
        %shift_right_logical3A_1307 = arith.constant 7 : i32
        %shift_right_logical3A_1308 = vector.broadcast %shift_right_logical3A_1307 : i32 to vector<16xi32>
        %shift_right_logical3A_1309 = arith.shrui %get3A_1306, %shift_right_logical3A_1308 : vector<16xi32>
        %and3A_1310 = arith.constant 127 : i32
        %and3A_1311 = vector.broadcast %and3A_1310 : i32 to vector<16xi32>
        %and3A_1312 = arith.andi %get3A_1306, %and3A_1311 : vector<16xi32>
        tpu.vector_store_idx %arg10[%shift_right_logical3A_1309, %and3A_1312], %broadcast_in_dim3A_2 {add = true} : memref<80x128xf32, #tpu.memory_space<vmem>>[vector<16xi32>, vector<16xi32>], vector<16xf32>,
        %get3A_1313 = arith.constant 0 : i32
        %get3A_1314 = arith.index_cast %get3A_1313 : i32 to index
        %get3A_1315 = arith.constant 32 : index
        %get3A_1316 = tpu.vector_load %arg8[%get3A_1314, %get3A_1315] {strides = array<i32>} : memref<2x128xi32, #tpu.memory_space<vmem>>, vector<16xi32>,
        %shift_right_logical3A_1317 = arith.constant 7 : i32
        %shift_right_logical3A_1318 = vector.broadcast %shift_right_logical3A_1317 : i32 to vector<16xi32>
        %shift_right_logical3A_1319 = arith.shrui %get3A_1316, %shift_right_logical3A_1318 : vector<16xi32>
        %and3A_1320 = arith.constant 127 : i32
        %and3A_1321 = vector.broadcast %and3A_1320 : i32 to vector<16xi32>
        %and3A_1322 = arith.andi %get3A_1316, %and3A_1321 : vector<16xi32>
        tpu.vector_store_idx %arg10[%shift_right_logical3A_1319, %and3A_1322], %broadcast_in_dim3A_2 {add = true} : memref<80x128xf32, #tpu.memory_space<vmem>>[vector<16xi32>, vector<16xi32>], vector<16xf32>,
        %get3A_1323 = arith.constant 0 : i32
        %get3A_1324 = arith.index_cast %get3A_1323 : i32 to index
        %get3A_1325 = arith.constant 48 : index
        %get3A_1326 = tpu.vector_load %arg8[%get3A_1324, %get3A_1325] {strides = array<i32>} : memref<2x128xi32, #tpu.memory_space<vmem>>, vector<16xi32>,
        %shift_right_logical3A_1327 = arith.constant 7 : i32
        %shift_right_logical3A_1328 = vector.broadcast %shift_right_logical3A_1327 : i32 to vector<16xi32>
        %shift_right_logical3A_1329 = arith.shrui %get3A_1326, %shift_right_logical3A_1328 : vector<16xi32>
        %and3A_1330 = arith.constant 127 : i32
        %and3A_1331 = vector.broadcast %and3A_1330 : i32 to vector<16xi32>
        %and3A_1332 = arith.andi %get3A_1326, %and3A_1331 : vector<16xi32>
        tpu.vector_store_idx %arg10[%shift_right_logical3A_1329, %and3A_1332], %broadcast_in_dim3A_2 {add = true} : memref<80x128xf32, #tpu.memory_space<vmem>>[vector<16xi32>, vector<16xi32>], vector<16xf32>,
        %get3A_1333 = arith.constant 0 : i32
        %get3A_1334 = arith.index_cast %get3A_1333 : i32 to index
        %get3A_1335 = arith.constant 64 : index
        %get3A_1336 = tpu.vector_load %arg8[%get3A_1334, %get3A_1335] {strides = array<i32>} : memref<2x128xi32, #tpu.memory_space<vmem>>, vector<16xi32>,
        %shift_right_logical3A_1337 = arith.constant 7 : i32
        %shift_right_logical3A_1338 = vector.broadcast %shift_right_logical3A_1337 : i32 to vector<16xi32>
        %shift_right_logical3A_1339 = arith.shrui %get3A_1336, %shift_right_logical3A_1338 : vector<16xi32>
        %and3A_1340 = arith.constant 127 : i32
        %and3A_1341 = vector.broadcast %and3A_1340 : i32 to vector<16xi32>
        %and3A_1342 = arith.andi %get3A_1336, %and3A_1341 : vector<16xi32>
        tpu.vector_store_idx %arg10[%shift_right_logical3A_1339, %and3A_1342], %broadcast_in_dim3A_2 {add = true} : memref<80x128xf32, #tpu.memory_space<vmem>>[vector<16xi32>, vector<16xi32>], vector<16xf32>,
        %get3A_1343 = arith.constant 0 : i32
        %get3A_1344 = arith.index_cast %get3A_1343 : i32 to index
        %get3A_1345 = arith.constant 80 : index
        %get3A_1346 = tpu.vector_load %arg8[%get3A_1344, %get3A_1345] {strides = array<i32>} : memref<2x128xi32, #tpu.memory_space<vmem>>, vector<16xi32>,
        %shift_right_logical3A_1347 = arith.constant 7 : i32
        %shift_right_logical3A_1348 = vector.broadcast %shift_right_logical3A_1347 : i32 to vector<16xi32>
        %shift_right_logical3A_1349 = arith.shrui %get3A_1346, %shift_right_logical3A_1348 : vector<16xi32>
        %and3A_1350 = arith.constant 127 : i32
        %and3A_1351 = vector.broadcast %and3A_1350 : i32 to vector<16xi32>
        %and3A_1352 = arith.andi %get3A_1346, %and3A_1351 : vector<16xi32>
        tpu.vector_store_idx %arg10[%shift_right_logical3A_1349, %and3A_1352], %broadcast_in_dim3A_2 {add = true} : memref<80x128xf32, #tpu.memory_space<vmem>>[vector<16xi32>, vector<16xi32>], vector<16xf32>,
        %get3A_1353 = arith.constant 0 : i32
        %get3A_1354 = arith.index_cast %get3A_1353 : i32 to index
        %get3A_1355 = arith.constant 96 : index
        %get3A_1356 = tpu.vector_load %arg8[%get3A_1354, %get3A_1355] {strides = array<i32>} : memref<2x128xi32, #tpu.memory_space<vmem>>, vector<16xi32>,
        %shift_right_logical3A_1357 = arith.constant 7 : i32
        %shift_right_logical3A_1358 = vector.broadcast %shift_right_logical3A_1357 : i32 to vector<16xi32>
        %shift_right_logical3A_1359 = arith.shrui %get3A_1356, %shift_right_logical3A_1358 : vector<16xi32>
        %and3A_1360 = arith.constant 127 : i32
        %and3A_1361 = vector.broadcast %and3A_1360 : i32 to vector<16xi32>
        %and3A_1362 = arith.andi %get3A_1356, %and3A_1361 : vector<16xi32>
        tpu.vector_store_idx %arg10[%shift_right_logical3A_1359, %and3A_1362], %broadcast_in_dim3A_2 {add = true} : memref<80x128xf32, #tpu.memory_space<vmem>>[vector<16xi32>, vector<16xi32>], vector<16xf32>,
        %get3A_1363 = arith.constant 0 : i32
        %get3A_1364 = arith.index_cast %get3A_1363 : i32 to index
        %get3A_1365 = arith.constant 112 : index
        %get3A_1366 = tpu.vector_load %arg8[%get3A_1364, %get3A_1365] {strides = array<i32>} : memref<2x128xi32, #tpu.memory_space<vmem>>, vector<16xi32>,
        %shift_right_logical3A_1367 = arith.constant 7 : i32
        %shift_right_logical3A_1368 = vector.broadcast %shift_right_logical3A_1367 : i32 to vector<16xi32>
        %shift_right_logical3A_1369 = arith.shrui %get3A_1366, %shift_right_logical3A_1368 : vector<16xi32>
        %and3A_1370 = arith.constant 127 : i32
        %and3A_1371 = vector.broadcast %and3A_1370 : i32 to vector<16xi32>
        %and3A_1372 = arith.andi %get3A_1366, %and3A_1371 : vector<16xi32>
        tpu.vector_store_idx %arg10[%shift_right_logical3A_1369, %and3A_1372], %broadcast_in_dim3A_2 {add = true} : memref<80x128xf32, #tpu.memory_space<vmem>>[vector<16xi32>, vector<16xi32>], vector<16xf32>,
      } else {
      }
      %dma_wait3A_1048 = arith.constant 1 : i32
      %dma_wait3A_1049 = arith.constant 1 : i32
      %dma_wait3A_1050 = arith.constant 0 : i32
      %dma_wait3A_1051 = arith.constant 0 : i32
      %dma_wait3A_1052 = tpu.memref_slice %arg9[%dma_wait3A_1049, %dma_wait3A_1050, %dma_wait3A_1051] : memref<2x128x128xf32, #tpu.memory_space<vmem>> -> memref<1x128x128xf32, #tpu.memory_space<vmem>>
      %dma_wait3A_1053 = tpu.memref_squeeze %dma_wait3A_1052 : memref<1x128x128xf32, #tpu.memory_space<vmem>> -> memref<128x128xf32, #tpu.memory_space<vmem>>
      %dma_wait3A_1054 = arith.constant 0 : i32
      %dma_wait3A_1055 = tpu.memref_slice %arg7[%dma_wait3A_1048, %dma_wait3A_1054] : memref<2x128xi32, #tpu.memory_space<vmem>> -> memref<1x128xi32, #tpu.memory_space<vmem>>
      %dma_wait3A_1056 = tpu.memref_squeeze %dma_wait3A_1055 : memref<1x128xi32, #tpu.memory_space<vmem>> -> memref<128xi32, #tpu.memory_space<vmem>>
      %dma_wait3A_1057 = arith.constant 0 : i32
      %dma_wait3A_1058 = arith.constant 0 : i32
      %dma_wait3A_1059 = tpu.memref_slice %arg2[%dma_wait3A_1057, %dma_wait3A_1058] : memref<20000x128xf32, #tpu.memory_space<hbm>> -> memref<20000x128xf32, #tpu.memory_space<hbm>>
      tpu.wait_indirect_dma semaphore(%arg14 : memref<!tpu.dma_semaphore, #tpu.memory_space<semaphore_mem>>) src(%dma_wait3A_1059 : memref<20000x128xf32, #tpu.memory_space<hbm>>) dst(%dma_wait3A_1053 : memref<128x128xf32, #tpu.memory_space<vmem>>)
      %dma_start3A_1060 = arith.constant 1 : i32
      %dma_start3A_1061 = arith.constant 1 : i32
      %dma_start3A_1062 = arith.constant 0 : i32
      %dma_start3A_1063 = arith.constant 0 : i32
      %dma_start3A_1064 = tpu.memref_slice %arg9[%dma_start3A_1060, %dma_start3A_1062, %dma_start3A_1063] : memref<2x128x128xf32, #tpu.memory_space<vmem>> -> memref<1x128x128xf32, #tpu.memory_space<vmem>>
      %dma_start3A_1065 = tpu.memref_squeeze %dma_start3A_1064 : memref<1x128x128xf32, #tpu.memory_space<vmem>> -> memref<128x128xf32, #tpu.memory_space<vmem>>
      %dma_start3A_1066 = arith.constant 0 : i32
      %dma_start3A_1067 = tpu.memref_slice %arg8[%dma_start3A_1061, %dma_start3A_1066] : memref<2x128xi32, #tpu.memory_space<vmem>> -> memref<1x128xi32, #tpu.memory_space<vmem>>
      %dma_start3A_1068 = tpu.memref_squeeze %dma_start3A_1067 : memref<1x128xi32, #tpu.memory_space<vmem>> -> memref<128xi32, #tpu.memory_space<vmem>>
      %dma_start3A_1069 = arith.constant 0 : i32
      %dma_start3A_1070 = arith.constant 0 : i32
      %dma_start3A_1071 = tpu.memref_slice %arg12[%dma_start3A_1069, %dma_start3A_1070] : memref<10240x128xf32, #tpu.memory_space<vmem_shared>> -> memref<10240x128xf32, #tpu.memory_space<vmem_shared>>
      tpu.enqueue_indirect_dma source(%dma_start3A_1065 : memref<128x128xf32, #tpu.memory_space<vmem>>) target(%dma_start3A_1071 : memref<10240x128xf32, #tpu.memory_space<vmem_shared>>) offsets(%dma_start3A_1068 : memref<128xi32, #tpu.memory_space<vmem>>) semaphore(%arg15 : memref<!tpu.dma_semaphore, #tpu.memory_space<semaphore_mem>>) {add = true}
      %dma_start3A_1072 = arith.constant 0 : i32
      %dma_start3A_1073 = arith.constant 0 : i32
      %dma_start3A_1074 = arith.constant 0 : i32
      %dma_start3A_1075 = arith.constant 0 : i32
      %dma_start3A_1076 = tpu.memref_slice %arg9[%dma_start3A_1073, %dma_start3A_1074, %dma_start3A_1075] : memref<2x128x128xf32, #tpu.memory_space<vmem>> -> memref<1x128x128xf32, #tpu.memory_space<vmem>>
      %dma_start3A_1077 = tpu.memref_squeeze %dma_start3A_1076 : memref<1x128x128xf32, #tpu.memory_space<vmem>> -> memref<128x128xf32, #tpu.memory_space<vmem>>
      %dma_start3A_1078 = arith.constant 0 : i32
      %dma_start3A_1079 = tpu.memref_slice %arg7[%dma_start3A_1072, %dma_start3A_1078] : memref<2x128xi32, #tpu.memory_space<vmem>> -> memref<1x128xi32, #tpu.memory_space<vmem>>
      %dma_start3A_1080 = tpu.memref_squeeze %dma_start3A_1079 : memref<1x128xi32, #tpu.memory_space<vmem>> -> memref<128xi32, #tpu.memory_space<vmem>>
      %dma_start3A_1081 = arith.constant 0 : i32
      %dma_start3A_1082 = arith.constant 0 : i32
      %dma_start3A_1083 = tpu.memref_slice %arg2[%dma_start3A_1081, %dma_start3A_1082] : memref<20000x128xf32, #tpu.memory_space<hbm>> -> memref<20000x128xf32, #tpu.memory_space<hbm>>
      tpu.enqueue_indirect_dma source(%dma_start3A_1083 : memref<20000x128xf32, #tpu.memory_space<hbm>>) target(%dma_start3A_1077 : memref<128x128xf32, #tpu.memory_space<vmem>>) offsets(%dma_start3A_1080 : memref<128xi32, #tpu.memory_space<vmem>>) semaphore(%arg14 : memref<!tpu.dma_semaphore, #tpu.memory_space<semaphore_mem>>)
      %dma_wait3A_1084 = arith.constant 1 : i32
      %dma_wait3A_1085 = arith.constant 1 : i32
      %dma_wait3A_1086 = arith.constant 0 : i32
      %dma_wait3A_1087 = arith.constant 0 : i32
      %dma_wait3A_1088 = tpu.memref_slice %arg9[%dma_wait3A_1084, %dma_wait3A_1086, %dma_wait3A_1087] : memref<2x128x128xf32, #tpu.memory_space<vmem>> -> memref<1x128x128xf32, #tpu.memory_space<vmem>>
      %dma_wait3A_1089 = tpu.memref_squeeze %dma_wait3A_1088 : memref<1x128x128xf32, #tpu.memory_space<vmem>> -> memref<128x128xf32, #tpu.memory_space<vmem>>
      %dma_wait3A_1090 = arith.constant 0 : i32
      %dma_wait3A_1091 = tpu.memref_slice %arg8[%dma_wait3A_1085, %dma_wait3A_1090] : memref<2x128xi32, #tpu.memory_space<vmem>> -> memref<1x128xi32, #tpu.memory_space<vmem>>
      %dma_wait3A_1092 = tpu.memref_squeeze %dma_wait3A_1091 : memref<1x128xi32, #tpu.memory_space<vmem>> -> memref<128xi32, #tpu.memory_space<vmem>>
      %dma_wait3A_1093 = arith.constant 0 : i32
      %dma_wait3A_1094 = arith.constant 0 : i32
      %dma_wait3A_1095 = tpu.memref_slice %arg12[%dma_wait3A_1093, %dma_wait3A_1094] : memref<10240x128xf32, #tpu.memory_space<vmem_shared>> -> memref<10240x128xf32, #tpu.memory_space<vmem_shared>>
      tpu.wait_indirect_dma semaphore(%arg15 : memref<!tpu.dma_semaphore, #tpu.memory_space<semaphore_mem>>) src(%dma_wait3A_1089 : memref<128x128xf32, #tpu.memory_space<vmem>>) dst(%dma_wait3A_1095 : memref<10240x128xf32, #tpu.memory_space<vmem_shared>>)
      %mul3A_1096 = arith.constant 128 : i32
      %mul3A_1097 = arith.muli %add3A_328, %mul3A_1096 : i32
      %run_scoped3A_1098 = arith.constant 1 : i32
      "tpu.region"() ({
        %run_scoped3A_1294 = tpu.sem_alloc : memref<!tpu.dma_semaphore, #tpu.memory_space<semaphore_mem>>
        %dma_start3A_1295 = arith.constant 0 : i32
        %dma_start3A_1296 = tpu.memref_slice %arg7[%run_scoped3A_1098, %dma_start3A_1295] : memref<2x128xi32, #tpu.memory_space<vmem>> -> memref<1x128xi32, #tpu.memory_space<vmem>>
        %dma_start3A_1297 = tpu.memref_squeeze %dma_start3A_1296 : memref<1x128xi32, #tpu.memory_space<vmem>> -> memref<128xi32, #tpu.memory_space<vmem>>
        %dma_start3A_1298 = tpu.memref_slice %arg3[%mul3A_1097] : memref<160000xi32, #tpu.memory_space<hbm>> -> memref<128xi32, #tpu.memory_space<hbm>>
        %dma_start3A_1299 = arith.constant 0 : i32
        %dma_start3A_1300 = tpu.memref_slice %arg7[%run_scoped3A_1098, %dma_start3A_1299] : memref<2x128xi32, #tpu.memory_space<vmem>> -> memref<1x128xi32, #tpu.memory_space<vmem>>
        %dma_start3A_1301 = tpu.memref_squeeze %dma_start3A_1300 : memref<1x128xi32, #tpu.memory_space<vmem>> -> memref<128xi32, #tpu.memory_space<vmem>>
        %dma_start3A_1302 = tpu.memref_slice %arg3[%mul3A_1097] : memref<160000xi32, #tpu.memory_space<hbm>> -> memref<128xi32, #tpu.memory_space<hbm>>
        tpu.enqueue_dma source(%dma_start3A_1302 : memref<128xi32, #tpu.memory_space<hbm>>) target(%dma_start3A_1301 : memref<128xi32, #tpu.memory_space<vmem>>) target_semaphore(%run_scoped3A_1294 : memref<!tpu.dma_semaphore, #tpu.memory_space<semaphore_mem>>)
        %dma_wait3A_1303 = arith.constant 0 : i32
        %dma_wait3A_1304 = tpu.memref_slice %arg7[%run_scoped3A_1098, %dma_wait3A_1303] : memref<2x128xi32, #tpu.memory_space<vmem>> -> memref<1x128xi32, #tpu.memory_space<vmem>>
        %dma_wait3A_1305 = tpu.memref_squeeze %dma_wait3A_1304 : memref<1x128xi32, #tpu.memory_space<vmem>> -> memref<128xi32, #tpu.memory_space<vmem>>
        %dma_wait3A_1306 = tpu.memref_slice %arg3[%mul3A_1097] : memref<160000xi32, #tpu.memory_space<hbm>> -> memref<128xi32, #tpu.memory_space<hbm>>
        %dma_wait3A_1307 = arith.constant 0 : i32
        %dma_wait3A_1308 = tpu.memref_slice %arg7[%run_scoped3A_1098, %dma_wait3A_1307] : memref<2x128xi32, #tpu.memory_space<vmem>> -> memref<1x128xi32, #tpu.memory_space<vmem>>
        %dma_wait3A_1309 = tpu.memref_squeeze %dma_wait3A_1308 : memref<1x128xi32, #tpu.memory_space<vmem>> -> memref<128xi32, #tpu.memory_space<vmem>>
        %dma_wait3A_1310 = tpu.memref_slice %arg3[%mul3A_1097] : memref<160000xi32, #tpu.memory_space<hbm>> -> memref<128xi32, #tpu.memory_space<hbm>>
        tpu.wait_dma2 semaphore(%run_scoped3A_1294 : memref<!tpu.dma_semaphore, #tpu.memory_space<semaphore_mem>>) src(%dma_wait3A_1310 : memref<128xi32, #tpu.memory_space<hbm>>) dst(%dma_wait3A_1309 : memref<128xi32, #tpu.memory_space<vmem>>)
        tpu.yield
      }) : () -> ()
      %run_scoped3A_1099 = arith.constant 1 : i32
      "tpu.region"() ({
        %run_scoped3A_1294 = tpu.sem_alloc : memref<!tpu.dma_semaphore, #tpu.memory_space<semaphore_mem>>
        %dma_start3A_1295 = arith.constant 0 : i32
        %dma_start3A_1296 = tpu.memref_slice %arg8[%run_scoped3A_1099, %dma_start3A_1295] : memref<2x128xi32, #tpu.memory_space<vmem>> -> memref<1x128xi32, #tpu.memory_space<vmem>>
        %dma_start3A_1297 = tpu.memref_squeeze %dma_start3A_1296 : memref<1x128xi32, #tpu.memory_space<vmem>> -> memref<128xi32, #tpu.memory_space<vmem>>
        %dma_start3A_1298 = tpu.memref_slice %arg4[%mul3A_1097] : memref<160000xi32, #tpu.memory_space<hbm>> -> memref<128xi32, #tpu.memory_space<hbm>>
        %dma_start3A_1299 = arith.constant 0 : i32
        %dma_start3A_1300 = tpu.memref_slice %arg8[%run_scoped3A_1099, %dma_start3A_1299] : memref<2x128xi32, #tpu.memory_space<vmem>> -> memref<1x128xi32, #tpu.memory_space<vmem>>
        %dma_start3A_1301 = tpu.memref_squeeze %dma_start3A_1300 : memref<1x128xi32, #tpu.memory_space<vmem>> -> memref<128xi32, #tpu.memory_space<vmem>>
        %dma_start3A_1302 = tpu.memref_slice %arg4[%mul3A_1097] : memref<160000xi32, #tpu.memory_space<hbm>> -> memref<128xi32, #tpu.memory_space<hbm>>
        tpu.enqueue_dma source(%dma_start3A_1302 : memref<128xi32, #tpu.memory_space<hbm>>) target(%dma_start3A_1301 : memref<128xi32, #tpu.memory_space<vmem>>) target_semaphore(%run_scoped3A_1294 : memref<!tpu.dma_semaphore, #tpu.memory_space<semaphore_mem>>)
        %dma_wait3A_1303 = arith.constant 0 : i32
        %dma_wait3A_1304 = tpu.memref_slice %arg8[%run_scoped3A_1099, %dma_wait3A_1303] : memref<2x128xi32, #tpu.memory_space<vmem>> -> memref<1x128xi32, #tpu.memory_space<vmem>>
        %dma_wait3A_1305 = tpu.memref_squeeze %dma_wait3A_1304 : memref<1x128xi32, #tpu.memory_space<vmem>> -> memref<128xi32, #tpu.memory_space<vmem>>
        %dma_wait3A_1306 = tpu.memref_slice %arg4[%mul3A_1097] : memref<160000xi32, #tpu.memory_space<hbm>> -> memref<128xi32, #tpu.memory_space<hbm>>
        %dma_wait3A_1307 = arith.constant 0 : i32
        %dma_wait3A_1308 = tpu.memref_slice %arg8[%run_scoped3A_1099, %dma_wait3A_1307] : memref<2x128xi32, #tpu.memory_space<vmem>> -> memref<1x128xi32, #tpu.memory_space<vmem>>
        %dma_wait3A_1309 = tpu.memref_squeeze %dma_wait3A_1308 : memref<1x128xi32, #tpu.memory_space<vmem>> -> memref<128xi32, #tpu.memory_space<vmem>>
        %dma_wait3A_1310 = tpu.memref_slice %arg4[%mul3A_1097] : memref<160000xi32, #tpu.memory_space<hbm>> -> memref<128xi32, #tpu.memory_space<hbm>>
        tpu.wait_dma2 semaphore(%run_scoped3A_1294 : memref<!tpu.dma_semaphore, #tpu.memory_space<semaphore_mem>>) src(%dma_wait3A_1310 : memref<128xi32, #tpu.memory_space<hbm>>) dst(%dma_wait3A_1309 : memref<128xi32, #tpu.memory_space<vmem>>)
        tpu.yield
      }) : () -> ()
      %get3A_1100 = arith.constant 1 : i32
      %get3A_1101 = arith.index_cast %get3A_1100 : i32 to index
      %get3A_1102 = arith.constant 0 : index
      %get3A_1103 = tpu.vector_load %arg7[%get3A_1101, %get3A_1102] {strides = array<i32>} : memref<2x128xi32, #tpu.memory_space<vmem>>, vector<16xi32>,
      %mul3A_1104 = arith.constant 2 : i32
      %mul3A_1105 = vector.broadcast %mul3A_1104 : i32 to vector<16xi32>
      %mul3A_1106 = arith.muli %get3A_1103, %mul3A_1105 : vector<16xi32>
      %add3A_1107 = vector.broadcast %arg0 : i32 to vector<16xi32>
      %add3A_1108 = arith.addi %mul3A_1106, %add3A_1107 : vector<16xi32>
      %swap3A_1109 = arith.constant 1 : i32
      %swap3A_1110 = arith.index_cast %swap3A_1109 : i32 to index
      %swap3A_1111 = arith.constant 0 : index
      %swap3A_1112 = tpu.vector_load %arg7[%swap3A_1110, %swap3A_1111] {strides = array<i32>} : memref<2x128xi32, #tpu.memory_space<vmem>>, vector<16xi32>,
      tpu.vector_store %arg7[%swap3A_1110, %swap3A_1111], %add3A_1108 {strides = array<i32>} : memref<2x128xi32, #tpu.memory_space<vmem>>, vector<16xi32>,
      %get3A_1113 = arith.constant 1 : i32
      %get3A_1114 = arith.index_cast %get3A_1113 : i32 to index
      %get3A_1115 = arith.constant 16 : index
      %get3A_1116 = tpu.vector_load %arg7[%get3A_1114, %get3A_1115] {strides = array<i32>} : memref<2x128xi32, #tpu.memory_space<vmem>>, vector<16xi32>,
      %mul3A_1117 = arith.constant 2 : i32
      %mul3A_1118 = vector.broadcast %mul3A_1117 : i32 to vector<16xi32>
      %mul3A_1119 = arith.muli %get3A_1116, %mul3A_1118 : vector<16xi32>
      %add3A_1120 = vector.broadcast %arg0 : i32 to vector<16xi32>
      %add3A_1121 = arith.addi %mul3A_1119, %add3A_1120 : vector<16xi32>
      %swap3A_1122 = arith.constant 1 : i32
      %swap3A_1123 = arith.index_cast %swap3A_1122 : i32 to index
      %swap3A_1124 = arith.constant 16 : index
      %swap3A_1125 = tpu.vector_load %arg7[%swap3A_1123, %swap3A_1124] {strides = array<i32>} : memref<2x128xi32, #tpu.memory_space<vmem>>, vector<16xi32>,
      tpu.vector_store %arg7[%swap3A_1123, %swap3A_1124], %add3A_1121 {strides = array<i32>} : memref<2x128xi32, #tpu.memory_space<vmem>>, vector<16xi32>,
      %get3A_1126 = arith.constant 1 : i32
      %get3A_1127 = arith.index_cast %get3A_1126 : i32 to index
      %get3A_1128 = arith.constant 32 : index
      %get3A_1129 = tpu.vector_load %arg7[%get3A_1127, %get3A_1128] {strides = array<i32>} : memref<2x128xi32, #tpu.memory_space<vmem>>, vector<16xi32>,
      %mul3A_1130 = arith.constant 2 : i32
      %mul3A_1131 = vector.broadcast %mul3A_1130 : i32 to vector<16xi32>
      %mul3A_1132 = arith.muli %get3A_1129, %mul3A_1131 : vector<16xi32>
      %add3A_1133 = vector.broadcast %arg0 : i32 to vector<16xi32>
      %add3A_1134 = arith.addi %mul3A_1132, %add3A_1133 : vector<16xi32>
      %swap3A_1135 = arith.constant 1 : i32
      %swap3A_1136 = arith.index_cast %swap3A_1135 : i32 to index
      %swap3A_1137 = arith.constant 32 : index
      %swap3A_1138 = tpu.vector_load %arg7[%swap3A_1136, %swap3A_1137] {strides = array<i32>} : memref<2x128xi32, #tpu.memory_space<vmem>>, vector<16xi32>,
      tpu.vector_store %arg7[%swap3A_1136, %swap3A_1137], %add3A_1134 {strides = array<i32>} : memref<2x128xi32, #tpu.memory_space<vmem>>, vector<16xi32>,
      %get3A_1139 = arith.constant 1 : i32
      %get3A_1140 = arith.index_cast %get3A_1139 : i32 to index
      %get3A_1141 = arith.constant 48 : index
      %get3A_1142 = tpu.vector_load %arg7[%get3A_1140, %get3A_1141] {strides = array<i32>} : memref<2x128xi32, #tpu.memory_space<vmem>>, vector<16xi32>,
      %mul3A_1143 = arith.constant 2 : i32
      %mul3A_1144 = vector.broadcast %mul3A_1143 : i32 to vector<16xi32>
      %mul3A_1145 = arith.muli %get3A_1142, %mul3A_1144 : vector<16xi32>
      %add3A_1146 = vector.broadcast %arg0 : i32 to vector<16xi32>
      %add3A_1147 = arith.addi %mul3A_1145, %add3A_1146 : vector<16xi32>
      %swap3A_1148 = arith.constant 1 : i32
      %swap3A_1149 = arith.index_cast %swap3A_1148 : i32 to index
      %swap3A_1150 = arith.constant 48 : index
      %swap3A_1151 = tpu.vector_load %arg7[%swap3A_1149, %swap3A_1150] {strides = array<i32>} : memref<2x128xi32, #tpu.memory_space<vmem>>, vector<16xi32>,
      tpu.vector_store %arg7[%swap3A_1149, %swap3A_1150], %add3A_1147 {strides = array<i32>} : memref<2x128xi32, #tpu.memory_space<vmem>>, vector<16xi32>,
      %get3A_1152 = arith.constant 1 : i32
      %get3A_1153 = arith.index_cast %get3A_1152 : i32 to index
      %get3A_1154 = arith.constant 64 : index
      %get3A_1155 = tpu.vector_load %arg7[%get3A_1153, %get3A_1154] {strides = array<i32>} : memref<2x128xi32, #tpu.memory_space<vmem>>, vector<16xi32>,
      %mul3A_1156 = arith.constant 2 : i32
      %mul3A_1157 = vector.broadcast %mul3A_1156 : i32 to vector<16xi32>
      %mul3A_1158 = arith.muli %get3A_1155, %mul3A_1157 : vector<16xi32>
      %add3A_1159 = vector.broadcast %arg0 : i32 to vector<16xi32>
      %add3A_1160 = arith.addi %mul3A_1158, %add3A_1159 : vector<16xi32>
      %swap3A_1161 = arith.constant 1 : i32
      %swap3A_1162 = arith.index_cast %swap3A_1161 : i32 to index
      %swap3A_1163 = arith.constant 64 : index
      %swap3A_1164 = tpu.vector_load %arg7[%swap3A_1162, %swap3A_1163] {strides = array<i32>} : memref<2x128xi32, #tpu.memory_space<vmem>>, vector<16xi32>,
      tpu.vector_store %arg7[%swap3A_1162, %swap3A_1163], %add3A_1160 {strides = array<i32>} : memref<2x128xi32, #tpu.memory_space<vmem>>, vector<16xi32>,
      %get3A_1165 = arith.constant 1 : i32
      %get3A_1166 = arith.index_cast %get3A_1165 : i32 to index
      %get3A_1167 = arith.constant 80 : index
      %get3A_1168 = tpu.vector_load %arg7[%get3A_1166, %get3A_1167] {strides = array<i32>} : memref<2x128xi32, #tpu.memory_space<vmem>>, vector<16xi32>,
      %mul3A_1169 = arith.constant 2 : i32
      %mul3A_1170 = vector.broadcast %mul3A_1169 : i32 to vector<16xi32>
      %mul3A_1171 = arith.muli %get3A_1168, %mul3A_1170 : vector<16xi32>
      %add3A_1172 = vector.broadcast %arg0 : i32 to vector<16xi32>
      %add3A_1173 = arith.addi %mul3A_1171, %add3A_1172 : vector<16xi32>
      %swap3A_1174 = arith.constant 1 : i32
      %swap3A_1175 = arith.index_cast %swap3A_1174 : i32 to index
      %swap3A_1176 = arith.constant 80 : index
      %swap3A_1177 = tpu.vector_load %arg7[%swap3A_1175, %swap3A_1176] {strides = array<i32>} : memref<2x128xi32, #tpu.memory_space<vmem>>, vector<16xi32>,
      tpu.vector_store %arg7[%swap3A_1175, %swap3A_1176], %add3A_1173 {strides = array<i32>} : memref<2x128xi32, #tpu.memory_space<vmem>>, vector<16xi32>,
      %get3A_1178 = arith.constant 1 : i32
      %get3A_1179 = arith.index_cast %get3A_1178 : i32 to index
      %get3A_1180 = arith.constant 96 : index
      %get3A_1181 = tpu.vector_load %arg7[%get3A_1179, %get3A_1180] {strides = array<i32>} : memref<2x128xi32, #tpu.memory_space<vmem>>, vector<16xi32>,
      %mul3A_1182 = arith.constant 2 : i32
      %mul3A_1183 = vector.broadcast %mul3A_1182 : i32 to vector<16xi32>
      %mul3A_1184 = arith.muli %get3A_1181, %mul3A_1183 : vector<16xi32>
      %add3A_1185 = vector.broadcast %arg0 : i32 to vector<16xi32>
      %add3A_1186 = arith.addi %mul3A_1184, %add3A_1185 : vector<16xi32>
      %swap3A_1187 = arith.constant 1 : i32
      %swap3A_1188 = arith.index_cast %swap3A_1187 : i32 to index
      %swap3A_1189 = arith.constant 96 : index
      %swap3A_1190 = tpu.vector_load %arg7[%swap3A_1188, %swap3A_1189] {strides = array<i32>} : memref<2x128xi32, #tpu.memory_space<vmem>>, vector<16xi32>,
      tpu.vector_store %arg7[%swap3A_1188, %swap3A_1189], %add3A_1186 {strides = array<i32>} : memref<2x128xi32, #tpu.memory_space<vmem>>, vector<16xi32>,
      %get3A_1191 = arith.constant 1 : i32
      %get3A_1192 = arith.index_cast %get3A_1191 : i32 to index
      %get3A_1193 = arith.constant 112 : index
      %get3A_1194 = tpu.vector_load %arg7[%get3A_1192, %get3A_1193] {strides = array<i32>} : memref<2x128xi32, #tpu.memory_space<vmem>>, vector<16xi32>,
      %mul3A_1195 = arith.constant 2 : i32
      %mul3A_1196 = vector.broadcast %mul3A_1195 : i32 to vector<16xi32>
      %mul3A_1197 = arith.muli %get3A_1194, %mul3A_1196 : vector<16xi32>
      %add3A_1198 = vector.broadcast %arg0 : i32 to vector<16xi32>
      %add3A_1199 = arith.addi %mul3A_1197, %add3A_1198 : vector<16xi32>
      %swap3A_1200 = arith.constant 1 : i32
      %swap3A_1201 = arith.index_cast %swap3A_1200 : i32 to index
      %swap3A_1202 = arith.constant 112 : index
      %swap3A_1203 = tpu.vector_load %arg7[%swap3A_1201, %swap3A_1202] {strides = array<i32>} : memref<2x128xi32, #tpu.memory_space<vmem>>, vector<16xi32>,
      tpu.vector_store %arg7[%swap3A_1201, %swap3A_1202], %add3A_1199 {strides = array<i32>} : memref<2x128xi32, #tpu.memory_space<vmem>>, vector<16xi32>,
      %eq3A_1204 = arith.constant 0 : i32
      %eq3A_1205 = arith.cmpi eq, %arg0, %eq3A_1204 : i32
      %convert_element_type3A_1206 = arith.extui %eq3A_1205 : i1 to i32
      %cond3A_1207 = arith.constant 0 : i32
      %cond3A_1208 = arith.cmpi ne, %convert_element_type3A_1206, %cond3A_1207 : i32
      scf.if %cond3A_1208 {
        %get3A_1294 = arith.constant 1 : i32
        %get3A_1295 = arith.index_cast %get3A_1294 : i32 to index
        %get3A_1296 = arith.constant 0 : index
        %get3A_1297 = tpu.vector_load %arg8[%get3A_1295, %get3A_1296] {strides = array<i32>} : memref<2x128xi32, #tpu.memory_space<vmem>>, vector<16xi32>,
        %shift_right_logical3A = arith.constant 7 : i32
        %shift_right_logical3A_1298 = vector.broadcast %shift_right_logical3A : i32 to vector<16xi32>
        %shift_right_logical3A_1299 = arith.shrui %get3A_1297, %shift_right_logical3A_1298 : vector<16xi32>
        %and3A_1300 = arith.constant 127 : i32
        %and3A_1301 = vector.broadcast %and3A_1300 : i32 to vector<16xi32>
        %and3A_1302 = arith.andi %get3A_1297, %and3A_1301 : vector<16xi32>
        tpu.vector_store_idx %arg10[%shift_right_logical3A_1299, %and3A_1302], %broadcast_in_dim3A_2 {add = true} : memref<80x128xf32, #tpu.memory_space<vmem>>[vector<16xi32>, vector<16xi32>], vector<16xf32>,
        %get3A_1303 = arith.constant 1 : i32
        %get3A_1304 = arith.index_cast %get3A_1303 : i32 to index
        %get3A_1305 = arith.constant 16 : index
        %get3A_1306 = tpu.vector_load %arg8[%get3A_1304, %get3A_1305] {strides = array<i32>} : memref<2x128xi32, #tpu.memory_space<vmem>>, vector<16xi32>,
        %shift_right_logical3A_1307 = arith.constant 7 : i32
        %shift_right_logical3A_1308 = vector.broadcast %shift_right_logical3A_1307 : i32 to vector<16xi32>
        %shift_right_logical3A_1309 = arith.shrui %get3A_1306, %shift_right_logical3A_1308 : vector<16xi32>
        %and3A_1310 = arith.constant 127 : i32
        %and3A_1311 = vector.broadcast %and3A_1310 : i32 to vector<16xi32>
        %and3A_1312 = arith.andi %get3A_1306, %and3A_1311 : vector<16xi32>
        tpu.vector_store_idx %arg10[%shift_right_logical3A_1309, %and3A_1312], %broadcast_in_dim3A_2 {add = true} : memref<80x128xf32, #tpu.memory_space<vmem>>[vector<16xi32>, vector<16xi32>], vector<16xf32>,
        %get3A_1313 = arith.constant 1 : i32
        %get3A_1314 = arith.index_cast %get3A_1313 : i32 to index
        %get3A_1315 = arith.constant 32 : index
        %get3A_1316 = tpu.vector_load %arg8[%get3A_1314, %get3A_1315] {strides = array<i32>} : memref<2x128xi32, #tpu.memory_space<vmem>>, vector<16xi32>,
        %shift_right_logical3A_1317 = arith.constant 7 : i32
        %shift_right_logical3A_1318 = vector.broadcast %shift_right_logical3A_1317 : i32 to vector<16xi32>
        %shift_right_logical3A_1319 = arith.shrui %get3A_1316, %shift_right_logical3A_1318 : vector<16xi32>
        %and3A_1320 = arith.constant 127 : i32
        %and3A_1321 = vector.broadcast %and3A_1320 : i32 to vector<16xi32>
        %and3A_1322 = arith.andi %get3A_1316, %and3A_1321 : vector<16xi32>
        tpu.vector_store_idx %arg10[%shift_right_logical3A_1319, %and3A_1322], %broadcast_in_dim3A_2 {add = true} : memref<80x128xf32, #tpu.memory_space<vmem>>[vector<16xi32>, vector<16xi32>], vector<16xf32>,
        %get3A_1323 = arith.constant 1 : i32
        %get3A_1324 = arith.index_cast %get3A_1323 : i32 to index
        %get3A_1325 = arith.constant 48 : index
        %get3A_1326 = tpu.vector_load %arg8[%get3A_1324, %get3A_1325] {strides = array<i32>} : memref<2x128xi32, #tpu.memory_space<vmem>>, vector<16xi32>,
        %shift_right_logical3A_1327 = arith.constant 7 : i32
        %shift_right_logical3A_1328 = vector.broadcast %shift_right_logical3A_1327 : i32 to vector<16xi32>
        %shift_right_logical3A_1329 = arith.shrui %get3A_1326, %shift_right_logical3A_1328 : vector<16xi32>
        %and3A_1330 = arith.constant 127 : i32
        %and3A_1331 = vector.broadcast %and3A_1330 : i32 to vector<16xi32>
        %and3A_1332 = arith.andi %get3A_1326, %and3A_1331 : vector<16xi32>
        tpu.vector_store_idx %arg10[%shift_right_logical3A_1329, %and3A_1332], %broadcast_in_dim3A_2 {add = true} : memref<80x128xf32, #tpu.memory_space<vmem>>[vector<16xi32>, vector<16xi32>], vector<16xf32>,
        %get3A_1333 = arith.constant 1 : i32
        %get3A_1334 = arith.index_cast %get3A_1333 : i32 to index
        %get3A_1335 = arith.constant 64 : index
        %get3A_1336 = tpu.vector_load %arg8[%get3A_1334, %get3A_1335] {strides = array<i32>} : memref<2x128xi32, #tpu.memory_space<vmem>>, vector<16xi32>,
        %shift_right_logical3A_1337 = arith.constant 7 : i32
        %shift_right_logical3A_1338 = vector.broadcast %shift_right_logical3A_1337 : i32 to vector<16xi32>
        %shift_right_logical3A_1339 = arith.shrui %get3A_1336, %shift_right_logical3A_1338 : vector<16xi32>
        %and3A_1340 = arith.constant 127 : i32
        %and3A_1341 = vector.broadcast %and3A_1340 : i32 to vector<16xi32>
        %and3A_1342 = arith.andi %get3A_1336, %and3A_1341 : vector<16xi32>
        tpu.vector_store_idx %arg10[%shift_right_logical3A_1339, %and3A_1342], %broadcast_in_dim3A_2 {add = true} : memref<80x128xf32, #tpu.memory_space<vmem>>[vector<16xi32>, vector<16xi32>], vector<16xf32>,
        %get3A_1343 = arith.constant 1 : i32
        %get3A_1344 = arith.index_cast %get3A_1343 : i32 to index
        %get3A_1345 = arith.constant 80 : index
        %get3A_1346 = tpu.vector_load %arg8[%get3A_1344, %get3A_1345] {strides = array<i32>} : memref<2x128xi32, #tpu.memory_space<vmem>>, vector<16xi32>,
        %shift_right_logical3A_1347 = arith.constant 7 : i32
        %shift_right_logical3A_1348 = vector.broadcast %shift_right_logical3A_1347 : i32 to vector<16xi32>
        %shift_right_logical3A_1349 = arith.shrui %get3A_1346, %shift_right_logical3A_1348 : vector<16xi32>
        %and3A_1350 = arith.constant 127 : i32
        %and3A_1351 = vector.broadcast %and3A_1350 : i32 to vector<16xi32>
        %and3A_1352 = arith.andi %get3A_1346, %and3A_1351 : vector<16xi32>
        tpu.vector_store_idx %arg10[%shift_right_logical3A_1349, %and3A_1352], %broadcast_in_dim3A_2 {add = true} : memref<80x128xf32, #tpu.memory_space<vmem>>[vector<16xi32>, vector<16xi32>], vector<16xf32>,
        %get3A_1353 = arith.constant 1 : i32
        %get3A_1354 = arith.index_cast %get3A_1353 : i32 to index
        %get3A_1355 = arith.constant 96 : index
        %get3A_1356 = tpu.vector_load %arg8[%get3A_1354, %get3A_1355] {strides = array<i32>} : memref<2x128xi32, #tpu.memory_space<vmem>>, vector<16xi32>,
        %shift_right_logical3A_1357 = arith.constant 7 : i32
        %shift_right_logical3A_1358 = vector.broadcast %shift_right_logical3A_1357 : i32 to vector<16xi32>
        %shift_right_logical3A_1359 = arith.shrui %get3A_1356, %shift_right_logical3A_1358 : vector<16xi32>
        %and3A_1360 = arith.constant 127 : i32
        %and3A_1361 = vector.broadcast %and3A_1360 : i32 to vector<16xi32>
        %and3A_1362 = arith.andi %get3A_1356, %and3A_1361 : vector<16xi32>
        tpu.vector_store_idx %arg10[%shift_right_logical3A_1359, %and3A_1362], %broadcast_in_dim3A_2 {add = true} : memref<80x128xf32, #tpu.memory_space<vmem>>[vector<16xi32>, vector<16xi32>], vector<16xf32>,
        %get3A_1363 = arith.constant 1 : i32
        %get3A_1364 = arith.index_cast %get3A_1363 : i32 to index
        %get3A_1365 = arith.constant 112 : index
        %get3A_1366 = tpu.vector_load %arg8[%get3A_1364, %get3A_1365] {strides = array<i32>} : memref<2x128xi32, #tpu.memory_space<vmem>>, vector<16xi32>,
        %shift_right_logical3A_1367 = arith.constant 7 : i32
        %shift_right_logical3A_1368 = vector.broadcast %shift_right_logical3A_1367 : i32 to vector<16xi32>
        %shift_right_logical3A_1369 = arith.shrui %get3A_1366, %shift_right_logical3A_1368 : vector<16xi32>
        %and3A_1370 = arith.constant 127 : i32
        %and3A_1371 = vector.broadcast %and3A_1370 : i32 to vector<16xi32>
        %and3A_1372 = arith.andi %get3A_1366, %and3A_1371 : vector<16xi32>
        tpu.vector_store_idx %arg10[%shift_right_logical3A_1369, %and3A_1372], %broadcast_in_dim3A_2 {add = true} : memref<80x128xf32, #tpu.memory_space<vmem>>[vector<16xi32>, vector<16xi32>], vector<16xf32>,
      } else {
      }
      %dma_wait3A_1209 = arith.constant 0 : i32
      %dma_wait3A_1210 = arith.constant 0 : i32
      %dma_wait3A_1211 = arith.constant 0 : i32
      %dma_wait3A_1212 = arith.constant 0 : i32
      %dma_wait3A_1213 = tpu.memref_slice %arg9[%dma_wait3A_1210, %dma_wait3A_1211, %dma_wait3A_1212] : memref<2x128x128xf32, #tpu.memory_space<vmem>> -> memref<1x128x128xf32, #tpu.memory_space<vmem>>
      %dma_wait3A_1214 = tpu.memref_squeeze %dma_wait3A_1213 : memref<1x128x128xf32, #tpu.memory_space<vmem>> -> memref<128x128xf32, #tpu.memory_space<vmem>>
      %dma_wait3A_1215 = arith.constant 0 : i32
      %dma_wait3A_1216 = tpu.memref_slice %arg7[%dma_wait3A_1209, %dma_wait3A_1215] : memref<2x128xi32, #tpu.memory_space<vmem>> -> memref<1x128xi32, #tpu.memory_space<vmem>>
      %dma_wait3A_1217 = tpu.memref_squeeze %dma_wait3A_1216 : memref<1x128xi32, #tpu.memory_space<vmem>> -> memref<128xi32, #tpu.memory_space<vmem>>
      %dma_wait3A_1218 = arith.constant 0 : i32
      %dma_wait3A_1219 = arith.constant 0 : i32
      %dma_wait3A_1220 = tpu.memref_slice %arg2[%dma_wait3A_1218, %dma_wait3A_1219] : memref<20000x128xf32, #tpu.memory_space<hbm>> -> memref<20000x128xf32, #tpu.memory_space<hbm>>
      tpu.wait_indirect_dma semaphore(%arg14 : memref<!tpu.dma_semaphore, #tpu.memory_space<semaphore_mem>>) src(%dma_wait3A_1220 : memref<20000x128xf32, #tpu.memory_space<hbm>>) dst(%dma_wait3A_1214 : memref<128x128xf32, #tpu.memory_space<vmem>>)
      %dma_start3A_1221 = arith.constant 0 : i32
      %dma_start3A_1222 = arith.constant 0 : i32
      %dma_start3A_1223 = arith.constant 0 : i32
      %dma_start3A_1224 = arith.constant 0 : i32
      %dma_start3A_1225 = tpu.memref_slice %arg9[%dma_start3A_1221, %dma_start3A_1223, %dma_start3A_1224] : memref<2x128x128xf32, #tpu.memory_space<vmem>> -> memref<1x128x128xf32, #tpu.memory_space<vmem>>
      %dma_start3A_1226 = tpu.memref_squeeze %dma_start3A_1225 : memref<1x128x128xf32, #tpu.memory_space<vmem>> -> memref<128x128xf32, #tpu.memory_space<vmem>>
      %dma_start3A_1227 = arith.constant 0 : i32
      %dma_start3A_1228 = tpu.memref_slice %arg8[%dma_start3A_1222, %dma_start3A_1227] : memref<2x128xi32, #tpu.memory_space<vmem>> -> memref<1x128xi32, #tpu.memory_space<vmem>>
      %dma_start3A_1229 = tpu.memref_squeeze %dma_start3A_1228 : memref<1x128xi32, #tpu.memory_space<vmem>> -> memref<128xi32, #tpu.memory_space<vmem>>
      %dma_start3A_1230 = arith.constant 0 : i32
      %dma_start3A_1231 = arith.constant 0 : i32
      %dma_start3A_1232 = tpu.memref_slice %arg12[%dma_start3A_1230, %dma_start3A_1231] : memref<10240x128xf32, #tpu.memory_space<vmem_shared>> -> memref<10240x128xf32, #tpu.memory_space<vmem_shared>>
      tpu.enqueue_indirect_dma source(%dma_start3A_1226 : memref<128x128xf32, #tpu.memory_space<vmem>>) target(%dma_start3A_1232 : memref<10240x128xf32, #tpu.memory_space<vmem_shared>>) offsets(%dma_start3A_1229 : memref<128xi32, #tpu.memory_space<vmem>>) semaphore(%arg15 : memref<!tpu.dma_semaphore, #tpu.memory_space<semaphore_mem>>) {add = true}
      %dma_start3A_1233 = arith.constant 1 : i32
      %dma_start3A_1234 = arith.constant 1 : i32
      %dma_start3A_1235 = arith.constant 0 : i32
      %dma_start3A_1236 = arith.constant 0 : i32
      %dma_start3A_1237 = tpu.memref_slice %arg9[%dma_start3A_1234, %dma_start3A_1235, %dma_start3A_1236] : memref<2x128x128xf32, #tpu.memory_space<vmem>> -> memref<1x128x128xf32, #tpu.memory_space<vmem>>
      %dma_start3A_1238 = tpu.memref_squeeze %dma_start3A_1237 : memref<1x128x128xf32, #tpu.memory_space<vmem>> -> memref<128x128xf32, #tpu.memory_space<vmem>>
      %dma_start3A_1239 = arith.constant 0 : i32
      %dma_start3A_1240 = tpu.memref_slice %arg7[%dma_start3A_1233, %dma_start3A_1239] : memref<2x128xi32, #tpu.memory_space<vmem>> -> memref<1x128xi32, #tpu.memory_space<vmem>>
      %dma_start3A_1241 = tpu.memref_squeeze %dma_start3A_1240 : memref<1x128xi32, #tpu.memory_space<vmem>> -> memref<128xi32, #tpu.memory_space<vmem>>
      %dma_start3A_1242 = arith.constant 0 : i32
      %dma_start3A_1243 = arith.constant 0 : i32
      %dma_start3A_1244 = tpu.memref_slice %arg2[%dma_start3A_1242, %dma_start3A_1243] : memref<20000x128xf32, #tpu.memory_space<hbm>> -> memref<20000x128xf32, #tpu.memory_space<hbm>>
      tpu.enqueue_indirect_dma source(%dma_start3A_1244 : memref<20000x128xf32, #tpu.memory_space<hbm>>) target(%dma_start3A_1238 : memref<128x128xf32, #tpu.memory_space<vmem>>) offsets(%dma_start3A_1241 : memref<128xi32, #tpu.memory_space<vmem>>) semaphore(%arg14 : memref<!tpu.dma_semaphore, #tpu.memory_space<semaphore_mem>>)
      %dma_wait3A_1245 = arith.constant 1 : i32
      %dma_wait3A_1246 = arith.constant 1 : i32
      %dma_wait3A_1247 = arith.constant 0 : i32
      %dma_wait3A_1248 = arith.constant 0 : i32
      %dma_wait3A_1249 = tpu.memref_slice %arg9[%dma_wait3A_1246, %dma_wait3A_1247, %dma_wait3A_1248] : memref<2x128x128xf32, #tpu.memory_space<vmem>> -> memref<1x128x128xf32, #tpu.memory_space<vmem>>
      %dma_wait3A_1250 = tpu.memref_squeeze %dma_wait3A_1249 : memref<1x128x128xf32, #tpu.memory_space<vmem>> -> memref<128x128xf32, #tpu.memory_space<vmem>>
      %dma_wait3A_1251 = arith.constant 0 : i32
      %dma_wait3A_1252 = tpu.memref_slice %arg7[%dma_wait3A_1245, %dma_wait3A_1251] : memref<2x128xi32, #tpu.memory_space<vmem>> -> memref<1x128xi32, #tpu.memory_space<vmem>>
      %dma_wait3A_1253 = tpu.memref_squeeze %dma_wait3A_1252 : memref<1x128xi32, #tpu.memory_space<vmem>> -> memref<128xi32, #tpu.memory_space<vmem>>
      %dma_wait3A_1254 = arith.constant 0 : i32
      %dma_wait3A_1255 = arith.constant 0 : i32
      %dma_wait3A_1256 = tpu.memref_slice %arg2[%dma_wait3A_1254, %dma_wait3A_1255] : memref<20000x128xf32, #tpu.memory_space<hbm>> -> memref<20000x128xf32, #tpu.memory_space<hbm>>
      tpu.wait_indirect_dma semaphore(%arg14 : memref<!tpu.dma_semaphore, #tpu.memory_space<semaphore_mem>>) src(%dma_wait3A_1256 : memref<20000x128xf32, #tpu.memory_space<hbm>>) dst(%dma_wait3A_1250 : memref<128x128xf32, #tpu.memory_space<vmem>>)
      %dma_start3A_1257 = arith.constant 1 : i32
      %dma_start3A_1258 = arith.constant 1 : i32
      %dma_start3A_1259 = arith.constant 0 : i32
      %dma_start3A_1260 = arith.constant 0 : i32
      %dma_start3A_1261 = tpu.memref_slice %arg9[%dma_start3A_1257, %dma_start3A_1259, %dma_start3A_1260] : memref<2x128x128xf32, #tpu.memory_space<vmem>> -> memref<1x128x128xf32, #tpu.memory_space<vmem>>
      %dma_start3A_1262 = tpu.memref_squeeze %dma_start3A_1261 : memref<1x128x128xf32, #tpu.memory_space<vmem>> -> memref<128x128xf32, #tpu.memory_space<vmem>>
      %dma_start3A_1263 = arith.constant 0 : i32
      %dma_start3A_1264 = tpu.memref_slice %arg8[%dma_start3A_1258, %dma_start3A_1263] : memref<2x128xi32, #tpu.memory_space<vmem>> -> memref<1x128xi32, #tpu.memory_space<vmem>>
      %dma_start3A_1265 = tpu.memref_squeeze %dma_start3A_1264 : memref<1x128xi32, #tpu.memory_space<vmem>> -> memref<128xi32, #tpu.memory_space<vmem>>
      %dma_start3A_1266 = arith.constant 0 : i32
      %dma_start3A_1267 = arith.constant 0 : i32
      %dma_start3A_1268 = tpu.memref_slice %arg12[%dma_start3A_1266, %dma_start3A_1267] : memref<10240x128xf32, #tpu.memory_space<vmem_shared>> -> memref<10240x128xf32, #tpu.memory_space<vmem_shared>>
      tpu.enqueue_indirect_dma source(%dma_start3A_1262 : memref<128x128xf32, #tpu.memory_space<vmem>>) target(%dma_start3A_1268 : memref<10240x128xf32, #tpu.memory_space<vmem_shared>>) offsets(%dma_start3A_1265 : memref<128xi32, #tpu.memory_space<vmem>>) semaphore(%arg15 : memref<!tpu.dma_semaphore, #tpu.memory_space<semaphore_mem>>) {add = true}
      %dma_wait3A_1269 = arith.constant 0 : i32
      %dma_wait3A_1270 = arith.constant 0 : i32
      %dma_wait3A_1271 = arith.constant 0 : i32
      %dma_wait3A_1272 = arith.constant 0 : i32
      %dma_wait3A_1273 = tpu.memref_slice %arg9[%dma_wait3A_1269, %dma_wait3A_1271, %dma_wait3A_1272] : memref<2x128x128xf32, #tpu.memory_space<vmem>> -> memref<1x128x128xf32, #tpu.memory_space<vmem>>
      %dma_wait3A_1274 = tpu.memref_squeeze %dma_wait3A_1273 : memref<1x128x128xf32, #tpu.memory_space<vmem>> -> memref<128x128xf32, #tpu.memory_space<vmem>>
      %dma_wait3A_1275 = arith.constant 0 : i32
      %dma_wait3A_1276 = tpu.memref_slice %arg8[%dma_wait3A_1270, %dma_wait3A_1275] : memref<2x128xi32, #tpu.memory_space<vmem>> -> memref<1x128xi32, #tpu.memory_space<vmem>>
      %dma_wait3A_1277 = tpu.memref_squeeze %dma_wait3A_1276 : memref<1x128xi32, #tpu.memory_space<vmem>> -> memref<128xi32, #tpu.memory_space<vmem>>
      %dma_wait3A_1278 = arith.constant 0 : i32
      %dma_wait3A_1279 = arith.constant 0 : i32
      %dma_wait3A_1280 = tpu.memref_slice %arg12[%dma_wait3A_1278, %dma_wait3A_1279] : memref<10240x128xf32, #tpu.memory_space<vmem_shared>> -> memref<10240x128xf32, #tpu.memory_space<vmem_shared>>
      tpu.wait_indirect_dma semaphore(%arg15 : memref<!tpu.dma_semaphore, #tpu.memory_space<semaphore_mem>>) src(%dma_wait3A_1274 : memref<128x128xf32, #tpu.memory_space<vmem>>) dst(%dma_wait3A_1280 : memref<10240x128xf32, #tpu.memory_space<vmem_shared>>)
      %dma_wait3A_1281 = arith.constant 1 : i32
      %dma_wait3A_1282 = arith.constant 1 : i32
      %dma_wait3A_1283 = arith.constant 0 : i32
      %dma_wait3A_1284 = arith.constant 0 : i32
      %dma_wait3A_1285 = tpu.memref_slice %arg9[%dma_wait3A_1281, %dma_wait3A_1283, %dma_wait3A_1284] : memref<2x128x128xf32, #tpu.memory_space<vmem>> -> memref<1x128x128xf32, #tpu.memory_space<vmem>>
      %dma_wait3A_1286 = tpu.memref_squeeze %dma_wait3A_1285 : memref<1x128x128xf32, #tpu.memory_space<vmem>> -> memref<128x128xf32, #tpu.memory_space<vmem>>
      %dma_wait3A_1287 = arith.constant 0 : i32
      %dma_wait3A_1288 = tpu.memref_slice %arg8[%dma_wait3A_1282, %dma_wait3A_1287] : memref<2x128xi32, #tpu.memory_space<vmem>> -> memref<1x128xi32, #tpu.memory_space<vmem>>
      %dma_wait3A_1289 = tpu.memref_squeeze %dma_wait3A_1288 : memref<1x128xi32, #tpu.memory_space<vmem>> -> memref<128xi32, #tpu.memory_space<vmem>>
      %dma_wait3A_1290 = arith.constant 0 : i32
      %dma_wait3A_1291 = arith.constant 0 : i32
      %dma_wait3A_1292 = tpu.memref_slice %arg12[%dma_wait3A_1290, %dma_wait3A_1291] : memref<10240x128xf32, #tpu.memory_space<vmem_shared>> -> memref<10240x128xf32, #tpu.memory_space<vmem_shared>>
      tpu.wait_indirect_dma semaphore(%arg15 : memref<!tpu.dma_semaphore, #tpu.memory_space<semaphore_mem>>) src(%dma_wait3A_1286 : memref<128x128xf32, #tpu.memory_space<vmem>>) dst(%dma_wait3A_1292 : memref<10240x128xf32, #tpu.memory_space<vmem_shared>>)
      %scan3A_1293 = arith.constant 0 : i32
      scf.yield %scan3A_1293 : i32
    }
    %scan3A_195 = arith.constant 13 : i32
    %lt3A_196 = arith.constant 2 : i32
    %lt3A_197 = arith.cmpi slt, %arg1, %lt3A_196 : i32
    %convert_element_type3A_198 = arith.extui %lt3A_197 : i1 to i32
    %cond3A_199 = arith.constant 0 : i32
    %cond3A_200 = arith.cmpi ne, %convert_element_type3A_198, %cond3A_199 : i32
    scf.if %cond3A_200 {
      %add3A_285 = arith.constant 1248 : i32
      %add3A_286 = arith.addi %add3A_285, %arg1 : i32
      %mul3A_287 = arith.constant 128 : i32
      %mul3A_288 = arith.muli %add3A_286, %mul3A_287 : i32
      %run_scoped3A = arith.constant 0 : i32
      "tpu.region"() ({
        %run_scoped3A_424 = tpu.sem_alloc : memref<!tpu.dma_semaphore, #tpu.memory_space<semaphore_mem>>
        %dma_start3A_425 = arith.constant 0 : i32
        %dma_start3A_426 = tpu.memref_slice %arg7[%run_scoped3A, %dma_start3A_425] : memref<2x128xi32, #tpu.memory_space<vmem>> -> memref<1x128xi32, #tpu.memory_space<vmem>>
        %dma_start3A_427 = tpu.memref_squeeze %dma_start3A_426 : memref<1x128xi32, #tpu.memory_space<vmem>> -> memref<128xi32, #tpu.memory_space<vmem>>
        %dma_start3A_428 = tpu.memref_slice %arg3[%mul3A_288] : memref<160000xi32, #tpu.memory_space<hbm>> -> memref<128xi32, #tpu.memory_space<hbm>>
        %dma_start3A_429 = arith.constant 0 : i32
        %dma_start3A_430 = tpu.memref_slice %arg7[%run_scoped3A, %dma_start3A_429] : memref<2x128xi32, #tpu.memory_space<vmem>> -> memref<1x128xi32, #tpu.memory_space<vmem>>
        %dma_start3A_431 = tpu.memref_squeeze %dma_start3A_430 : memref<1x128xi32, #tpu.memory_space<vmem>> -> memref<128xi32, #tpu.memory_space<vmem>>
        %dma_start3A_432 = tpu.memref_slice %arg3[%mul3A_288] : memref<160000xi32, #tpu.memory_space<hbm>> -> memref<128xi32, #tpu.memory_space<hbm>>
        tpu.enqueue_dma source(%dma_start3A_432 : memref<128xi32, #tpu.memory_space<hbm>>) target(%dma_start3A_431 : memref<128xi32, #tpu.memory_space<vmem>>) target_semaphore(%run_scoped3A_424 : memref<!tpu.dma_semaphore, #tpu.memory_space<semaphore_mem>>)
        %dma_wait3A_433 = arith.constant 0 : i32
        %dma_wait3A_434 = tpu.memref_slice %arg7[%run_scoped3A, %dma_wait3A_433] : memref<2x128xi32, #tpu.memory_space<vmem>> -> memref<1x128xi32, #tpu.memory_space<vmem>>
        %dma_wait3A_435 = tpu.memref_squeeze %dma_wait3A_434 : memref<1x128xi32, #tpu.memory_space<vmem>> -> memref<128xi32, #tpu.memory_space<vmem>>
        %dma_wait3A_436 = tpu.memref_slice %arg3[%mul3A_288] : memref<160000xi32, #tpu.memory_space<hbm>> -> memref<128xi32, #tpu.memory_space<hbm>>
        %dma_wait3A_437 = arith.constant 0 : i32
        %dma_wait3A_438 = tpu.memref_slice %arg7[%run_scoped3A, %dma_wait3A_437] : memref<2x128xi32, #tpu.memory_space<vmem>> -> memref<1x128xi32, #tpu.memory_space<vmem>>
        %dma_wait3A_439 = tpu.memref_squeeze %dma_wait3A_438 : memref<1x128xi32, #tpu.memory_space<vmem>> -> memref<128xi32, #tpu.memory_space<vmem>>
        %dma_wait3A_440 = tpu.memref_slice %arg3[%mul3A_288] : memref<160000xi32, #tpu.memory_space<hbm>> -> memref<128xi32, #tpu.memory_space<hbm>>
        tpu.wait_dma2 semaphore(%run_scoped3A_424 : memref<!tpu.dma_semaphore, #tpu.memory_space<semaphore_mem>>) src(%dma_wait3A_440 : memref<128xi32, #tpu.memory_space<hbm>>) dst(%dma_wait3A_439 : memref<128xi32, #tpu.memory_space<vmem>>)
        tpu.yield
      }) : () -> ()
      %run_scoped3A_289 = arith.constant 0 : i32
      "tpu.region"() ({
        %run_scoped3A_424 = tpu.sem_alloc : memref<!tpu.dma_semaphore, #tpu.memory_space<semaphore_mem>>
        %dma_start3A_425 = arith.constant 0 : i32
        %dma_start3A_426 = tpu.memref_slice %arg8[%run_scoped3A_289, %dma_start3A_425] : memref<2x128xi32, #tpu.memory_space<vmem>> -> memref<1x128xi32, #tpu.memory_space<vmem>>
        %dma_start3A_427 = tpu.memref_squeeze %dma_start3A_426 : memref<1x128xi32, #tpu.memory_space<vmem>> -> memref<128xi32, #tpu.memory_space<vmem>>
        %dma_start3A_428 = tpu.memref_slice %arg4[%mul3A_288] : memref<160000xi32, #tpu.memory_space<hbm>> -> memref<128xi32, #tpu.memory_space<hbm>>
        %dma_start3A_429 = arith.constant 0 : i32
        %dma_start3A_430 = tpu.memref_slice %arg8[%run_scoped3A_289, %dma_start3A_429] : memref<2x128xi32, #tpu.memory_space<vmem>> -> memref<1x128xi32, #tpu.memory_space<vmem>>
        %dma_start3A_431 = tpu.memref_squeeze %dma_start3A_430 : memref<1x128xi32, #tpu.memory_space<vmem>> -> memref<128xi32, #tpu.memory_space<vmem>>
        %dma_start3A_432 = tpu.memref_slice %arg4[%mul3A_288] : memref<160000xi32, #tpu.memory_space<hbm>> -> memref<128xi32, #tpu.memory_space<hbm>>
        tpu.enqueue_dma source(%dma_start3A_432 : memref<128xi32, #tpu.memory_space<hbm>>) target(%dma_start3A_431 : memref<128xi32, #tpu.memory_space<vmem>>) target_semaphore(%run_scoped3A_424 : memref<!tpu.dma_semaphore, #tpu.memory_space<semaphore_mem>>)
        %dma_wait3A_433 = arith.constant 0 : i32
        %dma_wait3A_434 = tpu.memref_slice %arg8[%run_scoped3A_289, %dma_wait3A_433] : memref<2x128xi32, #tpu.memory_space<vmem>> -> memref<1x128xi32, #tpu.memory_space<vmem>>
        %dma_wait3A_435 = tpu.memref_squeeze %dma_wait3A_434 : memref<1x128xi32, #tpu.memory_space<vmem>> -> memref<128xi32, #tpu.memory_space<vmem>>
        %dma_wait3A_436 = tpu.memref_slice %arg4[%mul3A_288] : memref<160000xi32, #tpu.memory_space<hbm>> -> memref<128xi32, #tpu.memory_space<hbm>>
        %dma_wait3A_437 = arith.constant 0 : i32
        %dma_wait3A_438 = tpu.memref_slice %arg8[%run_scoped3A_289, %dma_wait3A_437] : memref<2x128xi32, #tpu.memory_space<vmem>> -> memref<1x128xi32, #tpu.memory_space<vmem>>
        %dma_wait3A_439 = tpu.memref_squeeze %dma_wait3A_438 : memref<1x128xi32, #tpu.memory_space<vmem>> -> memref<128xi32, #tpu.memory_space<vmem>>
        %dma_wait3A_440 = tpu.memref_slice %arg4[%mul3A_288] : memref<160000xi32, #tpu.memory_space<hbm>> -> memref<128xi32, #tpu.memory_space<hbm>>
        tpu.wait_dma2 semaphore(%run_scoped3A_424 : memref<!tpu.dma_semaphore, #tpu.memory_space<semaphore_mem>>) src(%dma_wait3A_440 : memref<128xi32, #tpu.memory_space<hbm>>) dst(%dma_wait3A_439 : memref<128xi32, #tpu.memory_space<vmem>>)
        tpu.yield
      }) : () -> ()
      %get3A = arith.constant 0 : i32
      %get3A_290 = arith.index_cast %get3A : i32 to index
      %get3A_291 = arith.constant 0 : index
      %get3A_292 = tpu.vector_load %arg7[%get3A_290, %get3A_291] {strides = array<i32>} : memref<2x128xi32, #tpu.memory_space<vmem>>, vector<16xi32>,
      %mul3A_293 = arith.constant 2 : i32
      %mul3A_294 = vector.broadcast %mul3A_293 : i32 to vector<16xi32>
      %mul3A_295 = arith.muli %get3A_292, %mul3A_294 : vector<16xi32>
      %add3A_296 = vector.broadcast %arg0 : i32 to vector<16xi32>
      %add3A_297 = arith.addi %mul3A_295, %add3A_296 : vector<16xi32>
      %swap3A_298 = arith.constant 0 : i32
      %swap3A_299 = arith.index_cast %swap3A_298 : i32 to index
      %swap3A_300 = arith.constant 0 : index
      %swap3A_301 = tpu.vector_load %arg7[%swap3A_299, %swap3A_300] {strides = array<i32>} : memref<2x128xi32, #tpu.memory_space<vmem>>, vector<16xi32>,
      tpu.vector_store %arg7[%swap3A_299, %swap3A_300], %add3A_297 {strides = array<i32>} : memref<2x128xi32, #tpu.memory_space<vmem>>, vector<16xi32>,
      %get3A_302 = arith.constant 0 : i32
      %get3A_303 = arith.index_cast %get3A_302 : i32 to index
      %get3A_304 = arith.constant 16 : index
      %get3A_305 = tpu.vector_load %arg7[%get3A_303, %get3A_304] {strides = array<i32>} : memref<2x128xi32, #tpu.memory_space<vmem>>, vector<16xi32>,
      %mul3A_306 = arith.constant 2 : i32
      %mul3A_307 = vector.broadcast %mul3A_306 : i32 to vector<16xi32>
      %mul3A_308 = arith.muli %get3A_305, %mul3A_307 : vector<16xi32>
      %add3A_309 = vector.broadcast %arg0 : i32 to vector<16xi32>
      %add3A_310 = arith.addi %mul3A_308, %add3A_309 : vector<16xi32>
      %swap3A_311 = arith.constant 0 : i32
      %swap3A_312 = arith.index_cast %swap3A_311 : i32 to index
      %swap3A_313 = arith.constant 16 : index
      %swap3A_314 = tpu.vector_load %arg7[%swap3A_312, %swap3A_313] {strides = array<i32>} : memref<2x128xi32, #tpu.memory_space<vmem>>, vector<16xi32>,
      tpu.vector_store %arg7[%swap3A_312, %swap3A_313], %add3A_310 {strides = array<i32>} : memref<2x128xi32, #tpu.memory_space<vmem>>, vector<16xi32>,
      %get3A_315 = arith.constant 0 : i32
      %get3A_316 = arith.index_cast %get3A_315 : i32 to index
      %get3A_317 = arith.constant 32 : index
      %get3A_318 = tpu.vector_load %arg7[%get3A_316, %get3A_317] {strides = array<i32>} : memref<2x128xi32, #tpu.memory_space<vmem>>, vector<16xi32>,
      %mul3A_319 = arith.constant 2 : i32
      %mul3A_320 = vector.broadcast %mul3A_319 : i32 to vector<16xi32>
      %mul3A_321 = arith.muli %get3A_318, %mul3A_320 : vector<16xi32>
      %add3A_322 = vector.broadcast %arg0 : i32 to vector<16xi32>
      %add3A_323 = arith.addi %mul3A_321, %add3A_322 : vector<16xi32>
      %swap3A_324 = arith.constant 0 : i32
      %swap3A_325 = arith.index_cast %swap3A_324 : i32 to index
      %swap3A_326 = arith.constant 32 : index
      %swap3A_327 = tpu.vector_load %arg7[%swap3A_325, %swap3A_326] {strides = array<i32>} : memref<2x128xi32, #tpu.memory_space<vmem>>, vector<16xi32>,
      tpu.vector_store %arg7[%swap3A_325, %swap3A_326], %add3A_323 {strides = array<i32>} : memref<2x128xi32, #tpu.memory_space<vmem>>, vector<16xi32>,
      %get3A_328 = arith.constant 0 : i32
      %get3A_329 = arith.index_cast %get3A_328 : i32 to index
      %get3A_330 = arith.constant 48 : index
      %get3A_331 = tpu.vector_load %arg7[%get3A_329, %get3A_330] {strides = array<i32>} : memref<2x128xi32, #tpu.memory_space<vmem>>, vector<16xi32>,
      %mul3A_332 = arith.constant 2 : i32
      %mul3A_333 = vector.broadcast %mul3A_332 : i32 to vector<16xi32>
      %mul3A_334 = arith.muli %get3A_331, %mul3A_333 : vector<16xi32>
      %add3A_335 = vector.broadcast %arg0 : i32 to vector<16xi32>
      %add3A_336 = arith.addi %mul3A_334, %add3A_335 : vector<16xi32>
      %swap3A_337 = arith.constant 0 : i32
      %swap3A_338 = arith.index_cast %swap3A_337 : i32 to index
      %swap3A_339 = arith.constant 48 : index
      %swap3A_340 = tpu.vector_load %arg7[%swap3A_338, %swap3A_339] {strides = array<i32>} : memref<2x128xi32, #tpu.memory_space<vmem>>, vector<16xi32>,
      tpu.vector_store %arg7[%swap3A_338, %swap3A_339], %add3A_336 {strides = array<i32>} : memref<2x128xi32, #tpu.memory_space<vmem>>, vector<16xi32>,
      %get3A_341 = arith.constant 0 : i32
      %get3A_342 = arith.index_cast %get3A_341 : i32 to index
      %get3A_343 = arith.constant 64 : index
      %get3A_344 = tpu.vector_load %arg7[%get3A_342, %get3A_343] {strides = array<i32>} : memref<2x128xi32, #tpu.memory_space<vmem>>, vector<16xi32>,
      %mul3A_345 = arith.constant 2 : i32
      %mul3A_346 = vector.broadcast %mul3A_345 : i32 to vector<16xi32>
      %mul3A_347 = arith.muli %get3A_344, %mul3A_346 : vector<16xi32>
      %add3A_348 = vector.broadcast %arg0 : i32 to vector<16xi32>
      %add3A_349 = arith.addi %mul3A_347, %add3A_348 : vector<16xi32>
      %swap3A_350 = arith.constant 0 : i32
      %swap3A_351 = arith.index_cast %swap3A_350 : i32 to index
      %swap3A_352 = arith.constant 64 : index
      %swap3A_353 = tpu.vector_load %arg7[%swap3A_351, %swap3A_352] {strides = array<i32>} : memref<2x128xi32, #tpu.memory_space<vmem>>, vector<16xi32>,
      tpu.vector_store %arg7[%swap3A_351, %swap3A_352], %add3A_349 {strides = array<i32>} : memref<2x128xi32, #tpu.memory_space<vmem>>, vector<16xi32>,
      %get3A_354 = arith.constant 0 : i32
      %get3A_355 = arith.index_cast %get3A_354 : i32 to index
      %get3A_356 = arith.constant 80 : index
      %get3A_357 = tpu.vector_load %arg7[%get3A_355, %get3A_356] {strides = array<i32>} : memref<2x128xi32, #tpu.memory_space<vmem>>, vector<16xi32>,
      %mul3A_358 = arith.constant 2 : i32
      %mul3A_359 = vector.broadcast %mul3A_358 : i32 to vector<16xi32>
      %mul3A_360 = arith.muli %get3A_357, %mul3A_359 : vector<16xi32>
      %add3A_361 = vector.broadcast %arg0 : i32 to vector<16xi32>
      %add3A_362 = arith.addi %mul3A_360, %add3A_361 : vector<16xi32>
      %swap3A_363 = arith.constant 0 : i32
      %swap3A_364 = arith.index_cast %swap3A_363 : i32 to index
      %swap3A_365 = arith.constant 80 : index
      %swap3A_366 = tpu.vector_load %arg7[%swap3A_364, %swap3A_365] {strides = array<i32>} : memref<2x128xi32, #tpu.memory_space<vmem>>, vector<16xi32>,
      tpu.vector_store %arg7[%swap3A_364, %swap3A_365], %add3A_362 {strides = array<i32>} : memref<2x128xi32, #tpu.memory_space<vmem>>, vector<16xi32>,
      %get3A_367 = arith.constant 0 : i32
      %get3A_368 = arith.index_cast %get3A_367 : i32 to index
      %get3A_369 = arith.constant 96 : index
      %get3A_370 = tpu.vector_load %arg7[%get3A_368, %get3A_369] {strides = array<i32>} : memref<2x128xi32, #tpu.memory_space<vmem>>, vector<16xi32>,
      %mul3A_371 = arith.constant 2 : i32
      %mul3A_372 = vector.broadcast %mul3A_371 : i32 to vector<16xi32>
      %mul3A_373 = arith.muli %get3A_370, %mul3A_372 : vector<16xi32>
      %add3A_374 = vector.broadcast %arg0 : i32 to vector<16xi32>
      %add3A_375 = arith.addi %mul3A_373, %add3A_374 : vector<16xi32>
      %swap3A_376 = arith.constant 0 : i32
      %swap3A_377 = arith.index_cast %swap3A_376 : i32 to index
      %swap3A_378 = arith.constant 96 : index
      %swap3A_379 = tpu.vector_load %arg7[%swap3A_377, %swap3A_378] {strides = array<i32>} : memref<2x128xi32, #tpu.memory_space<vmem>>, vector<16xi32>,
      tpu.vector_store %arg7[%swap3A_377, %swap3A_378], %add3A_375 {strides = array<i32>} : memref<2x128xi32, #tpu.memory_space<vmem>>, vector<16xi32>,
      %get3A_380 = arith.constant 0 : i32
      %get3A_381 = arith.index_cast %get3A_380 : i32 to index
      %get3A_382 = arith.constant 112 : index
      %get3A_383 = tpu.vector_load %arg7[%get3A_381, %get3A_382] {strides = array<i32>} : memref<2x128xi32, #tpu.memory_space<vmem>>, vector<16xi32>,
      %mul3A_384 = arith.constant 2 : i32
      %mul3A_385 = vector.broadcast %mul3A_384 : i32 to vector<16xi32>
      %mul3A_386 = arith.muli %get3A_383, %mul3A_385 : vector<16xi32>
      %add3A_387 = vector.broadcast %arg0 : i32 to vector<16xi32>
      %add3A_388 = arith.addi %mul3A_386, %add3A_387 : vector<16xi32>
      %swap3A_389 = arith.constant 0 : i32
      %swap3A_390 = arith.index_cast %swap3A_389 : i32 to index
      %swap3A_391 = arith.constant 112 : index
      %swap3A_392 = tpu.vector_load %arg7[%swap3A_390, %swap3A_391] {strides = array<i32>} : memref<2x128xi32, #tpu.memory_space<vmem>>, vector<16xi32>,
      tpu.vector_store %arg7[%swap3A_390, %swap3A_391], %add3A_388 {strides = array<i32>} : memref<2x128xi32, #tpu.memory_space<vmem>>, vector<16xi32>,
      %eq3A_393 = arith.constant 0 : i32
      %eq3A_394 = arith.cmpi eq, %arg0, %eq3A_393 : i32
      %convert_element_type3A_395 = arith.extui %eq3A_394 : i1 to i32
      %cond3A_396 = arith.constant 0 : i32
      %cond3A_397 = arith.cmpi ne, %convert_element_type3A_395, %cond3A_396 : i32
      scf.if %cond3A_397 {
        %get3A_424 = arith.constant 0 : i32
        %get3A_425 = arith.index_cast %get3A_424 : i32 to index
        %get3A_426 = arith.constant 0 : index
        %get3A_427 = tpu.vector_load %arg8[%get3A_425, %get3A_426] {strides = array<i32>} : memref<2x128xi32, #tpu.memory_space<vmem>>, vector<16xi32>,
        %shift_right_logical3A = arith.constant 7 : i32
        %shift_right_logical3A_428 = vector.broadcast %shift_right_logical3A : i32 to vector<16xi32>
        %shift_right_logical3A_429 = arith.shrui %get3A_427, %shift_right_logical3A_428 : vector<16xi32>
        %and3A_430 = arith.constant 127 : i32
        %and3A_431 = vector.broadcast %and3A_430 : i32 to vector<16xi32>
        %and3A_432 = arith.andi %get3A_427, %and3A_431 : vector<16xi32>
        tpu.vector_store_idx %arg10[%shift_right_logical3A_429, %and3A_432], %broadcast_in_dim3A_2 {add = true} : memref<80x128xf32, #tpu.memory_space<vmem>>[vector<16xi32>, vector<16xi32>], vector<16xf32>,
        %get3A_433 = arith.constant 0 : i32
        %get3A_434 = arith.index_cast %get3A_433 : i32 to index
        %get3A_435 = arith.constant 16 : index
        %get3A_436 = tpu.vector_load %arg8[%get3A_434, %get3A_435] {strides = array<i32>} : memref<2x128xi32, #tpu.memory_space<vmem>>, vector<16xi32>,
        %shift_right_logical3A_437 = arith.constant 7 : i32
        %shift_right_logical3A_438 = vector.broadcast %shift_right_logical3A_437 : i32 to vector<16xi32>
        %shift_right_logical3A_439 = arith.shrui %get3A_436, %shift_right_logical3A_438 : vector<16xi32>
        %and3A_440 = arith.constant 127 : i32
        %and3A_441 = vector.broadcast %and3A_440 : i32 to vector<16xi32>
        %and3A_442 = arith.andi %get3A_436, %and3A_441 : vector<16xi32>
        tpu.vector_store_idx %arg10[%shift_right_logical3A_439, %and3A_442], %broadcast_in_dim3A_2 {add = true} : memref<80x128xf32, #tpu.memory_space<vmem>>[vector<16xi32>, vector<16xi32>], vector<16xf32>,
        %get3A_443 = arith.constant 0 : i32
        %get3A_444 = arith.index_cast %get3A_443 : i32 to index
        %get3A_445 = arith.constant 32 : index
        %get3A_446 = tpu.vector_load %arg8[%get3A_444, %get3A_445] {strides = array<i32>} : memref<2x128xi32, #tpu.memory_space<vmem>>, vector<16xi32>,
        %shift_right_logical3A_447 = arith.constant 7 : i32
        %shift_right_logical3A_448 = vector.broadcast %shift_right_logical3A_447 : i32 to vector<16xi32>
        %shift_right_logical3A_449 = arith.shrui %get3A_446, %shift_right_logical3A_448 : vector<16xi32>
        %and3A_450 = arith.constant 127 : i32
        %and3A_451 = vector.broadcast %and3A_450 : i32 to vector<16xi32>
        %and3A_452 = arith.andi %get3A_446, %and3A_451 : vector<16xi32>
        tpu.vector_store_idx %arg10[%shift_right_logical3A_449, %and3A_452], %broadcast_in_dim3A_2 {add = true} : memref<80x128xf32, #tpu.memory_space<vmem>>[vector<16xi32>, vector<16xi32>], vector<16xf32>,
        %get3A_453 = arith.constant 0 : i32
        %get3A_454 = arith.index_cast %get3A_453 : i32 to index
        %get3A_455 = arith.constant 48 : index
        %get3A_456 = tpu.vector_load %arg8[%get3A_454, %get3A_455] {strides = array<i32>} : memref<2x128xi32, #tpu.memory_space<vmem>>, vector<16xi32>,
        %shift_right_logical3A_457 = arith.constant 7 : i32
        %shift_right_logical3A_458 = vector.broadcast %shift_right_logical3A_457 : i32 to vector<16xi32>
        %shift_right_logical3A_459 = arith.shrui %get3A_456, %shift_right_logical3A_458 : vector<16xi32>
        %and3A_460 = arith.constant 127 : i32
        %and3A_461 = vector.broadcast %and3A_460 : i32 to vector<16xi32>
        %and3A_462 = arith.andi %get3A_456, %and3A_461 : vector<16xi32>
        tpu.vector_store_idx %arg10[%shift_right_logical3A_459, %and3A_462], %broadcast_in_dim3A_2 {add = true} : memref<80x128xf32, #tpu.memory_space<vmem>>[vector<16xi32>, vector<16xi32>], vector<16xf32>,
        %get3A_463 = arith.constant 0 : i32
        %get3A_464 = arith.index_cast %get3A_463 : i32 to index
        %get3A_465 = arith.constant 64 : index
        %get3A_466 = tpu.vector_load %arg8[%get3A_464, %get3A_465] {strides = array<i32>} : memref<2x128xi32, #tpu.memory_space<vmem>>, vector<16xi32>,
        %shift_right_logical3A_467 = arith.constant 7 : i32
        %shift_right_logical3A_468 = vector.broadcast %shift_right_logical3A_467 : i32 to vector<16xi32>
        %shift_right_logical3A_469 = arith.shrui %get3A_466, %shift_right_logical3A_468 : vector<16xi32>
        %and3A_470 = arith.constant 127 : i32
        %and3A_471 = vector.broadcast %and3A_470 : i32 to vector<16xi32>
        %and3A_472 = arith.andi %get3A_466, %and3A_471 : vector<16xi32>
        tpu.vector_store_idx %arg10[%shift_right_logical3A_469, %and3A_472], %broadcast_in_dim3A_2 {add = true} : memref<80x128xf32, #tpu.memory_space<vmem>>[vector<16xi32>, vector<16xi32>], vector<16xf32>,
        %get3A_473 = arith.constant 0 : i32
        %get3A_474 = arith.index_cast %get3A_473 : i32 to index
        %get3A_475 = arith.constant 80 : index
        %get3A_476 = tpu.vector_load %arg8[%get3A_474, %get3A_475] {strides = array<i32>} : memref<2x128xi32, #tpu.memory_space<vmem>>, vector<16xi32>,
        %shift_right_logical3A_477 = arith.constant 7 : i32
        %shift_right_logical3A_478 = vector.broadcast %shift_right_logical3A_477 : i32 to vector<16xi32>
        %shift_right_logical3A_479 = arith.shrui %get3A_476, %shift_right_logical3A_478 : vector<16xi32>
        %and3A_480 = arith.constant 127 : i32
        %and3A_481 = vector.broadcast %and3A_480 : i32 to vector<16xi32>
        %and3A_482 = arith.andi %get3A_476, %and3A_481 : vector<16xi32>
        tpu.vector_store_idx %arg10[%shift_right_logical3A_479, %and3A_482], %broadcast_in_dim3A_2 {add = true} : memref<80x128xf32, #tpu.memory_space<vmem>>[vector<16xi32>, vector<16xi32>], vector<16xf32>,
        %get3A_483 = arith.constant 0 : i32
        %get3A_484 = arith.index_cast %get3A_483 : i32 to index
        %get3A_485 = arith.constant 96 : index
        %get3A_486 = tpu.vector_load %arg8[%get3A_484, %get3A_485] {strides = array<i32>} : memref<2x128xi32, #tpu.memory_space<vmem>>, vector<16xi32>,
        %shift_right_logical3A_487 = arith.constant 7 : i32
        %shift_right_logical3A_488 = vector.broadcast %shift_right_logical3A_487 : i32 to vector<16xi32>
        %shift_right_logical3A_489 = arith.shrui %get3A_486, %shift_right_logical3A_488 : vector<16xi32>
        %and3A_490 = arith.constant 127 : i32
        %and3A_491 = vector.broadcast %and3A_490 : i32 to vector<16xi32>
        %and3A_492 = arith.andi %get3A_486, %and3A_491 : vector<16xi32>
        tpu.vector_store_idx %arg10[%shift_right_logical3A_489, %and3A_492], %broadcast_in_dim3A_2 {add = true} : memref<80x128xf32, #tpu.memory_space<vmem>>[vector<16xi32>, vector<16xi32>], vector<16xf32>,
        %get3A_493 = arith.constant 0 : i32
        %get3A_494 = arith.index_cast %get3A_493 : i32 to index
        %get3A_495 = arith.constant 112 : index
        %get3A_496 = tpu.vector_load %arg8[%get3A_494, %get3A_495] {strides = array<i32>} : memref<2x128xi32, #tpu.memory_space<vmem>>, vector<16xi32>,
        %shift_right_logical3A_497 = arith.constant 7 : i32
        %shift_right_logical3A_498 = vector.broadcast %shift_right_logical3A_497 : i32 to vector<16xi32>
        %shift_right_logical3A_499 = arith.shrui %get3A_496, %shift_right_logical3A_498 : vector<16xi32>
        %and3A_500 = arith.constant 127 : i32
        %and3A_501 = vector.broadcast %and3A_500 : i32 to vector<16xi32>
        %and3A_502 = arith.andi %get3A_496, %and3A_501 : vector<16xi32>
        tpu.vector_store_idx %arg10[%shift_right_logical3A_499, %and3A_502], %broadcast_in_dim3A_2 {add = true} : memref<80x128xf32, #tpu.memory_space<vmem>>[vector<16xi32>, vector<16xi32>], vector<16xf32>,
      } else {
      }
      %dma_start3A_398 = arith.constant 0 : i32
      %dma_start3A_399 = arith.constant 0 : i32
      %dma_start3A_400 = arith.constant 0 : i32
      %dma_start3A_401 = arith.constant 0 : i32
      %dma_start3A_402 = tpu.memref_slice %arg9[%dma_start3A_399, %dma_start3A_400, %dma_start3A_401] : memref<2x128x128xf32, #tpu.memory_space<vmem>> -> memref<1x128x128xf32, #tpu.memory_space<vmem>>
      %dma_start3A_403 = tpu.memref_squeeze %dma_start3A_402 : memref<1x128x128xf32, #tpu.memory_space<vmem>> -> memref<128x128xf32, #tpu.memory_space<vmem>>
      %dma_start3A_404 = arith.constant 0 : i32
      %dma_start3A_405 = tpu.memref_slice %arg7[%dma_start3A_398, %dma_start3A_404] : memref<2x128xi32, #tpu.memory_space<vmem>> -> memref<1x128xi32, #tpu.memory_space<vmem>>
      %dma_start3A_406 = tpu.memref_squeeze %dma_start3A_405 : memref<1x128xi32, #tpu.memory_space<vmem>> -> memref<128xi32, #tpu.memory_space<vmem>>
      %dma_start3A_407 = arith.constant 0 : i32
      %dma_start3A_408 = arith.constant 0 : i32
      %dma_start3A_409 = tpu.memref_slice %arg2[%dma_start3A_407, %dma_start3A_408] : memref<20000x128xf32, #tpu.memory_space<hbm>> -> memref<20000x128xf32, #tpu.memory_space<hbm>>
      tpu.enqueue_indirect_dma source(%dma_start3A_409 : memref<20000x128xf32, #tpu.memory_space<hbm>>) target(%dma_start3A_403 : memref<128x128xf32, #tpu.memory_space<vmem>>) offsets(%dma_start3A_406 : memref<128xi32, #tpu.memory_space<vmem>>) semaphore(%arg14 : memref<!tpu.dma_semaphore, #tpu.memory_space<semaphore_mem>>)
      %dma_wait3A_410 = arith.constant 0 : i32
      %dma_wait3A_411 = arith.constant 0 : i32
      %dma_wait3A_412 = arith.constant 0 : i32
      %dma_wait3A_413 = arith.constant 0 : i32
      %dma_wait3A_414 = tpu.memref_slice %arg9[%dma_wait3A_411, %dma_wait3A_412, %dma_wait3A_413] : memref<2x128x128xf32, #tpu.memory_space<vmem>> -> memref<1x128x128xf32, #tpu.memory_space<vmem>>
      %dma_wait3A_415 = tpu.memref_squeeze %dma_wait3A_414 : memref<1x128x128xf32, #tpu.memory_space<vmem>> -> memref<128x128xf32, #tpu.memory_space<vmem>>
      %dma_wait3A_416 = arith.constant 0 : i32
      %dma_wait3A_417 = tpu.memref_slice %arg7[%dma_wait3A_410, %dma_wait3A_416] : memref<2x128xi32, #tpu.memory_space<vmem>> -> memref<1x128xi32, #tpu.memory_space<vmem>>
      %dma_wait3A_418 = tpu.memref_squeeze %dma_wait3A_417 : memref<1x128xi32, #tpu.memory_space<vmem>> -> memref<128xi32, #tpu.memory_space<vmem>>
      %dma_wait3A_419 = arith.constant 0 : i32
      %dma_wait3A_420 = arith.constant 0 : i32
      %dma_wait3A_421 = tpu.memref_slice %arg2[%dma_wait3A_419, %dma_wait3A_420] : memref<20000x128xf32, #tpu.memory_space<hbm>> -> memref<20000x128xf32, #tpu.memory_space<hbm>>
      tpu.wait_indirect_dma semaphore(%arg14 : memref<!tpu.dma_semaphore, #tpu.memory_space<semaphore_mem>>) src(%dma_wait3A_421 : memref<20000x128xf32, #tpu.memory_space<hbm>>) dst(%dma_wait3A_415 : memref<128x128xf32, #tpu.memory_space<vmem>>)
      %run_scoped3A_422 = arith.constant 0 : i32
      %run_scoped3A_423 = arith.constant 0 : i32
      "tpu.region"() ({
        %run_scoped3A_424 = tpu.sem_alloc : memref<!tpu.dma_semaphore, #tpu.memory_space<semaphore_mem>>
        %dma_start3A_425 = arith.constant 0 : i32
        %dma_start3A_426 = arith.constant 0 : i32
        %dma_start3A_427 = tpu.memref_slice %arg9[%run_scoped3A_422, %dma_start3A_425, %dma_start3A_426] : memref<2x128x128xf32, #tpu.memory_space<vmem>> -> memref<1x128x128xf32, #tpu.memory_space<vmem>>
        %dma_start3A_428 = tpu.memref_squeeze %dma_start3A_427 : memref<1x128x128xf32, #tpu.memory_space<vmem>> -> memref<128x128xf32, #tpu.memory_space<vmem>>
        %dma_start3A_429 = arith.constant 0 : i32
        %dma_start3A_430 = tpu.memref_slice %arg8[%run_scoped3A_423, %dma_start3A_429] : memref<2x128xi32, #tpu.memory_space<vmem>> -> memref<1x128xi32, #tpu.memory_space<vmem>>
        %dma_start3A_431 = tpu.memref_squeeze %dma_start3A_430 : memref<1x128xi32, #tpu.memory_space<vmem>> -> memref<128xi32, #tpu.memory_space<vmem>>
        %dma_start3A_432 = arith.constant 0 : i32
        %dma_start3A_433 = arith.constant 0 : i32
        %dma_start3A_434 = tpu.memref_slice %arg12[%dma_start3A_432, %dma_start3A_433] : memref<10240x128xf32, #tpu.memory_space<vmem_shared>> -> memref<10240x128xf32, #tpu.memory_space<vmem_shared>>
        tpu.enqueue_indirect_dma source(%dma_start3A_428 : memref<128x128xf32, #tpu.memory_space<vmem>>) target(%dma_start3A_434 : memref<10240x128xf32, #tpu.memory_space<vmem_shared>>) offsets(%dma_start3A_431 : memref<128xi32, #tpu.memory_space<vmem>>) semaphore(%run_scoped3A_424 : memref<!tpu.dma_semaphore, #tpu.memory_space<semaphore_mem>>) {add = true}
        %dma_wait3A_435 = arith.constant 0 : i32
        %dma_wait3A_436 = arith.constant 0 : i32
        %dma_wait3A_437 = tpu.memref_slice %arg9[%run_scoped3A_422, %dma_wait3A_435, %dma_wait3A_436] : memref<2x128x128xf32, #tpu.memory_space<vmem>> -> memref<1x128x128xf32, #tpu.memory_space<vmem>>
        %dma_wait3A_438 = tpu.memref_squeeze %dma_wait3A_437 : memref<1x128x128xf32, #tpu.memory_space<vmem>> -> memref<128x128xf32, #tpu.memory_space<vmem>>
        %dma_wait3A_439 = arith.constant 0 : i32
        %dma_wait3A_440 = tpu.memref_slice %arg8[%run_scoped3A_423, %dma_wait3A_439] : memref<2x128xi32, #tpu.memory_space<vmem>> -> memref<1x128xi32, #tpu.memory_space<vmem>>
        %dma_wait3A_441 = tpu.memref_squeeze %dma_wait3A_440 : memref<1x128xi32, #tpu.memory_space<vmem>> -> memref<128xi32, #tpu.memory_space<vmem>>
        %dma_wait3A_442 = arith.constant 0 : i32
        %dma_wait3A_443 = arith.constant 0 : i32
        %dma_wait3A_444 = tpu.memref_slice %arg12[%dma_wait3A_442, %dma_wait3A_443] : memref<10240x128xf32, #tpu.memory_space<vmem_shared>> -> memref<10240x128xf32, #tpu.memory_space<vmem_shared>>
        tpu.wait_indirect_dma semaphore(%run_scoped3A_424 : memref<!tpu.dma_semaphore, #tpu.memory_space<semaphore_mem>>) src(%dma_wait3A_438 : memref<128x128xf32, #tpu.memory_space<vmem>>) dst(%dma_wait3A_444 : memref<10240x128xf32, #tpu.memory_space<vmem_shared>>)
        tpu.yield
      }) : () -> ()
    } else {
    }
    %eq3A_201 = arith.constant 0 : i32
    %eq3A_202 = arith.cmpi eq, %arg0, %eq3A_201 : i32
    %convert_element_type3A_203 = arith.extui %eq3A_202 : i1 to i32
    %cond3A_204 = arith.constant 0 : i32
    %cond3A_205 = arith.cmpi ne, %convert_element_type3A_203, %cond3A_204 : i32
    scf.if %cond3A_205 {
      "tpu.region"() ({
        %run_scoped3A = tpu.sem_alloc : memref<!tpu.dma_semaphore, #tpu.memory_space<semaphore_mem>>
        %dma_start3A_285 = arith.constant 0 : i32
        %dma_start3A_286 = arith.constant 0 : i32
        %dma_start3A_287 = tpu.memref_slice %arg13[%dma_start3A_285, %dma_start3A_286] : memref<80x128xf32, #tpu.memory_space<vmem_shared>> -> memref<80x128xf32, #tpu.memory_space<vmem_shared>>
        tpu.enqueue_indirect_dma source(%arg10 : memref<80x128xf32, #tpu.memory_space<vmem>>) target(%dma_start3A_287 : memref<80x128xf32, #tpu.memory_space<vmem_shared>>) offsets(%arg11 : memref<80xi32, #tpu.memory_space<vmem>>) semaphore(%run_scoped3A : memref<!tpu.dma_semaphore, #tpu.memory_space<semaphore_mem>>) {add = true}
        %dma_wait3A_288 = arith.constant 0 : i32
        %dma_wait3A_289 = arith.constant 0 : i32
        %dma_wait3A_290 = tpu.memref_slice %arg13[%dma_wait3A_288, %dma_wait3A_289] : memref<80x128xf32, #tpu.memory_space<vmem_shared>> -> memref<80x128xf32, #tpu.memory_space<vmem_shared>>
        tpu.wait_indirect_dma semaphore(%run_scoped3A : memref<!tpu.dma_semaphore, #tpu.memory_space<semaphore_mem>>) src(%arg10 : memref<80x128xf32, #tpu.memory_space<vmem>>) dst(%dma_wait3A_290 : memref<80x128xf32, #tpu.memory_space<vmem_shared>>)
        tpu.yield
      }) : () -> ()
    } else {
    }
    %barrier3A_206 = arith.constant 0 : index
    tpu.barrier barrier_id(%barrier3A_206)
    %eq3A_207 = arith.constant 0 : i32
    %eq3A_208 = arith.cmpi eq, %arg0, %eq3A_207 : i32
    %lt3A_209 = arith.constant 10 : i32
    %lt3A_210 = arith.cmpi slt, %arg1, %lt3A_209 : i32
    %and3A_211 = arith.andi %eq3A_208, %lt3A_210 : i1
    %convert_element_type3A_212 = arith.extui %and3A_211 : i1 to i32
    %cond3A_213 = arith.constant 0 : i32
    %cond3A_214 = arith.cmpi ne, %convert_element_type3A_212, %cond3A_213 : i32
    scf.if %cond3A_214 {
      %mul3A_285 = arith.constant 8 : i32
      %mul3A_286 = arith.muli %arg1, %mul3A_285 : i32
      %mul3A_287 = arith.constant 8 : i32
      %mul3A_288 = arith.muli %arg1, %mul3A_287 : i32
      "tpu.region"() ({
        %run_scoped3A = tpu.sem_alloc : memref<!tpu.dma_semaphore, #tpu.memory_space<semaphore_mem>>
        %dma_start3A_289 = arith.constant 0 : i32
        %dma_start3A_290 = tpu.memref_slice %arg6[%mul3A_288, %dma_start3A_289] : memref<80x128xf32, #tpu.memory_space<hbm>> -> memref<8x128xf32, #tpu.memory_space<hbm>>
        %dma_start3A_291 = arith.constant 0 : i32
        %dma_start3A_292 = tpu.memref_slice %arg13[%mul3A_286, %dma_start3A_291] : memref<80x128xf32, #tpu.memory_space<vmem_shared>> -> memref<8x128xf32, #tpu.memory_space<vmem_shared>>
        tpu.enqueue_dma source(%dma_start3A_292 : memref<8x128xf32, #tpu.memory_space<vmem_shared>>) target(%dma_start3A_290 : memref<8x128xf32, #tpu.memory_space<hbm>>) target_semaphore(%run_scoped3A : memref<!tpu.dma_semaphore, #tpu.memory_space<semaphore_mem>>)
        %dma_wait3A_293 = arith.constant 0 : i32
        %dma_wait3A_294 = tpu.memref_slice %arg6[%mul3A_288, %dma_wait3A_293] : memref<80x128xf32, #tpu.memory_space<hbm>> -> memref<8x128xf32, #tpu.memory_space<hbm>>
        %dma_wait3A_295 = arith.constant 0 : i32
        %dma_wait3A_296 = tpu.memref_slice %arg13[%mul3A_286, %dma_wait3A_295] : memref<80x128xf32, #tpu.memory_space<vmem_shared>> -> memref<8x128xf32, #tpu.memory_space<vmem_shared>>
        tpu.wait_dma2 semaphore(%run_scoped3A : memref<!tpu.dma_semaphore, #tpu.memory_space<semaphore_mem>>) src(%dma_wait3A_296 : memref<8x128xf32, #tpu.memory_space<vmem_shared>>) dst(%dma_wait3A_294 : memref<8x128xf32, #tpu.memory_space<hbm>>)
        tpu.yield
      }) : () -> ()
    } else {
    }
    %mul3A_215 = arith.constant 640 : i32
    %mul3A_216 = arith.muli %arg1, %mul3A_215 : i32
    %add3A_217 = arith.constant 0 : i32
    %add3A_218 = arith.addi %mul3A_216, %add3A_217 : i32
    %dma_start3A_219 = arith.constant 0 : i32
    %dma_start3A_220 = tpu.memref_slice %arg5[%arg0, %add3A_218, %dma_start3A_219] : memref<2x10240x128xf32, #tpu.memory_space<hbm>> -> memref<1x128x128xf32, #tpu.memory_space<hbm>>
    %dma_start3A_221 = tpu.memref_squeeze %dma_start3A_220 : memref<1x128x128xf32, #tpu.memory_space<hbm>> -> memref<128x128xf32, #tpu.memory_space<hbm>>
    %dma_start3A_222 = arith.constant 0 : i32
    %dma_start3A_223 = tpu.memref_slice %arg12[%add3A_218, %dma_start3A_222] : memref<10240x128xf32, #tpu.memory_space<vmem_shared>> -> memref<128x128xf32, #tpu.memory_space<vmem_shared>>
    tpu.enqueue_dma source(%dma_start3A_223 : memref<128x128xf32, #tpu.memory_space<vmem_shared>>) target(%dma_start3A_221 : memref<128x128xf32, #tpu.memory_space<hbm>>) target_semaphore(%arg14 : memref<!tpu.dma_semaphore, #tpu.memory_space<semaphore_mem>>)
    %mul3A_224 = arith.constant 640 : i32
    %mul3A_225 = arith.muli %arg1, %mul3A_224 : i32
    %add3A_226 = arith.constant 128 : i32
    %add3A_227 = arith.addi %mul3A_225, %add3A_226 : i32
    %dma_start3A_228 = arith.constant 0 : i32
    %dma_start3A_229 = tpu.memref_slice %arg5[%arg0, %add3A_227, %dma_start3A_228] : memref<2x10240x128xf32, #tpu.memory_space<hbm>> -> memref<1x128x128xf32, #tpu.memory_space<hbm>>
    %dma_start3A_230 = tpu.memref_squeeze %dma_start3A_229 : memref<1x128x128xf32, #tpu.memory_space<hbm>> -> memref<128x128xf32, #tpu.memory_space<hbm>>
    %dma_start3A_231 = arith.constant 0 : i32
    %dma_start3A_232 = tpu.memref_slice %arg12[%add3A_227, %dma_start3A_231] : memref<10240x128xf32, #tpu.memory_space<vmem_shared>> -> memref<128x128xf32, #tpu.memory_space<vmem_shared>>
    tpu.enqueue_dma source(%dma_start3A_232 : memref<128x128xf32, #tpu.memory_space<vmem_shared>>) target(%dma_start3A_230 : memref<128x128xf32, #tpu.memory_space<hbm>>) target_semaphore(%arg14 : memref<!tpu.dma_semaphore, #tpu.memory_space<semaphore_mem>>)
    %mul3A_233 = arith.constant 640 : i32
    %mul3A_234 = arith.muli %arg1, %mul3A_233 : i32
    %add3A_235 = arith.constant 256 : i32
    %add3A_236 = arith.addi %mul3A_234, %add3A_235 : i32
    %dma_start3A_237 = arith.constant 0 : i32
    %dma_start3A_238 = tpu.memref_slice %arg5[%arg0, %add3A_236, %dma_start3A_237] : memref<2x10240x128xf32, #tpu.memory_space<hbm>> -> memref<1x128x128xf32, #tpu.memory_space<hbm>>
    %dma_start3A_239 = tpu.memref_squeeze %dma_start3A_238 : memref<1x128x128xf32, #tpu.memory_space<hbm>> -> memref<128x128xf32, #tpu.memory_space<hbm>>
    %dma_start3A_240 = arith.constant 0 : i32
    %dma_start3A_241 = tpu.memref_slice %arg12[%add3A_236, %dma_start3A_240] : memref<10240x128xf32, #tpu.memory_space<vmem_shared>> -> memref<128x128xf32, #tpu.memory_space<vmem_shared>>
    tpu.enqueue_dma source(%dma_start3A_241 : memref<128x128xf32, #tpu.memory_space<vmem_shared>>) target(%dma_start3A_239 : memref<128x128xf32, #tpu.memory_space<hbm>>) target_semaphore(%arg14 : memref<!tpu.dma_semaphore, #tpu.memory_space<semaphore_mem>>)
    %mul3A_242 = arith.constant 640 : i32
    %mul3A_243 = arith.muli %arg1, %mul3A_242 : i32
    %add3A_244 = arith.constant 384 : i32
    %add3A_245 = arith.addi %mul3A_243, %add3A_244 : i32
    %dma_start3A_246 = arith.constant 0 : i32
    %dma_start3A_247 = tpu.memref_slice %arg5[%arg0, %add3A_245, %dma_start3A_246] : memref<2x10240x128xf32, #tpu.memory_space<hbm>> -> memref<1x128x128xf32, #tpu.memory_space<hbm>>
    %dma_start3A_248 = tpu.memref_squeeze %dma_start3A_247 : memref<1x128x128xf32, #tpu.memory_space<hbm>> -> memref<128x128xf32, #tpu.memory_space<hbm>>
    %dma_start3A_249 = arith.constant 0 : i32
    %dma_start3A_250 = tpu.memref_slice %arg12[%add3A_245, %dma_start3A_249] : memref<10240x128xf32, #tpu.memory_space<vmem_shared>> -> memref<128x128xf32, #tpu.memory_space<vmem_shared>>
    tpu.enqueue_dma source(%dma_start3A_250 : memref<128x128xf32, #tpu.memory_space<vmem_shared>>) target(%dma_start3A_248 : memref<128x128xf32, #tpu.memory_space<hbm>>) target_semaphore(%arg14 : memref<!tpu.dma_semaphore, #tpu.memory_space<semaphore_mem>>)
    %mul3A_251 = arith.constant 640 : i32
    %mul3A_252 = arith.muli %arg1, %mul3A_251 : i32
    %add3A_253 = arith.constant 512 : i32
    %add3A_254 = arith.addi %mul3A_252, %add3A_253 : i32
    %dma_start3A_255 = arith.constant 0 : i32
    %dma_start3A_256 = tpu.memref_slice %arg5[%arg0, %add3A_254, %dma_start3A_255] : memref<2x10240x128xf32, #tpu.memory_space<hbm>> -> memref<1x128x128xf32, #tpu.memory_space<hbm>>
    %dma_start3A_257 = tpu.memref_squeeze %dma_start3A_256 : memref<1x128x128xf32, #tpu.memory_space<hbm>> -> memref<128x128xf32, #tpu.memory_space<hbm>>
    %dma_start3A_258 = arith.constant 0 : i32
    %dma_start3A_259 = tpu.memref_slice %arg12[%add3A_254, %dma_start3A_258] : memref<10240x128xf32, #tpu.memory_space<vmem_shared>> -> memref<128x128xf32, #tpu.memory_space<vmem_shared>>
    tpu.enqueue_dma source(%dma_start3A_259 : memref<128x128xf32, #tpu.memory_space<vmem_shared>>) target(%dma_start3A_257 : memref<128x128xf32, #tpu.memory_space<hbm>>) target_semaphore(%arg14 : memref<!tpu.dma_semaphore, #tpu.memory_space<semaphore_mem>>)
    %dma_wait3A_260 = arith.constant 0 : i32
    %dma_wait3A_261 = tpu.memref_slice %arg5[%arg0, %add3A_218, %dma_wait3A_260] : memref<2x10240x128xf32, #tpu.memory_space<hbm>> -> memref<1x128x128xf32, #tpu.memory_space<hbm>>
    %dma_wait3A_262 = tpu.memref_squeeze %dma_wait3A_261 : memref<1x128x128xf32, #tpu.memory_space<hbm>> -> memref<128x128xf32, #tpu.memory_space<hbm>>
    %dma_wait3A_263 = arith.constant 0 : i32
    %dma_wait3A_264 = tpu.memref_slice %arg12[%add3A_218, %dma_wait3A_263] : memref<10240x128xf32, #tpu.memory_space<vmem_shared>> -> memref<128x128xf32, #tpu.memory_space<vmem_shared>>
    tpu.wait_dma2 semaphore(%arg14 : memref<!tpu.dma_semaphore, #tpu.memory_space<semaphore_mem>>) src(%dma_wait3A_264 : memref<128x128xf32, #tpu.memory_space<vmem_shared>>) dst(%dma_wait3A_262 : memref<128x128xf32, #tpu.memory_space<hbm>>)
    %dma_wait3A_265 = arith.constant 0 : i32
    %dma_wait3A_266 = tpu.memref_slice %arg5[%arg0, %add3A_227, %dma_wait3A_265] : memref<2x10240x128xf32, #tpu.memory_space<hbm>> -> memref<1x128x128xf32, #tpu.memory_space<hbm>>
    %dma_wait3A_267 = tpu.memref_squeeze %dma_wait3A_266 : memref<1x128x128xf32, #tpu.memory_space<hbm>> -> memref<128x128xf32, #tpu.memory_space<hbm>>
    %dma_wait3A_268 = arith.constant 0 : i32
    %dma_wait3A_269 = tpu.memref_slice %arg12[%add3A_227, %dma_wait3A_268] : memref<10240x128xf32, #tpu.memory_space<vmem_shared>> -> memref<128x128xf32, #tpu.memory_space<vmem_shared>>
    tpu.wait_dma2 semaphore(%arg14 : memref<!tpu.dma_semaphore, #tpu.memory_space<semaphore_mem>>) src(%dma_wait3A_269 : memref<128x128xf32, #tpu.memory_space<vmem_shared>>) dst(%dma_wait3A_267 : memref<128x128xf32, #tpu.memory_space<hbm>>)
    %dma_wait3A_270 = arith.constant 0 : i32
    %dma_wait3A_271 = tpu.memref_slice %arg5[%arg0, %add3A_236, %dma_wait3A_270] : memref<2x10240x128xf32, #tpu.memory_space<hbm>> -> memref<1x128x128xf32, #tpu.memory_space<hbm>>
    %dma_wait3A_272 = tpu.memref_squeeze %dma_wait3A_271 : memref<1x128x128xf32, #tpu.memory_space<hbm>> -> memref<128x128xf32, #tpu.memory_space<hbm>>
    %dma_wait3A_273 = arith.constant 0 : i32
    %dma_wait3A_274 = tpu.memref_slice %arg12[%add3A_236, %dma_wait3A_273] : memref<10240x128xf32, #tpu.memory_space<vmem_shared>> -> memref<128x128xf32, #tpu.memory_space<vmem_shared>>
    tpu.wait_dma2 semaphore(%arg14 : memref<!tpu.dma_semaphore, #tpu.memory_space<semaphore_mem>>) src(%dma_wait3A_274 : memref<128x128xf32, #tpu.memory_space<vmem_shared>>) dst(%dma_wait3A_272 : memref<128x128xf32, #tpu.memory_space<hbm>>)
    %dma_wait3A_275 = arith.constant 0 : i32
    %dma_wait3A_276 = tpu.memref_slice %arg5[%arg0, %add3A_245, %dma_wait3A_275] : memref<2x10240x128xf32, #tpu.memory_space<hbm>> -> memref<1x128x128xf32, #tpu.memory_space<hbm>>
    %dma_wait3A_277 = tpu.memref_squeeze %dma_wait3A_276 : memref<1x128x128xf32, #tpu.memory_space<hbm>> -> memref<128x128xf32, #tpu.memory_space<hbm>>
    %dma_wait3A_278 = arith.constant 0 : i32
    %dma_wait3A_279 = tpu.memref_slice %arg12[%add3A_245, %dma_wait3A_278] : memref<10240x128xf32, #tpu.memory_space<vmem_shared>> -> memref<128x128xf32, #tpu.memory_space<vmem_shared>>
    tpu.wait_dma2 semaphore(%arg14 : memref<!tpu.dma_semaphore, #tpu.memory_space<semaphore_mem>>) src(%dma_wait3A_279 : memref<128x128xf32, #tpu.memory_space<vmem_shared>>) dst(%dma_wait3A_277 : memref<128x128xf32, #tpu.memory_space<hbm>>)
    %dma_wait3A_280 = arith.constant 0 : i32
    %dma_wait3A_281 = tpu.memref_slice %arg5[%arg0, %add3A_254, %dma_wait3A_280] : memref<2x10240x128xf32, #tpu.memory_space<hbm>> -> memref<1x128x128xf32, #tpu.memory_space<hbm>>
    %dma_wait3A_282 = tpu.memref_squeeze %dma_wait3A_281 : memref<1x128x128xf32, #tpu.memory_space<hbm>> -> memref<128x128xf32, #tpu.memory_space<hbm>>
    %dma_wait3A_283 = arith.constant 0 : i32
    %dma_wait3A_284 = tpu.memref_slice %arg12[%add3A_254, %dma_wait3A_283] : memref<10240x128xf32, #tpu.memory_space<vmem_shared>> -> memref<128x128xf32, #tpu.memory_space<vmem_shared>>
    tpu.wait_dma2 semaphore(%arg14 : memref<!tpu.dma_semaphore, #tpu.memory_space<semaphore_mem>>) src(%dma_wait3A_284 : memref<128x128xf32, #tpu.memory_space<vmem_shared>>) dst(%dma_wait3A_282 : memref<128x128xf32, #tpu.memory_space<hbm>>)
    return
  }
}

module attributes {stable_mosaic.version = 14 : i64} {
  func.func @_tc_dense_body(%arg0: i32, %arg1: memref<2x1000x128xf32, #tpu.memory_space<vmem>>, %arg2: memref<1000x1xf32, #tpu.memory_space<vmem>>, %arg3: memref<1000x256xf32, #tpu.memory_space<vmem>>, %arg4: memref<256x256xf32, #tpu.memory_space<vmem>>, %arg5: memref<1x256xf32, #tpu.memory_space<vmem>>, %arg6: memref<256x256xf32, #tpu.memory_space<vmem>>, %arg7: memref<256x512xf32, #tpu.memory_space<vmem>>, %arg8: memref<1x512xf32, #tpu.memory_space<vmem>>, %arg9: memref<512x256xf32, #tpu.memory_space<vmem>>, %arg10: memref<1x256xf32, #tpu.memory_space<vmem>>, %arg11: memref<1000x256xf32, #tpu.memory_space<vmem>>) attributes {dimension_semantics = [#tpu.dimension_semantics<arbitrary>], iteration_bounds = array<i64: 10>, scalar_prefetch = 0 : i64, scratch_operands = 0 : i64, tpu.core_type = #tpu.core_type<tc>, window_params = [{transform_indices = @transform_0, window_bounds = array<i64: 2, 1000, 128>}, {transform_indices = @transform_1, window_bounds = array<i64: 1000, 1>}, {transform_indices = @transform_2, window_bounds = array<i64: 1000, 256>}, {pipeline_mode = #tpu.pipeline_mode<synchronous>, transform_indices = @transform_3, window_bounds = array<i64: 256, 256>}, {pipeline_mode = #tpu.pipeline_mode<synchronous>, transform_indices = @transform_4, window_bounds = array<i64: 1, 256>}, {pipeline_mode = #tpu.pipeline_mode<synchronous>, transform_indices = @transform_5, window_bounds = array<i64: 256, 256>}, {pipeline_mode = #tpu.pipeline_mode<synchronous>, transform_indices = @transform_6, window_bounds = array<i64: 256, 512>}, {pipeline_mode = #tpu.pipeline_mode<synchronous>, transform_indices = @transform_7, window_bounds = array<i64: 1, 512>}, {pipeline_mode = #tpu.pipeline_mode<synchronous>, transform_indices = @transform_8, window_bounds = array<i64: 512, 256>}, {pipeline_mode = #tpu.pipeline_mode<synchronous>, transform_indices = @transform_9, window_bounds = array<i64: 1, 256>}, {transform_indices = @transform_10, window_bounds = array<i64: 1000, 256>}]} {
    %get3A = arith.constant 0 : index
    %get3A_0 = arith.constant 0 : index
    %get3A_1 = arith.constant 0 : index
    %get3A_2 = vector.load %arg1[%get3A, %get3A_0, %get3A_1] : memref<2x1000x128xf32, #tpu.memory_space<vmem>>, vector<1x1000x128xf32>
    %get3A_3 = vector.shape_cast %get3A_2 : vector<1x1000x128xf32> to vector<1000x128xf32>
    %get3A_4 = arith.constant 1 : index
    %get3A_5 = arith.constant 0 : index
    %get3A_6 = arith.constant 0 : index
    %get3A_7 = vector.load %arg1[%get3A_4, %get3A_5, %get3A_6] : memref<2x1000x128xf32, #tpu.memory_space<vmem>>, vector<1x1000x128xf32>
    %get3A_8 = vector.shape_cast %get3A_7 : vector<1x1000x128xf32> to vector<1000x128xf32>
    %get3A_9 = arith.constant 0 : index
    %get3A_10 = arith.constant 0 : index
    %get3A_11 = vector.load %arg2[%get3A_9, %get3A_10] : memref<1000x1xf32, #tpu.memory_space<vmem>>, vector<1000x1xf32>
    %max3A = arith.constant 1.000000e+00 : f32
    %max3A_12 = vector.broadcast %max3A : f32 to vector<1000x1xf32>
    %max3A_13 = arith.maximumf %get3A_11, %max3A_12 : vector<1000x1xf32>
    %div3A = arith.constant 1.000000e+00 : f32
    %div3A_14 = vector.broadcast %div3A : f32 to vector<1000x1xf32>
    %div3A_15 = arith.divf %div3A_14, %max3A_13 : vector<1000x1xf32>
    %get3A_16 = arith.constant 0 : index
    %get3A_17 = arith.constant 0 : index
    %get3A_18 = vector.load %arg3[%get3A_16, %get3A_17] : memref<1000x256xf32, #tpu.memory_space<vmem>>, vector<1000x256xf32>
    %get3A_19 = arith.constant 0 : index
    %get3A_20 = arith.constant 0 : index
    %get3A_21 = vector.load %arg4[%get3A_19, %get3A_20] : memref<256x256xf32, #tpu.memory_space<vmem>>, vector<256x256xf32>
    %mul3A = vector.broadcast %div3A_15 : vector<1000x1xf32> to vector<1000x128xf32>
    %mul3A_22 = arith.mulf %get3A_3, %mul3A : vector<1000x128xf32>
    %slice3A = vector.extract_strided_slice %get3A_21 {offsets = [0, 0], sizes = [128, 256], strides = [1, 1]} : vector<256x256xf32> to vector<128x256xf32>
    %dot_general3A = arith.constant dense<0.000000e+00> : vector<1000x256xf32>
    %dot_general3A_23 = tpu.matmul %mul3A_22, %slice3A, %dot_general3A {dimension_numbers = #tpu.dot_dimension_numbers<[1], [0], [0], [1], [0, 0, 1, 1], [], []>, transpose_lhs_hint = false} : vector<1000x128xf32>, vector<128x256xf32>, vector<1000x256xf32> -> vector<1000x256xf32>
    %mul3A_24 = vector.broadcast %div3A_15 : vector<1000x1xf32> to vector<1000x128xf32>
    %mul3A_25 = arith.mulf %get3A_8, %mul3A_24 : vector<1000x128xf32>
    %slice3A_26 = vector.extract_strided_slice %get3A_21 {offsets = [128, 0], sizes = [128, 256], strides = [1, 1]} : vector<256x256xf32> to vector<128x256xf32>
    %dot_general3A_27 = arith.constant dense<0.000000e+00> : vector<1000x256xf32>
    %dot_general3A_28 = tpu.matmul %mul3A_25, %slice3A_26, %dot_general3A_27 {dimension_numbers = #tpu.dot_dimension_numbers<[1], [0], [0], [1], [0, 0, 1, 1], [], []>, transpose_lhs_hint = false} : vector<1000x128xf32>, vector<128x256xf32>, vector<1000x256xf32> -> vector<1000x256xf32>
    %add3A = arith.addf %dot_general3A_23, %dot_general3A_28 : vector<1000x256xf32>
    %get3A_29 = arith.constant 0 : index
    %get3A_30 = arith.constant 0 : index
    %get3A_31 = vector.load %arg6[%get3A_29, %get3A_30] : memref<256x256xf32, #tpu.memory_space<vmem>>, vector<256x256xf32>
    %dot_general3A_32 = arith.constant dense<0.000000e+00> : vector<1000x256xf32>
    %dot_general3A_33 = tpu.matmul %get3A_18, %get3A_31, %dot_general3A_32 {dimension_numbers = #tpu.dot_dimension_numbers<[1], [0], [0], [1], [0, 0, 1, 1], [], []>, transpose_lhs_hint = false} : vector<1000x256xf32>, vector<256x256xf32>, vector<1000x256xf32> -> vector<1000x256xf32>
    %add3A_34 = arith.addf %add3A, %dot_general3A_33 : vector<1000x256xf32>
    %get3A_35 = arith.constant 0 : index
    %get3A_36 = arith.constant 0 : index
    %get3A_37 = vector.load %arg5[%get3A_35, %get3A_36] : memref<1x256xf32, #tpu.memory_space<vmem>>, vector<1x256xf32>
    %add3A_38 = vector.broadcast %get3A_37 : vector<1x256xf32> to vector<1000x256xf32>
    %add3A_39 = arith.addf %add3A_34, %add3A_38 : vector<1000x256xf32>
    %max3A_40 = arith.constant 0.000000e+00 : f32
    %max3A_41 = vector.broadcast %max3A_40 : f32 to vector<1000x256xf32>
    %max3A_42 = arith.maximumf %add3A_39, %max3A_41 : vector<1000x256xf32>
    %add3A_43 = arith.addf %get3A_18, %max3A_42 : vector<1000x256xf32>
    %get3A_44 = arith.constant 0 : index
    %get3A_45 = arith.constant 0 : index
    %get3A_46 = vector.load %arg7[%get3A_44, %get3A_45] : memref<256x512xf32, #tpu.memory_space<vmem>>, vector<256x512xf32>
    %dot_general3A_47 = arith.constant dense<0.000000e+00> : vector<1000x512xf32>
    %dot_general3A_48 = tpu.matmul %add3A_43, %get3A_46, %dot_general3A_47 {dimension_numbers = #tpu.dot_dimension_numbers<[1], [0], [0], [1], [0, 0, 1, 1], [], []>, transpose_lhs_hint = false} : vector<1000x256xf32>, vector<256x512xf32>, vector<1000x512xf32> -> vector<1000x512xf32>
    %get3A_49 = arith.constant 0 : index
    %get3A_50 = arith.constant 0 : index
    %get3A_51 = vector.load %arg8[%get3A_49, %get3A_50] : memref<1x512xf32, #tpu.memory_space<vmem>>, vector<1x512xf32>
    %add3A_52 = vector.broadcast %get3A_51 : vector<1x512xf32> to vector<1000x512xf32>
    %add3A_53 = arith.addf %dot_general3A_48, %add3A_52 : vector<1000x512xf32>
    %max3A_54 = arith.constant 0.000000e+00 : f32
    %max3A_55 = vector.broadcast %max3A_54 : f32 to vector<1000x512xf32>
    %max3A_56 = arith.maximumf %add3A_53, %max3A_55 : vector<1000x512xf32>
    %get3A_57 = arith.constant 0 : index
    %get3A_58 = arith.constant 0 : index
    %get3A_59 = vector.load %arg9[%get3A_57, %get3A_58] : memref<512x256xf32, #tpu.memory_space<vmem>>, vector<512x256xf32>
    %dot_general3A_60 = arith.constant dense<0.000000e+00> : vector<1000x256xf32>
    %dot_general3A_61 = tpu.matmul %max3A_56, %get3A_59, %dot_general3A_60 {dimension_numbers = #tpu.dot_dimension_numbers<[1], [0], [0], [1], [0, 0, 1, 1], [], []>, transpose_lhs_hint = false} : vector<1000x512xf32>, vector<512x256xf32>, vector<1000x256xf32> -> vector<1000x256xf32>
    %add3A_62 = arith.addf %max3A_42, %dot_general3A_61 : vector<1000x256xf32>
    %get3A_63 = arith.constant 0 : index
    %get3A_64 = arith.constant 0 : index
    %get3A_65 = vector.load %arg10[%get3A_63, %get3A_64] : memref<1x256xf32, #tpu.memory_space<vmem>>, vector<1x256xf32>
    %add3A_66 = vector.broadcast %get3A_65 : vector<1x256xf32> to vector<1000x256xf32>
    %add3A_67 = arith.addf %add3A_62, %add3A_66 : vector<1000x256xf32>
    %swap3A = arith.constant 0 : index
    %swap3A_68 = arith.constant 0 : index
    %swap3A_69 = vector.load %arg11[%swap3A, %swap3A_68] : memref<1000x256xf32, #tpu.memory_space<vmem>>, vector<1000x256xf32>
    tpu.vector_store %arg11[%swap3A, %swap3A_68], %add3A_67 {strides = array<i32>} : memref<1000x256xf32, #tpu.memory_space<vmem>>, vector<1000x256xf32>,
    return
  }
  func.func @transform_0(%arg0: i32) -> (i32, i32, i32) {
    %c0_i32 = arith.constant 0 : i32
    %c0_i32_0 = arith.constant 0 : i32
    %c0_i32_1 = arith.constant 0 : i32
    return %c0_i32, %arg0, %c0_i32_0 : i32, i32, i32
  }
  func.func @transform_1(%arg0: i32) -> (i32, i32) {
    %c0_i32 = arith.constant 0 : i32
    %c0_i32_0 = arith.constant 0 : i32
    return %arg0, %c0_i32 : i32, i32
  }
  func.func @transform_2(%arg0: i32) -> (i32, i32) {
    %c0_i32 = arith.constant 0 : i32
    %c0_i32_0 = arith.constant 0 : i32
    return %arg0, %c0_i32 : i32, i32
  }
  func.func @transform_3(%arg0: i32) -> (i32, i32) {
    %c0_i32 = arith.constant 0 : i32
    %c0_i32_0 = arith.constant 0 : i32
    %c0_i32_1 = arith.constant 0 : i32
    return %c0_i32, %c0_i32_0 : i32, i32
  }
  func.func @transform_4(%arg0: i32) -> (i32, i32) {
    %c0_i32 = arith.constant 0 : i32
    %c0_i32_0 = arith.constant 0 : i32
    %c0_i32_1 = arith.constant 0 : i32
    return %c0_i32, %c0_i32_0 : i32, i32
  }
  func.func @transform_5(%arg0: i32) -> (i32, i32) {
    %c0_i32 = arith.constant 0 : i32
    %c0_i32_0 = arith.constant 0 : i32
    %c0_i32_1 = arith.constant 0 : i32
    return %c0_i32, %c0_i32_0 : i32, i32
  }
  func.func @transform_6(%arg0: i32) -> (i32, i32) {
    %c0_i32 = arith.constant 0 : i32
    %c0_i32_0 = arith.constant 0 : i32
    %c0_i32_1 = arith.constant 0 : i32
    return %c0_i32, %c0_i32_0 : i32, i32
  }
  func.func @transform_7(%arg0: i32) -> (i32, i32) {
    %c0_i32 = arith.constant 0 : i32
    %c0_i32_0 = arith.constant 0 : i32
    %c0_i32_1 = arith.constant 0 : i32
    return %c0_i32, %c0_i32_0 : i32, i32
  }
  func.func @transform_8(%arg0: i32) -> (i32, i32) {
    %c0_i32 = arith.constant 0 : i32
    %c0_i32_0 = arith.constant 0 : i32
    %c0_i32_1 = arith.constant 0 : i32
    return %c0_i32, %c0_i32_0 : i32, i32
  }
  func.func @transform_9(%arg0: i32) -> (i32, i32) {
    %c0_i32 = arith.constant 0 : i32
    %c0_i32_0 = arith.constant 0 : i32
    %c0_i32_1 = arith.constant 0 : i32
    return %c0_i32, %c0_i32_0 : i32, i32
  }
  func.func @transform_10(%arg0: i32) -> (i32, i32) {
    %c0_i32 = arith.constant 0 : i32
    %c0_i32_0 = arith.constant 0 : i32
    return %arg0, %c0_i32 : i32, i32
  }
}

</mosaic_0001>

<sc_bundles>
// kernel: kernel.4.cloned.1.call-start
scs
__scs_entry_jumppad:
0x0: {  	(pc) =	sbr.rel $0x88, $3  }
0x1: {  	(tag) =	ssettag $0x0;
	lr =	simm.s32 $0x1  }
0x2: {  	[smem:$0x3F98] =	sst lr;
	_ =	strace $0xD0000000  }
0x3: {  	_ = 	snop  }
0x4: {  	_ = 	snop  }
0x5: {  	_ = 	snop  }
0x6: {  	_ = 	snop  }
0x7: {  	_ = 	snop  }
__scs_overlays_trampoline_lowered:
0x8: {  	[smem:$0x3FA7] =	sst s0  }
0x9: {  	[smem:$0x3FA8] =	sst s1  }
0xa: {  	[smem:$0x3FA9] =	sst s2  }
0xb: {  	[smem:$0x3FAA] =	sst s3  }
0xc: {  	[smem:$0x3FAB] =	sst s4  }
0xd: {  	[smem:$0x3FAC] =	sst s5  }
0xe: {  	[smem:$0x3FAD] =	sst s6  }
0xf: {  	[smem:$0x3FAE] =	sst s7  }
0x10: {  	[smem:$0x3FAF] =	sst s8  }
0x11: {  	[smem:$0x3FB0] =	sst s9;
	s0 =	simm.s32 @!p0 $0x0  }
0x12: {  	s1 =	sld [smem:$0x3F96];
	s0 =	simm.s32 @p0 $0x1  }
0x13: {  	[smem:$0x3FB1] =	sst s0;
	s0 =	simm.s32 @!p1 $0x0  }
0x14: {  	s2 =	sld [smem:$0x3F95];
	s0 =	simm.s32 @p1 $0x1  }
0x15: {  	[smem:$0x3FB2] =	sst s0;
	s0 =	simm.s32 @!p2 $0x0  }
0x16: {  	s3 =	sld [smem:$0x3FDB];
	s0 =	simm.s32 @p2 $0x1  }
0x17: {  	s4 =	simm.s32 $0x1BF5;
	[smem:$0x3FB4] =	sst s0  }
0x18: {  	s0 =	sld [smem:$0x3F97];
	_ =	swait.ge [sflag:s4], $0x0  }
0x19: {  	s7 =	sld [smem:$0x3F98]  }
0x1a: {  	s8 =	sadd.s32 $0xFFFFE003, lr  }
0x1b: {  	s9 =	sadd.s32 $0xFFFFFEF7, lr;
	s5 =	simm.s32 $0xFFFFFFFF;
	p2 =	slt.u32 s8, $0xFFFFF086  }
0x1c: {  	p1 =	slt.u32 s9, $0xF7A;
	s5 =	simm.s32 @!p2 $0x0  }
0x1d: {  	s5 =	simm.s32 @p1 $0x1;
	p0 =	seq.s32 s7, s2  }
0x1e: {  	s7 =	smul.u32 @!p0 $0xF7A, s2;
	p2 =	seq.s32 @!p0 s5, $0x0  }
0x1f: {  	s9 =	smul.u32 $0xF7A, s1;
	s8 =	simm.s32 @!p0 $0x1BF5;
	p2 =	por !p2, p0  }
0x20: {  	[sflag:s8] =	ssyncset.s32 @!p0 $0xFFFFF086;
	s6 =	sadd.s32 @!p0 s3, s7;
	s7 =	simm.s32 @!p0 $0x108  }
0x21: {  	s3 =	sadd.s32 s3, s9;
	s6 =	sadd.s32 @!p0 $0x88, s6;
	s7 =	simm.s32 @p2 $0x1082  }
0x22: {  	[simem:s7], [sflag:s8] =	dma.local @!p0 [hbm:s6], $0xF7A  }
0x23: {  	s9 =	sor.u32 $0xD0000000, s2;
	s6 =	simm.s32 $0x108;
	_ =	swait.ge @!p0 [sflag:s8], $0x0  }
0x24: {  	s3 =	sadd.s32 $0x88, s3;
	s6 =	simm.s32 @!p1 $0x1082;
	[sflag:s4] =	ssyncset.s32 $0xFFFFF086  }
0x25: {  	[simem:s6], [sflag:s4] =	dma.local [hbm:s3], $0xF7A  }
0x26: {  	[smem:$0x3F98] =	sst s1;
	(tag) =	ssettag s2;
	_ =	strace s9  }
0x27: {  	s1 =	sld [smem:$0x3FA8]  }
0x28: {  	s2 =	sld [smem:$0x3FA9]  }
0x29: {  	s4 =	sld [smem:$0x3FAB]  }
0x2a: {  	p0 =	seq.s32 s5, $0x0;
	s5 =	sld [smem:$0x3FAC]  }
0x2b: {  	s6 =	sld [smem:$0x3FAD]  }
0x2c: {  	s7 =	sld [smem:$0x3FAE]  }
0x2d: {  	s3 =	simm.s32 $0x108;
	s8 =	sld [smem:$0x3FAF]  }
0x2e: {  	s3 =	simm.s32 @!p0 $0x1082;
	s9 =	sld [smem:$0x3FB0]  }
0x2f: {  	lr =	sadd.s32 s0, s3;
	s0 =	sld [smem:$0x3FA7]  }
0x30: {  	s3 =	sld [smem:$0x3FAA]  }
0x31: {  	[smem:$0x3FB3] =	sst s10  }
0x32: {  	s10 =	sld [smem:$0x3FB1];
	_ =	sdelay $0x3  }
0x33: {  	p0 =	seq.s32 s10, $0x1;
	s10 =	sld [smem:$0x3FB3];
	_ =	sdelay $0x3  }
0x34: {  	[smem:$0x3FB3] =	sst s10  }
0x35: {  	s10 =	sld [smem:$0x3FB2];
	_ =	sdelay $0x3  }
0x36: {  	p1 =	seq.s32 s10, $0x1;
	s10 =	sld [smem:$0x3FB3];
	_ =	sdelay $0x3  }
0x37: {  	[smem:$0x3FB3] =	sst s10  }
0x38: {  	s10 =	sld [smem:$0x3FB4]  }
0x39: {  	_ = 	snop;
	(pc) =	sbr.ind lr, $3  }
0x3a: {  	_ = 	snop  }
0x3b: {  	_ = 	snop  }
0x3c: {  	p2 =	seq.s32 s10, $0x1;
	s10 =	sld [smem:$0x3FB3]  }
0x3d: {  	_ =	shalt  }
0x3e: {  	_ =	shalt  }
0x3f: {  	_ =	shalt  }
0x40: {  	_ =	shalt  }
0x41: {  	_ =	shalt  }
0x42: {  	_ =	shalt  }
0x43: {  	_ =	shalt  }
0x44: {  	_ =	shalt  }
0x45: {  	_ =	shalt  }
0x46: {  	_ =	shalt  }
0x47: {  	_ =	shalt  }
0x48: {  	_ =	shalt  }
0x49: {  	_ =	shalt  }
0x4a: {  	_ =	shalt  }
0x4b: {  	_ =	shalt  }
0x4c: {  	_ =	shalt  }
0x4d: {  	_ =	shalt  }
0x4e: {  	_ =	shalt  }
0x4f: {  	_ =	shalt  }
0x50: {  	_ =	shalt  }
0x51: {  	_ =	shalt  }
0x52: {  	_ =	shalt  }
0x53: {  	_ =	shalt  }
0x54: {  	_ =	shalt  }
0x55: {  	_ =	shalt  }
0x56: {  	_ =	shalt  }
0x57: {  	_ =	shalt  }
0x58: {  	_ =	shalt  }
0x59: {  	_ =	shalt  }
0x5a: {  	_ =	shalt  }
0x5b: {  	_ =	shalt  }
0x5c: {  	_ =	shalt  }
0x5d: {  	_ =	shalt  }
0x5e: {  	_ =	shalt  }
0x5f: {  	_ =	shalt  }
0x60: {  	_ =	shalt  }
0x61: {  	_ =	shalt  }
0x62: {  	_ =	shalt  }
0x63: {  	_ =	shalt  }
0x64: {  	_ =	shalt  }
0x65: {  	_ =	shalt  }
0x66: {  	_ =	shalt  }
0x67: {  	_ =	shalt  }
0x68: {  	_ =	shalt  }
0x69: {  	_ =	shalt  }
0x6a: {  	_ =	shalt  }
0x6b: {  	_ =	shalt  }
0x6c: {  	_ =	shalt  }
0x6d: {  	_ =	shalt  }
0x6e: {  	_ =	shalt  }
0x6f: {  	_ =	shalt  }
0x70: {  	_ =	shalt  }
0x71: {  	_ =	shalt  }
0x72: {  	_ =	shalt  }
0x73: {  	_ =	shalt  }
0x74: {  	_ =	shalt  }
0x75: {  	_ =	shalt  }
0x76: {  	_ =	shalt  }
0x77: {  	_ =	shalt  }
0x78: {  	_ =	shalt  }
0x79: {  	_ =	shalt  }
0x7a: {  	_ =	shalt  }
0x7b: {  	_ =	shalt  }
0x7c: {  	_ =	shalt  }
0x7d: {  	_ =	shalt  }
0x7e: {  	_ =	shalt  }
0x7f: {  	_ =	shalt  }
0x80: {  	_ =	shalt  }
0x81: {  	_ =	shalt  }
0x82: {  	_ =	shalt  }
0x83: {  	_ =	shalt  }
0x84: {  	_ =	shalt  }
0x85: {  	_ =	shalt  }
0x86: {  	_ =	shalt  }
0x87: {  	_ =	shalt  }
.Lfunc_end0:
.L_simem_size_0:
called_computation_lowered:
.L_overlay_start_0:
0x88: {  	s2 =	sld [smem:$0x3FD9]  }
0x89: {  	s3 =	sld [smem:$0x3FFE];
	_ =	sdelay $0x1  }
0x8a: {  	s1 =	srdreg.scid  }
0x8b: {  	s0 =	sand.u32 $0x1, s1  }
0x8c: {  	s17 =	sshll.u32 s0, $0xA;
	s2 =	sadd.s32 s3, s2  }
0x8d: {  	s2 =	sadd.s32 s2, s17  }
0x8e: {  	[smem:$0x3FBF] =	sst s2  }
0x8f: {  	_ = 	snop  }
0x90: {  	s2 =	sld [smem:$0x3FD0];
	(tm) =	ssettm $0x1  }
0x91: {  	s18 =	sld [smem:$0x3FFB];
	_ =	sdelay $0x3  }
0x92: {  	_ =	strace s18  }
0x93: {  	s3 =	sld [smem:$0x3FFC];
	_ =	sdelay $0x3  }
0x94: {  	_ =	strace s3  }
0x95: {  	s3 =	sld [smem:$0x3FFD];
	_ =	sdelay $0x3  }
0x96: {  	_ =	strace s3  }
0x97: {  	_ =	strace $0x8FFFFFFF  }
0x98: {  	s19 =	sld [smem:$0x3FDB];
	_ =	sdelay $0x1  }
0x99: {  	s4 =	simm.s32 $_scs_section_size  }
0x9a: {  	s5 =	simm.s32 $_size__tile_overlayer_lowered;
	s6 =	simm.s32 $_tile_overlayer_lowered  }
0x9b: {  	s22 =	simm.s32 $0x1BFF;
	s21 =	sshll.u32 s6, $0x1;
	s3 =	sadd.s32 s4, s19  }
0x9c: {  	s7 =	simm.s32 $0x0;
	s20 =	sshll.u32 s5, $0x1;
	s5 =	sadd.s32 s21, s3  }
0x9d: {  	[timem:s7], [sflag:s22] =	dma.local [hbm:s5], s20  }
0x9e: {  	_ =	swait.ge [sflag:s22], s20  }
0x9f: {  	s4 =	ssub.s32 $0x0, s20;
	[sflag:s22] =	ssyncset.done $0x0  }
0xa0: {  	[sflag:s22] =	ssyncadd.s32 s4;
	_ =	sdelay $0x1  }
0xa1: {  	s23 =	simm.s32 $0x1B8B  }
0xa2: {  	_ =	swait.ge [sflag:s23], $0x1  }
0xa3: {  	[sflag:s23] =	ssyncset.done $0x0  }
0xa4: {  	s25 =	simm.s32 $0x1B8E;
	s24 =	sld [smem:$0x3FFE];
	[sflag:s23] =	ssyncadd.s32 $0xFFFFFFFF  }
0xa5: {  	s26 =	simm.s32 $execute0_lowered;
	[smem:$0x3FD2] =	sst s25  }
0xa6: {  	s5 =	sshll.u32 s26, $0x1;
	_ =	strace $0x80000046;
	[dreg:$0x1] =	wrdreg $0xFFFFFFFF  }
0xa7: {  	s28 =	simm.s32 $_size_execute0_lowered;
	s3 =	sadd.s32 s3, s5;
	[dreg:$0x0] =	wrdreg $0x0  }
0xa8: {  	s5 =	sshll.u32 s28, $0x1;
	[dreg:$0x2] =	wrdreg s3  }
0xa9: {  	[dreg:$0x3] =	wrdreg s5  }
0xaa: {  	[dreg:$0x4] =	wrdreg $0xC0  }
0xab: {  	_ =	task [dreg:s7], $0x5FFFF  }
0xac: {  	[dreg:$0x1] =	wrdreg $0xFFFFFFFF  }
0xad: {  	[dreg:$0x0] =	wrdreg $0x60  }
0xae: {  	[dreg:$0x2] =	wrdreg s2  }
0xaf: {  	[dreg:$0x3] =	wrdreg s24  }
0xb0: {  	[dreg:$0x4] =	wrdreg $0xAA800  }
0xb1: {  	[dreg:$0x5] =	wrdreg $0x1EA800  }
0xb2: {  	[dreg:$0x6] =	wrdreg $0x9  }
0xb3: {  	_ =	task.clear_ibuf [dreg:s7], $0x7FFFF;
	_ =	strace $0x90000046  }
0xb4: {  	s29 =	simm.s32 $0x9;
	_ =	strace $0x80000048  }
0xb5: {  	_ =	swait.ge [sflag:s29], $0x1  }
0xb6: {  	[sflag:s29] =	ssyncadd.s32 $0xFFFFFFFF  }
0xb7: {  	_ =	strace $0x90000048  }
0xb8: {  	_ =	sfence  }
0xb9: {  	s30 =	sld [smem:$0x0];
	_ =	sdelay $0x2  }
0xba: {  	s31 =	sshll.u32 s1, $0xD;
	s1 =	sshrl.u32 s1, $0x2  }
0xbb: {  	s3 =	sand.u32 $0x4000, s31;
	s1 =	sadd.s32 s1, s30  }
0xbc: {  	s0 =	sor.u32 s3, s0;
	s1 =	sshll.u32 s1, $0x11  }
0xbd: {  	s0 =	sor.u32 s1, s0  }
0xbe: {  	s0 =	sadd.s32 $0x8F2B, s0  }
0xbf: {  	[sflag:s0] =	ssyncadd.remote.s32 $0x1  }
0xc0: {  	_ =	sfence.sel $0xFFFF  }
0xc1: {  	[dreg:$0x0] =	wrdreg $0xFFFFFFFF;
	(pc) =	sbr.abs _section_cstart, $3  }
0xc2: {  	[dreg:$0x1] =	wrdreg $0xFFFFFFFF  }
0xc3: {  	_ =	task.clear_ibuf [dreg:s7], $0x2FFFF;
	_ =	strace $0x9FFFFFFF  }
0xc4: {  	(tm) =	ssettm $0x7FFFFFFF  }
0xc5: {  	_ =	shalt  }
tec
execute0_lowered:
.L_overlay_start_1:
0x0: {  	(tag) =	ssettag $0x1  }
0x1: {  	s1 =	rddreg [dreg:$0x0]  }
0x2: {  	s0 =	rddreg [dreg:$0x1]  }
0x3: {  	s2 =	rddreg [dreg:$0x2]  }
0x4: {  	s23 =	rddreg [dreg:$0x3];
	s4 =	simm.s32 $0x0  }
0x5: {  	s6 =	srdreg.scid;
	s5 =	stileid.u32;
	s28 =	simm.s32 $0x80  }
0x6: {  	s29 =	simm.s32 $0x180;
	s30 =	simm.s32 $0x4200;
	s31 =	simm.s32 $0x2  }
0x7: {  	[smem:$0x7FF] =	sst s4;
	s3 =	sadd.s32 $0x6000, s0;
	s12 =	sadd.s32 $0x1000, s0  }
0x8: {  	s13 =	sand.u32 $0x1, s6;
	s14 =	sadd.s32 $0xB000, s0;
	s7 =	smul.u32 $0x50000, s5  }
0x9: {  	s8 =	sshll.u32 s5, $0x7;
	s15 =	smul.u32 $0x14000, s5;
	p1 =	slt.u32 s5, $0xA  }
0xa: {  	s11 =	sshll.u32 s5, $0xA;
	s22 =	sshll.u32 s5, $0x4;
	p3 =	sgt.u32 s5, $0x1  }
0xb: {  	_ =	strace $0x80000047;
	s6 =	ssub.s32 $0x2, s13;
	s0 =	sadd.s32 s8, s0  }
0xc: {  	p0 =	seq.s32 s13, $0x0;
	s21 =	smul.u32 $0x140000, s13;
	s11 =	sadd.s32 s11, s23  }
0xd: {  	s25 =	sor.u32 $0x4E00, s22;
	s23 =	simm.s32 $0x200;
	p2 =	sne.s32 s13, $0x0  }
0xe: {  	s9 =	sshrl.u32 s6, $0x1;
	s24 =	sshrl.u32 s7, $0x2;
	s16 =	sadd.s32 $0x4000, s15  }
0xf: {  	s17 =	sadd.s32 $0x8000, s15;
	s18 =	sadd.s32 $0xC000, s15;
	s19 =	sadd.s32 $0x10000, s15  }
0x10: {  	p1 =	por !p0, !p1;
	s26 =	sadd.s32 s3, s25;
	s0 =	sadd.s32 $0x5B000, s0  }
0x11: {  	s20 =	ssub.s32 s6, s9;
	s6 =	sadd.s32 s24, s2;
	s7 =	sadd.s32 s16, s2  }
0x12: {  	s8 =	sadd.s32 s17, s2;
	s9 =	sadd.s32 s18, s2;
	s10 =	sadd.s32 s19, s2  }
0x13: {  	p1 =	por !p1, !p1;
	s15 =	sadd.s32 s15, s21;
	s16 =	sadd.s32 s21, s16  }
0x14: {  	s17 =	sadd.s32 s21, s17;
	s18 =	sadd.s32 s21, s18;
	[dreg:$0x5] =	wrdreg s26  }
0x15: {  	s19 =	sadd.s32 s21, s19;
	s24 =	sadd.s32 s12, s25;
	[dreg:$0x7] =	wrdreg s0  }
0x16: {  	s21 =	sadd.s32 s22, s12;
	s22 =	sadd.s32 s22, s3;
	s0 =	simm.s32 $0x0  }
0x17: {  	[dreg:$0x6] =	wrdreg s24;
	s15 =	sshrl.u32 s15, $0x3;
	s16 =	sshrl.u32 s16, $0x3  }
.Ltmp0:
0x18: {  	s26 =	sshrl.u32 s17, $0x3;
	s18 =	sshrl.u32 s18, $0x3;
	(pc) =	sbr.rel .LBB2_1-.Ltmp0, $4  }
0x19: {  	s19 =	sshrl.u32 s19, $0x3;
	s20 =	smax.u32 s20, $0x1;
	s24 =	simm.s32 $0x1  }
0x1a: {  	v0 =	vlaneseq.u32;
	p4 =	por !p1, !p0;
	s25 =	sadd.s32 s14, s15;
	s16 =	sadd.s32 s14, s16  }
0x1b: {  	v2 =	vimm.f32 $0.0e+00;
	v3 =	vor.u32 $0x10, v0;
	v4 =	vor.u32 $0x20, v0;
	s17 =	sadd.s32 s14, s26;
	s18 =	sadd.s32 s14, s18;
	s19 =	sadd.s32 s14, s19  }
0x1c: {  	v5 =	vor.u32 $0x30, v0;
	v6 =	vor.u32 $0x40, v0;
	v1 =	vmov s13;
	s26 =	simm.s32 $0x100;
	[dreg:$0x8] =	wrdreg s25;
	s25 =	simm.s32 $0x3  }
.LBB2_9:
0x1d: {  	s3 =	simm.s32 @p0 $0x50  }
0x1e: {  	s12 =	simm.s32 @p0 $0xAA00;
	s13 =	simm.s32 @p0 $0x8200;
	s14 =	rddreg [dreg:$0x3]  }
0x1f: {  	[spmem:s14] =	stream.indirect.scatter.add.f32 @p0 [tilespmem:s13], [sflag:$0x3], $0x80, s12, s3, $0xb8;
	[tilespmem:$0x1ED00] =	vst v63  }
0x20: {  	s3 =	simm.s32 @p0 $0x3  }
0x21: {  	_ =	swait.ge @p0 [sflag:s3], $0x2800  }
0x22: {  	[sflag:s3] =	ssyncset.done @p0 $0x0  }
0x23: {  	[sflag:s3] =	ssyncadd.s32 @p0 $0xFFFFD800  }
0x24: {  	s3 =	sshll.u32 @!p4 s5, $0x6;
	[bflag:$0x0] =	sbarrier.arrive @p0 $0xFFFF  }
0x25: {  	s12 =	sshrl.u32 @!p4 s11, $0x3;
	s3 =	sor.u32 @!p4 $0x1C03, s3;
	s13 =	rddreg [dreg:$0x7]  }
0x26: {  	[hbm:s13], [sflag:s3] =	dma.local @!p4 [spmem:s12], $0x80  }
0x27: {  	s3 =	simm.s32 @!p4 $0x3  }
0x28: {  	_ =	swait.ge @!p4 [sflag:s3], $0x80  }
0x29: {  	[sflag:s3] =	ssyncset.done @!p4 $0x0  }
0x2a: {  	[sflag:s3] =	ssyncadd.s32 @!p4 $0xFFFFFF80  }
0x2b: {  	s15 =	sshrl.u32 s7, $0x3;
	s12 =	sshll.u32 s5, $0x6;
	[bflag:$0x0] =	sbarrier.arrive @!p0 $0xFFFF  }
0x2c: {  	s13 =	sshrl.u32 s6, $0x3;
	s3 =	sor.u32 $0x1C01, s12;
	s14 =	rddreg [dreg:$0x8]  }
0x2d: {  	[hbm:s14], [sflag:s3] =	dma.local [spmem:s13], $0x800  }
0x2e: {  	[hbm:s16], [sflag:s3] =	dma.local [spmem:s15], $0x800  }
0x2f: {  	s13 =	sshrl.u32 s8, $0x3;
	s14 =	sshrl.u32 s9, $0x3;
	s15 =	sshrl.u32 s10, $0x3  }
0x30: {  	[hbm:s17], [sflag:s3] =	dma.local [spmem:s13], $0x800  }
0x31: {  	[hbm:s18], [sflag:s3] =	dma.local [spmem:s14], $0x800  }
0x32: {  	[hbm:s19], [sflag:s3] =	dma.local [spmem:s15], $0x800  }
0x33: {  	_ =	swait.ge [sflag:s24], $0x800  }
0x34: {  	[sflag:s24] =	ssyncset.done $0x0  }
0x35: {  	[sflag:s24] =	ssyncadd.s32 $0xFFFFF800  }
0x36: {  	_ =	swait.ge [sflag:s24], $0x800  }
0x37: {  	[sflag:s24] =	ssyncset.done $0x0  }
0x38: {  	[sflag:s24] =	ssyncadd.s32 $0xFFFFF800  }
0x39: {  	_ =	swait.ge [sflag:s24], $0x800  }
0x3a: {  	[sflag:s24] =	ssyncset.done $0x0  }
0x3b: {  	s0 =	sadd.s32 $0x1, s0;
	[sflag:s24] =	ssyncadd.s32 $0xFFFFF800  }
0x3c: {  	p5 =	sne.s32 s0, s20;
	_ =	swait.ge [sflag:s24], $0x800  }
.Ltmp1:
0x3d: {  	[sflag:s24] =	ssyncset.done $0x0;
	(pc) =	sbr.rel @!p5 .LBB2_10-.Ltmp1, $4  }
0x3e: {  	[sflag:s24] =	ssyncadd.s32 $0xFFFFF800  }
0x3f: {  	_ =	swait.ge [sflag:s24], $0x800  }
0x40: {  	[sflag:s24] =	ssyncset.done $0x0  }
0x41: {  	[sflag:s24] =	ssyncadd.s32 $0xFFFFF800  }
.LBB2_1:
0x42: {  	s3 =	simm.s32 $0x70;
	s12 =	simm.s32 $0x3C0  }
.LBB2_2:
0x43: {  	p5 =	sne.s32 s12, $0x9FC0;
	[tilespmem:s3+$0x8200] =	vst v2  }
0x44: {  	[tilespmem:s3+$0x8190] =	vst v2  }
0x45: {  	[tilespmem:s3+$0x81A0] =	vst v2  }
.Ltmp2:
0x46: {  	[tilespmem:s3+$0x81B0] =	vst v2;
	(pc) =	sbr.rel @p5 .LBB2_2-.Ltmp2, $4  }
0x47: {  	[tilespmem:s3+$0x81C0] =	vst v2  }
0x48: {  	[tilespmem:s3+$0x81D0] =	vst v2  }
0x49: {  	[tilespmem:s3+$0x81E0] =	vst v2  }
0x4a: {  	[tilespmem:s3+$0x81F0] =	vst v2;
	s3 =	sshra.s32 s12, $0x2;
	s12 =	sadd.s32 $0x200, s12  }
0x4b: {  	[tilespmem:s3+$0x8200] =	vst v2  }
0x4c: {  	[tilespmem:s3+$0x8190] =	vst v2  }
0x4d: {  	[tilespmem:s3+$0x81A0] =	vst v2  }
0x4e: {  	[tilespmem:s3+$0x81B0] =	vst v2  }
0x4f: {  	[tilespmem:s3+$0x81C0] =	vst v2  }
0x50: {  	[tilespmem:s3+$0x81D0] =	vst v2  }
0x51: {  	[tilespmem:s3+$0x81E0] =	vst v2  }
0x52: {  	[tilespmem:s3+$0x81F0] =	vst v2  }
0x53: {  	[tilespmem:$0xAA00] =	vst v0  }
0x54: {  	[tilespmem:$0xAA10] =	vst v3  }
0x55: {  	[tilespmem:$0xAA20] =	vst v4  }
0x56: {  	[tilespmem:$0xAA30] =	vst v5  }
0x57: {  	s3 =	simm.s32 $0x0;
	s12 =	simm.s32 $0x200;
	[tilespmem:$0xAA40] =	vst v6  }
.LBB2_4:
0x58: {  	p5 =	sne.s32 s12, $0xFE00;
	[tilespmem:s3+$0x270] =	vst v2  }
0x59: {  	[tilespmem:s3+$0x200] =	vst v2  }
0x5a: {  	[tilespmem:s3+$0x210] =	vst v2  }
.Ltmp3:
0x5b: {  	[tilespmem:s3+$0x220] =	vst v2;
	(pc) =	sbr.rel @p5 .LBB2_4-.Ltmp3, $4  }
0x5c: {  	[tilespmem:s3+$0x230] =	vst v2  }
0x5d: {  	[tilespmem:s3+$0x240] =	vst v2  }
0x5e: {  	[tilespmem:s3+$0x250] =	vst v2  }
0x5f: {  	[tilespmem:s3+$0x260] =	vst v2;
	s3 =	sshra.s32 s12, $0x2;
	s12 =	sadd.s32 $0x200, s12  }
0x60: {  	[tilespmem:s3+$0x270] =	vst v2  }
0x61: {  	[tilespmem:s3+$0x200] =	vst v2  }
0x62: {  	[tilespmem:s3+$0x210] =	vst v2  }
0x63: {  	[tilespmem:s3+$0x220] =	vst v2  }
0x64: {  	[tilespmem:s3+$0x230] =	vst v2  }
0x65: {  	[tilespmem:s3+$0x240] =	vst v2  }
0x66: {  	[tilespmem:s3+$0x250] =	vst v2  }
0x67: {  	[tilespmem:s3+$0x260] =	vst v2  }
0x68: {  	[spmem:s6] =	stream.linear.scatter [tilespmem:s23], [sflag:$0x1], $0x4000, $0x38;
	[tilespmem:$0x1ED00] =	vst v63  }
0x69: {  	_ = 	snop  }
0x6a: {  	[spmem:s7] =	stream.linear.scatter [tilespmem:s23], [sflag:$0x1], $0x4000, $0x38;
	[tilespmem:$0x1ED00] =	vst v63  }
0x6b: {  	_ = 	snop  }
0x6c: {  	[spmem:s8] =	stream.linear.scatter [tilespmem:s23], [sflag:$0x1], $0x4000, $0x38;
	[tilespmem:$0x1ED00] =	vst v63  }
0x6d: {  	_ = 	snop  }
0x6e: {  	[spmem:s9] =	stream.linear.scatter [tilespmem:s23], [sflag:$0x1], $0x4000, $0x38;
	[tilespmem:$0x1ED00] =	vst v63  }
0x6f: {  	_ = 	snop  }
0x70: {  	[spmem:s10] =	stream.linear.scatter [tilespmem:s23], [sflag:$0x1], $0x4000, $0x38;
	[tilespmem:$0x1ED00] =	vst v63  }
0x71: {  	_ =	swait.ge [sflag:s24], $0x4000  }
0x72: {  	[sflag:s24] =	ssyncset.done $0x0  }
0x73: {  	[sflag:s24] =	ssyncadd.s32 $0xFFFFC000  }
0x74: {  	_ =	swait.ge [sflag:s24], $0x4000  }
0x75: {  	[sflag:s24] =	ssyncset.done $0x0  }
0x76: {  	[sflag:s24] =	ssyncadd.s32 $0xFFFFC000  }
0x77: {  	_ =	swait.ge [sflag:s24], $0x4000  }
0x78: {  	[sflag:s24] =	ssyncset.done $0x0  }
0x79: {  	[sflag:s24] =	ssyncadd.s32 $0xFFFFC000  }
0x7a: {  	_ =	swait.ge [sflag:s24], $0x4000  }
0x7b: {  	[sflag:s24] =	ssyncset.done $0x0  }
0x7c: {  	[sflag:s24] =	ssyncadd.s32 $0xFFFFC000  }
0x7d: {  	_ =	swait.ge [sflag:s24], $0x4000  }
0x7e: {  	[sflag:s24] =	ssyncset.done $0x0  }
0x7f: {  	s3 =	simm.s32 @p1 $0x200;
	[sflag:s24] =	ssyncadd.s32 $0xFFFFC000  }
0x80: {  	[spmem:s11] =	stream.linear.scatter @p1 [tilespmem:s3], [sflag:$0x3], $0x400, $0x38;
	[tilespmem:$0x1ED00] =	vst v63  }
0x81: {  	s3 =	simm.s32 @p1 $0x3  }
0x82: {  	_ =	swait.ge @p1 [sflag:s3], $0x400  }
0x83: {  	[sflag:s3] =	ssyncset.done @p1 $0x0  }
0x84: {  	[sflag:s3] =	ssyncadd.s32 @p1 $0xFFFFFC00  }
0x85: {  	s3 =	simm.s32 $0x0;
	[bflag:$0x0] =	sbarrier.arrive $0xFFFF  }
.LBB2_6:
0x86: {  	s13 =	sadd.s32 s3, s22  }
0x87: {  	[tilespmem:s4], [sflag:$0x3] =	stream.linear.gather [hbm4b:s13+s4], $0x80, $0x38;
	[tilespmem:$0x1ED00] =	vst v63  }
0x88: {  	_ =	swait.ge [sflag:s25], $0x80  }
0x89: {  	[sflag:s25] =	ssyncset.done $0x0  }
0x8a: {  	s14 =	sadd.s32 s3, s21;
	[sflag:s25] =	ssyncadd.s32 $0xFFFFFF80  }
0x8b: {  	[tilespmem:s26], [sflag:$0x3] =	stream.linear.gather [hbm4b:s14+s4], $0x80, $0x38;
	[tilespmem:$0x1ED00] =	vst v63  }
0x8c: {  	_ =	swait.ge [sflag:s25], $0x80  }
0x8d: {  	[sflag:s25] =	ssyncset.done $0x0  }
0x8e: {  	[sflag:s25] =	ssyncadd.s32 $0xFFFFFF80  }
0x8f: {  	v7 =	vld [tilespmem:$0x0]  }
0x90: {  	v8 =	vld [tilespmem:$0x10]  }
0x91: {  	v9 =	vld [tilespmem:$0x20]  }
0x92: {  	v10 =	vld [tilespmem:$0x30]  }
0x93: {  	v11 =	vld [tilespmem:$0x40]  }
0x94: {  	v12 =	vld [tilespmem:$0x50]  }
0x95: {  	v13 =	vld [tilespmem:$0x60];
	v7 =	vshll.u32 v7, $0x1  }
0x96: {  	v14 =	vld [tilespmem:$0x70];
	v8 =	vshll.u32 v8, $0x1;
	v7 =	vor.u32 v1, v7  }
0x97: {  	[tilespmem:$0x0] =	vst v7;
	v7 =	vor.u32 v1, v8;
	v8 =	vshll.u32 v9, $0x1;
	v9 =	vld @!p2 [tilespmem:$0x100]  }
0x98: {  	[tilespmem:$0x10] =	vst v7;
	v7 =	vor.u32 v1, v8;
	v8 =	vshll.u32 v10, $0x1  }
0x99: {  	[tilespmem:$0x20] =	vst v7;
	v7 =	vor.u32 v1, v8;
	v8 =	vshll.u32 v11, $0x1  }
0x9a: {  	[tilespmem:$0x30] =	vst v7;
	v7 =	vor.u32 v1, v8;
	v8 =	vshll.u32 v12, $0x1  }
0x9b: {  	[tilespmem:$0x40] =	vst v7;
	v7 =	vor.u32 v1, v8;
	v8 =	vshll.u32 v13, $0x1  }
0x9c: {  	[tilespmem:$0x50] =	vst v7;
	v7 =	vor.u32 v1, v8;
	v8 =	vshll.u32 v14, $0x1  }
0x9d: {  	[tilespmem:$0x60] =	vst v7;
	v7 =	vor.u32 v1, v8  }
0x9e: {  	s12 =	simm.s32 @!p2 $0x8200;
	[tilespmem:$0x70] =	vst v7;
	v7 =	vimm.f32 @!p2 $1.000000000e+00  }
0x9f: {  	[tilespmem:v9+s12+$0x0] =	vst.idx.add.f32.msk @!p2 $0xffff, v7  }
0xa0: {  	v8 =	vld @!p2 [tilespmem:$0x110];
	_ =	sdelay $0x7  }
0xa1: {  	[tilespmem:v8+s12+$0x0] =	vst.idx.add.f32.msk @!p2 $0xffff, v7  }
0xa2: {  	v8 =	vld @!p2 [tilespmem:$0x120];
	_ =	sdelay $0x7  }
0xa3: {  	[tilespmem:v8+s12+$0x0] =	vst.idx.add.f32.msk @!p2 $0xffff, v7  }
0xa4: {  	v8 =	vld @!p2 [tilespmem:$0x130];
	_ =	sdelay $0x7  }
0xa5: {  	[tilespmem:v8+s12+$0x0] =	vst.idx.add.f32.msk @!p2 $0xffff, v7  }
0xa6: {  	v8 =	vld @!p2 [tilespmem:$0x140];
	_ =	sdelay $0x7  }
0xa7: {  	[tilespmem:v8+s12+$0x0] =	vst.idx.add.f32.msk @!p2 $0xffff, v7  }
0xa8: {  	v8 =	vld @!p2 [tilespmem:$0x150];
	_ =	sdelay $0x7  }
0xa9: {  	[tilespmem:v8+s12+$0x0] =	vst.idx.add.f32.msk @!p2 $0xffff, v7  }
0xaa: {  	v8 =	vld @!p2 [tilespmem:$0x160];
	_ =	sdelay $0x7  }
0xab: {  	[tilespmem:v8+s12+$0x0] =	vst.idx.add.f32.msk @!p2 $0xffff, v7  }
0xac: {  	v8 =	vld @!p2 [tilespmem:$0x170];
	_ =	sdelay $0x7  }
0xad: {  	[tilespmem:v8+s12+$0x0] =	vst.idx.add.f32.msk @!p2 $0xffff, v7  }
0xae: {  	[tilespmem:s23], [sflag:$0x1] =	stream.indirect.gather [hbm4b:s1+s28], $0x80, s4, s28, $0xb8;
	[tilespmem:$0x1ED00] =	vst v63  }
0xaf: {  	s15 =	sadd.s32 $0x100, s13  }
0xb0: {  	[tilespmem:s28], [sflag:$0x3] =	stream.linear.gather [hbm4b:s15+s4], $0x80, $0x38;
	[tilespmem:$0x1ED00] =	vst v63  }
0xb1: {  	_ =	swait.ge [sflag:s25], $0x80  }
0xb2: {  	[sflag:s25] =	ssyncset.done $0x0  }
0xb3: {  	s15 =	sadd.s32 $0x100, s14;
	[sflag:s25] =	ssyncadd.s32 $0xFFFFFF80  }
0xb4: {  	[tilespmem:s29], [sflag:$0x3] =	stream.linear.gather [hbm4b:s15+s4], $0x80, $0x38;
	[tilespmem:$0x1ED00] =	vst v63  }
0xb5: {  	_ =	swait.ge [sflag:s25], $0x80  }
0xb6: {  	[sflag:s25] =	ssyncset.done $0x0  }
0xb7: {  	[sflag:s25] =	ssyncadd.s32 $0xFFFFFF80  }
0xb8: {  	v8 =	vld [tilespmem:$0x80]  }
0xb9: {  	v46 =	vld [tilespmem:$0x90]  }
0xba: {  	v47 =	vld [tilespmem:$0xA0]  }
0xbb: {  	v48 =	vld [tilespmem:$0xB0]  }
0xbc: {  	v49 =	vld [tilespmem:$0xC0]  }
0xbd: {  	v50 =	vld [tilespmem:$0xD0]  }
0xbe: {  	v51 =	vld [tilespmem:$0xE0];
	v8 =	vshll.u32 v8, $0x1  }
0xbf: {  	v15 =	vld [tilespmem:$0xF0];
	v9 =	vshll.u32 v46, $0x1;
	v8 =	vor.u32 v1, v8  }
0xc0: {  	v10 =	vld @!p2 [tilespmem:$0x180];
	v52 =	vshll.u32 v47, $0x1;
	[tilespmem:$0x80] =	vst v8;
	v8 =	vor.u32 v1, v9  }
0xc1: {  	v53 =	vshll.u32 v48, $0x1;
	[tilespmem:$0x90] =	vst v8;
	v8 =	vor.u32 v1, v52  }
0xc2: {  	v54 =	vshll.u32 v49, $0x1;
	[tilespmem:$0xA0] =	vst v8;
	v8 =	vor.u32 v1, v53  }
0xc3: {  	v55 =	vshll.u32 v50, $0x1;
	[tilespmem:$0xB0] =	vst v8;
	v8 =	vor.u32 v1, v54  }
0xc4: {  	v56 =	vshll.u32 v51, $0x1;
	[tilespmem:$0xC0] =	vst v8;
	v8 =	vor.u32 v1, v55  }
0xc5: {  	v57 =	vshll.u32 v15, $0x1;
	[tilespmem:$0xD0] =	vst v8;
	v8 =	vor.u32 v1, v56  }
0xc6: {  	[tilespmem:$0xE0] =	vst v8;
	v8 =	vor.u32 v1, v57  }
0xc7: {  	[tilespmem:$0xF0] =	vst v8  }
0xc8: {  	[tilespmem:v10+s12+$0x0] =	vst.idx.add.f32.msk @!p2 $0xffff, v7  }
0xc9: {  	v8 =	vld @!p2 [tilespmem:$0x190];
	_ =	sdelay $0x7  }
0xca: {  	[tilespmem:v8+s12+$0x0] =	vst.idx.add.f32.msk @!p2 $0xffff, v7  }
0xcb: {  	v8 =	vld @!p2 [tilespmem:$0x1A0];
	_ =	sdelay $0x7  }
0xcc: {  	[tilespmem:v8+s12+$0x0] =	vst.idx.add.f32.msk @!p2 $0xffff, v7  }
0xcd: {  	v8 =	vld @!p2 [tilespmem:$0x1B0];
	_ =	sdelay $0x7  }
0xce: {  	[tilespmem:v8+s12+$0x0] =	vst.idx.add.f32.msk @!p2 $0xffff, v7  }
0xcf: {  	v8 =	vld @!p2 [tilespmem:$0x1C0];
	_ =	sdelay $0x7  }
0xd0: {  	[tilespmem:v8+s12+$0x0] =	vst.idx.add.f32.msk @!p2 $0xffff, v7  }
0xd1: {  	v8 =	vld @!p2 [tilespmem:$0x1D0];
	_ =	sdelay $0x7  }
0xd2: {  	[tilespmem:v8+s12+$0x0] =	vst.idx.add.f32.msk @!p2 $0xffff, v7  }
0xd3: {  	v8 =	vld @!p2 [tilespmem:$0x1E0];
	_ =	sdelay $0x7  }
0xd4: {  	[tilespmem:v8+s12+$0x0] =	vst.idx.add.f32.msk @!p2 $0xffff, v7  }
0xd5: {  	v8 =	vld @!p2 [tilespmem:$0x1F0];
	_ =	sdelay $0x7  }
0xd6: {  	[tilespmem:v8+s12+$0x0] =	vst.idx.add.f32.msk @!p2 $0xffff, v7  }
0xd7: {  	_ =	swait.ge [sflag:s24], $0x4000  }
0xd8: {  	[sflag:s24] =	ssyncset.done $0x0  }
0xd9: {  	[sflag:s24] =	ssyncadd.s32 $0xFFFFC000  }
0xda: {  	[spmem:s2] =	stream.indirect.scatter.add.f32 [tilespmem:s23], [sflag:$0x2], $0x80, s26, s28, $0xb8;
	[tilespmem:$0x1ED00] =	vst v63  }
0xdb: {  	_ = 	snop  }
0xdc: {  	[tilespmem:s30], [sflag:$0x1] =	stream.indirect.gather [hbm4b:s1+s28], $0x80, s28, s28, $0xb8;
	[tilespmem:$0x1ED00] =	vst v63  }
0xdd: {  	_ =	swait.ge [sflag:s31], $0x4000  }
0xde: {  	[sflag:s31] =	ssyncset.done $0x0  }
0xdf: {  	s15 =	sadd.s32 $0x200, s13;
	[sflag:s31] =	ssyncadd.s32 $0xFFFFC000  }
0xe0: {  	[tilespmem:s4], [sflag:$0x3] =	stream.linear.gather [hbm4b:s15+s4], $0x80, $0x38;
	[tilespmem:$0x1ED00] =	vst v63  }
0xe1: {  	_ =	swait.ge [sflag:s25], $0x80  }
0xe2: {  	[sflag:s25] =	ssyncset.done $0x0  }
0xe3: {  	s15 =	sadd.s32 $0x200, s14;
	[sflag:s25] =	ssyncadd.s32 $0xFFFFFF80  }
0xe4: {  	[tilespmem:s26], [sflag:$0x3] =	stream.linear.gather [hbm4b:s15+s4], $0x80, $0x38;
	[tilespmem:$0x1ED00] =	vst v63  }
0xe5: {  	_ =	swait.ge [sflag:s25], $0x80  }
0xe6: {  	[sflag:s25] =	ssyncset.done $0x0  }
0xe7: {  	[sflag:s25] =	ssyncadd.s32 $0xFFFFFF80  }
0xe8: {  	v8 =	vld [tilespmem:$0x0]  }
0xe9: {  	v58 =	vld [tilespmem:$0x10]  }
0xea: {  	v59 =	vld [tilespmem:$0x20]  }
0xeb: {  	v60 =	vld [tilespmem:$0x30]  }
0xec: {  	v61 =	vld [tilespmem:$0x40]  }
0xed: {  	v62 =	vld [tilespmem:$0x50]  }
0xee: {  	v63 =	vld [tilespmem:$0x60];
	v8 =	vshll.u32 v8, $0x1  }
0xef: {  	v18 =	vld [tilespmem:$0x70];
	v9 =	vshll.u32 v58, $0x1;
	v8 =	vor.u32 v1, v8  }
0xf0: {  	v10 =	vld @!p2 [tilespmem:$0x100];
	v19 =	vshll.u32 v59, $0x1;
	[tilespmem:$0x0] =	vst v8;
	v8 =	vor.u32 v1, v9  }
0xf1: {  	v20 =	vshll.u32 v60, $0x1;
	[tilespmem:$0x10] =	vst v8;
	v8 =	vor.u32 v1, v19  }
0xf2: {  	v21 =	vshll.u32 v61, $0x1;
	[tilespmem:$0x20] =	vst v8;
	v8 =	vor.u32 v1, v20  }
0xf3: {  	v22 =	vshll.u32 v62, $0x1;
	[tilespmem:$0x30] =	vst v8;
	v8 =	vor.u32 v1, v21  }
0xf4: {  	v23 =	vshll.u32 v63, $0x1;
	[tilespmem:$0x40] =	vst v8;
	v8 =	vor.u32 v1, v22  }
0xf5: {  	v24 =	vshll.u32 v18, $0x1;
	[tilespmem:$0x50] =	vst v8;
	v8 =	vor.u32 v1, v23  }
0xf6: {  	[tilespmem:$0x60] =	vst v8;
	v8 =	vor.u32 v1, v24  }
0xf7: {  	[tilespmem:$0x70] =	vst v8  }
0xf8: {  	[tilespmem:v10+s12+$0x0] =	vst.idx.add.f32.msk @!p2 $0xffff, v7  }
0xf9: {  	v8 =	vld @!p2 [tilespmem:$0x110];
	_ =	sdelay $0x7  }
0xfa: {  	[tilespmem:v8+s12+$0x0] =	vst.idx.add.f32.msk @!p2 $0xffff, v7  }
0xfb: {  	v8 =	vld @!p2 [tilespmem:$0x120];
	_ =	sdelay $0x7  }
0xfc: {  	[tilespmem:v8+s12+$0x0] =	vst.idx.add.f32.msk @!p2 $0xffff, v7  }
0xfd: {  	v8 =	vld @!p2 [tilespmem:$0x130];
	_ =	sdelay $0x7  }
0xfe: {  	[tilespmem:v8+s12+$0x0] =	vst.idx.add.f32.msk @!p2 $0xffff, v7  }
0xff: {  	v8 =	vld @!p2 [tilespmem:$0x140];
	_ =	sdelay $0x7  }
0x100: {  	[tilespmem:v8+s12+$0x0] =	vst.idx.add.f32.msk @!p2 $0xffff, v7  }
0x101: {  	v8 =	vld @!p2 [tilespmem:$0x150];
	_ =	sdelay $0x7  }
0x102: {  	[tilespmem:v8+s12+$0x0] =	vst.idx.add.f32.msk @!p2 $0xffff, v7  }
0x103: {  	v8 =	vld @!p2 [tilespmem:$0x160];
	_ =	sdelay $0x7  }
0x104: {  	[tilespmem:v8+s12+$0x0] =	vst.idx.add.f32.msk @!p2 $0xffff, v7  }
0x105: {  	v8 =	vld @!p2 [tilespmem:$0x170];
	_ =	sdelay $0x7  }
0x106: {  	[tilespmem:v8+s12+$0x0] =	vst.idx.add.f32.msk @!p2 $0xffff, v7  }
0x107: {  	_ =	swait.ge [sflag:s24], $0x4000  }
0x108: {  	[sflag:s24] =	ssyncset.done $0x0  }
0x109: {  	[sflag:s24] =	ssyncadd.s32 $0xFFFFC000  }
0x10a: {  	[spmem:s2] =	stream.indirect.scatter.add.f32 [tilespmem:s30], [sflag:$0x2], $0x80, s29, s28, $0xb8;
	[tilespmem:$0x1ED00] =	vst v63  }
0x10b: {  	_ = 	snop  }
0x10c: {  	[tilespmem:s23], [sflag:$0x1] =	stream.indirect.gather [hbm4b:s1+s28], $0x80, s4, s28, $0xb8;
	[tilespmem:$0x1ED00] =	vst v63  }
0x10d: {  	_ =	swait.ge [sflag:s31], $0x4000  }
0x10e: {  	[sflag:s31] =	ssyncset.done $0x0  }
0x10f: {  	s15 =	sadd.s32 $0x300, s13;
	[sflag:s31] =	ssyncadd.s32 $0xFFFFC000  }
0x110: {  	[tilespmem:s28], [sflag:$0x3] =	stream.linear.gather [hbm4b:s15+s4], $0x80, $0x38;
	[tilespmem:$0x1ED00] =	vst v63  }
0x111: {  	_ =	swait.ge [sflag:s25], $0x80  }
0x112: {  	[sflag:s25] =	ssyncset.done $0x0  }
0x113: {  	s15 =	sadd.s32 $0x300, s14;
	[sflag:s25] =	ssyncadd.s32 $0xFFFFFF80  }
0x114: {  	[tilespmem:s29], [sflag:$0x3] =	stream.linear.gather [hbm4b:s15+s4], $0x80, $0x38;
	[tilespmem:$0x1ED00] =	vst v63  }
0x115: {  	_ =	swait.ge [sflag:s25], $0x80  }
0x116: {  	[sflag:s25] =	ssyncset.done $0x0  }
0x117: {  	[sflag:s25] =	ssyncadd.s32 $0xFFFFFF80  }
0x118: {  	v8 =	vld [tilespmem:$0x80]  }
0x119: {  	v25 =	vld [tilespmem:$0x90]  }
0x11a: {  	v26 =	vld [tilespmem:$0xA0]  }
0x11b: {  	v27 =	vld [tilespmem:$0xB0]  }
0x11c: {  	v28 =	vld [tilespmem:$0xC0]  }
0x11d: {  	v29 =	vld [tilespmem:$0xD0]  }
0x11e: {  	v30 =	vld [tilespmem:$0xE0];
	v8 =	vshll.u32 v8, $0x1  }
0x11f: {  	v31 =	vld [tilespmem:$0xF0];
	v9 =	vshll.u32 v25, $0x1;
	v8 =	vor.u32 v1, v8  }
0x120: {  	v10 =	vld @!p2 [tilespmem:$0x180];
	v32 =	vshll.u32 v26, $0x1;
	[tilespmem:$0x80] =	vst v8;
	v8 =	vor.u32 v1, v9  }
0x121: {  	v33 =	vshll.u32 v27, $0x1;
	[tilespmem:$0x90] =	vst v8;
	v8 =	vor.u32 v1, v32  }
0x122: {  	v34 =	vshll.u32 v28, $0x1;
	[tilespmem:$0xA0] =	vst v8;
	v8 =	vor.u32 v1, v33  }
0x123: {  	v35 =	vshll.u32 v29, $0x1;
	[tilespmem:$0xB0] =	vst v8;
	v8 =	vor.u32 v1, v34  }
0x124: {  	v36 =	vshll.u32 v30, $0x1;
	[tilespmem:$0xC0] =	vst v8;
	v8 =	vor.u32 v1, v35  }
0x125: {  	v37 =	vshll.u32 v31, $0x1;
	[tilespmem:$0xD0] =	vst v8;
	v8 =	vor.u32 v1, v36  }
0x126: {  	[tilespmem:$0xE0] =	vst v8;
	v8 =	vor.u32 v1, v37  }
0x127: {  	[tilespmem:$0xF0] =	vst v8  }
0x128: {  	[tilespmem:v10+s12+$0x0] =	vst.idx.add.f32.msk @!p2 $0xffff, v7  }
0x129: {  	v8 =	vld @!p2 [tilespmem:$0x190];
	_ =	sdelay $0x7  }
0x12a: {  	[tilespmem:v8+s12+$0x0] =	vst.idx.add.f32.msk @!p2 $0xffff, v7  }
0x12b: {  	v8 =	vld @!p2 [tilespmem:$0x1A0];
	_ =	sdelay $0x7  }
0x12c: {  	[tilespmem:v8+s12+$0x0] =	vst.idx.add.f32.msk @!p2 $0xffff, v7  }
0x12d: {  	v8 =	vld @!p2 [tilespmem:$0x1B0];
	_ =	sdelay $0x7  }
0x12e: {  	[tilespmem:v8+s12+$0x0] =	vst.idx.add.f32.msk @!p2 $0xffff, v7  }
0x12f: {  	v8 =	vld @!p2 [tilespmem:$0x1C0];
	_ =	sdelay $0x7  }
0x130: {  	[tilespmem:v8+s12+$0x0] =	vst.idx.add.f32.msk @!p2 $0xffff, v7  }
0x131: {  	v8 =	vld @!p2 [tilespmem:$0x1D0];
	_ =	sdelay $0x7  }
0x132: {  	[tilespmem:v8+s12+$0x0] =	vst.idx.add.f32.msk @!p2 $0xffff, v7  }
0x133: {  	v8 =	vld @!p2 [tilespmem:$0x1E0];
	_ =	sdelay $0x7  }
0x134: {  	[tilespmem:v8+s12+$0x0] =	vst.idx.add.f32.msk @!p2 $0xffff, v7  }
0x135: {  	v8 =	vld @!p2 [tilespmem:$0x1F0];
	_ =	sdelay $0x7  }
0x136: {  	[tilespmem:v8+s12+$0x0] =	vst.idx.add.f32.msk @!p2 $0xffff, v7  }
0x137: {  	_ =	swait.ge [sflag:s24], $0x4000  }
0x138: {  	[sflag:s24] =	ssyncset.done $0x0  }
0x139: {  	[sflag:s24] =	ssyncadd.s32 $0xFFFFC000  }
0x13a: {  	[spmem:s2] =	stream.indirect.scatter.add.f32 [tilespmem:s23], [sflag:$0x2], $0x80, s26, s28, $0xb8;
	[tilespmem:$0x1ED00] =	vst v63  }
0x13b: {  	_ = 	snop  }
0x13c: {  	[tilespmem:s30], [sflag:$0x1] =	stream.indirect.gather [hbm4b:s1+s28], $0x80, s28, s28, $0xb8;
	[tilespmem:$0x1ED00] =	vst v63  }
0x13d: {  	_ =	swait.ge [sflag:s31], $0x4000  }
0x13e: {  	[sflag:s31] =	ssyncset.done $0x0  }
0x13f: {  	s15 =	sadd.s32 $0x400, s13;
	[sflag:s31] =	ssyncadd.s32 $0xFFFFC000  }
0x140: {  	[tilespmem:s4], [sflag:$0x3] =	stream.linear.gather [hbm4b:s15+s4], $0x80, $0x38;
	[tilespmem:$0x1ED00] =	vst v63  }
0x141: {  	_ =	swait.ge [sflag:s25], $0x80  }
0x142: {  	[sflag:s25] =	ssyncset.done $0x0  }
0x143: {  	s15 =	sadd.s32 $0x400, s14;
	[sflag:s25] =	ssyncadd.s32 $0xFFFFFF80  }
0x144: {  	[tilespmem:s26], [sflag:$0x3] =	stream.linear.gather [hbm4b:s15+s4], $0x80, $0x38;
	[tilespmem:$0x1ED00] =	vst v63  }
0x145: {  	_ =	swait.ge [sflag:s25], $0x80  }
0x146: {  	[sflag:s25] =	ssyncset.done $0x0  }
0x147: {  	[sflag:s25] =	ssyncadd.s32 $0xFFFFFF80  }
0x148: {  	v8 =	vld [tilespmem:$0x0]  }
0x149: {  	v38 =	vld [tilespmem:$0x10]  }
0x14a: {  	v39 =	vld [tilespmem:$0x20]  }
0x14b: {  	v40 =	vld [tilespmem:$0x30]  }
0x14c: {  	v41 =	vld [tilespmem:$0x40]  }
0x14d: {  	v42 =	vld [tilespmem:$0x50]  }
0x14e: {  	v43 =	vld [tilespmem:$0x60];
	v8 =	vshll.u32 v8, $0x1  }
0x14f: {  	v44 =	vld [tilespmem:$0x70];
	v9 =	vshll.u32 v38, $0x1;
	v8 =	vor.u32 v1, v8  }
0x150: {  	v10 =	vld @!p2 [tilespmem:$0x100];
	v45 =	vshll.u32 v39, $0x1;
	[tilespmem:$0x0] =	vst v8;
	v8 =	vor.u32 v1, v9  }
0x151: {  	v46 =	vshll.u32 v40, $0x1;
	[tilespmem:$0x10] =	vst v8;
	v8 =	vor.u32 v1, v45  }
0x152: {  	v47 =	vshll.u32 v41, $0x1;
	[tilespmem:$0x20] =	vst v8;
	v8 =	vor.u32 v1, v46  }
0x153: {  	v48 =	vshll.u32 v42, $0x1;
	[tilespmem:$0x30] =	vst v8;
	v8 =	vor.u32 v1, v47  }
0x154: {  	v49 =	vshll.u32 v43, $0x1;
	[tilespmem:$0x40] =	vst v8;
	v8 =	vor.u32 v1, v48  }
0x155: {  	v50 =	vshll.u32 v44, $0x1;
	[tilespmem:$0x50] =	vst v8;
	v8 =	vor.u32 v1, v49  }
0x156: {  	[tilespmem:$0x60] =	vst v8;
	v8 =	vor.u32 v1, v50  }
0x157: {  	[tilespmem:$0x70] =	vst v8  }
0x158: {  	[tilespmem:v10+s12+$0x0] =	vst.idx.add.f32.msk @!p2 $0xffff, v7  }
0x159: {  	v8 =	vld @!p2 [tilespmem:$0x110];
	_ =	sdelay $0x7  }
0x15a: {  	[tilespmem:v8+s12+$0x0] =	vst.idx.add.f32.msk @!p2 $0xffff, v7  }
0x15b: {  	v8 =	vld @!p2 [tilespmem:$0x120];
	_ =	sdelay $0x7  }
0x15c: {  	[tilespmem:v8+s12+$0x0] =	vst.idx.add.f32.msk @!p2 $0xffff, v7  }
0x15d: {  	v8 =	vld @!p2 [tilespmem:$0x130];
	_ =	sdelay $0x7  }
0x15e: {  	[tilespmem:v8+s12+$0x0] =	vst.idx.add.f32.msk @!p2 $0xffff, v7  }
0x15f: {  	v8 =	vld @!p2 [tilespmem:$0x140];
	_ =	sdelay $0x7  }
0x160: {  	[tilespmem:v8+s12+$0x0] =	vst.idx.add.f32.msk @!p2 $0xffff, v7  }
0x161: {  	v8 =	vld @!p2 [tilespmem:$0x150];
	_ =	sdelay $0x7  }
0x162: {  	[tilespmem:v8+s12+$0x0] =	vst.idx.add.f32.msk @!p2 $0xffff, v7  }
0x163: {  	v8 =	vld @!p2 [tilespmem:$0x160];
	_ =	sdelay $0x7  }
0x164: {  	[tilespmem:v8+s12+$0x0] =	vst.idx.add.f32.msk @!p2 $0xffff, v7  }
0x165: {  	v8 =	vld @!p2 [tilespmem:$0x170];
	_ =	sdelay $0x7  }
0x166: {  	[tilespmem:v8+s12+$0x0] =	vst.idx.add.f32.msk @!p2 $0xffff, v7  }
0x167: {  	_ =	swait.ge [sflag:s24], $0x4000  }
0x168: {  	[sflag:s24] =	ssyncset.done $0x0  }
0x169: {  	[sflag:s24] =	ssyncadd.s32 $0xFFFFC000  }
0x16a: {  	[spmem:s2] =	stream.indirect.scatter.add.f32 [tilespmem:s30], [sflag:$0x2], $0x80, s29, s28, $0xb8;
	[tilespmem:$0x1ED00] =	vst v63  }
0x16b: {  	_ = 	snop  }
0x16c: {  	[tilespmem:s23], [sflag:$0x1] =	stream.indirect.gather [hbm4b:s1+s28], $0x80, s4, s28, $0xb8;
	[tilespmem:$0x1ED00] =	vst v63  }
0x16d: {  	_ =	swait.ge [sflag:s31], $0x4000  }
0x16e: {  	[sflag:s31] =	ssyncset.done $0x0  }
0x16f: {  	s13 =	sadd.s32 $0x500, s13;
	[sflag:s31] =	ssyncadd.s32 $0xFFFFC000  }
0x170: {  	[tilespmem:s28], [sflag:$0x3] =	stream.linear.gather [hbm4b:s13+s4], $0x80, $0x38;
	[tilespmem:$0x1ED00] =	vst v63  }
0x171: {  	_ =	swait.ge [sflag:s25], $0x80  }
0x172: {  	[sflag:s25] =	ssyncset.done $0x0  }
0x173: {  	s15 =	sadd.s32 $0x500, s14;
	[sflag:s25] =	ssyncadd.s32 $0xFFFFFF80  }
0x174: {  	[tilespmem:s29], [sflag:$0x3] =	stream.linear.gather [hbm4b:s15+s4], $0x80, $0x38;
	[tilespmem:$0x1ED00] =	vst v63  }
0x175: {  	_ =	swait.ge [sflag:s25], $0x80  }
0x176: {  	[sflag:s25] =	ssyncset.done $0x0  }
0x177: {  	[sflag:s25] =	ssyncadd.s32 $0xFFFFFF80  }
0x178: {  	v8 =	vld [tilespmem:$0x80]  }
0x179: {  	v51 =	vld [tilespmem:$0x90]  }
0x17a: {  	v52 =	vld [tilespmem:$0xA0]  }
0x17b: {  	v53 =	vld [tilespmem:$0xB0]  }
0x17c: {  	v54 =	vld [tilespmem:$0xC0]  }
0x17d: {  	v55 =	vld [tilespmem:$0xD0]  }
0x17e: {  	v56 =	vld [tilespmem:$0xE0];
	v8 =	vshll.u32 v8, $0x1  }
0x17f: {  	v57 =	vld [tilespmem:$0xF0];
	v9 =	vshll.u32 v51, $0x1;
	v8 =	vor.u32 v1, v8  }
0x180: {  	v10 =	vld @!p2 [tilespmem:$0x180];
	v58 =	vshll.u32 v52, $0x1;
	[tilespmem:$0x80] =	vst v8;
	v8 =	vor.u32 v1, v9  }
0x181: {  	v59 =	vshll.u32 v53, $0x1;
	[tilespmem:$0x90] =	vst v8;
	v8 =	vor.u32 v1, v58  }
0x182: {  	v60 =	vshll.u32 v54, $0x1;
	[tilespmem:$0xA0] =	vst v8;
	v8 =	vor.u32 v1, v59  }
0x183: {  	v61 =	vshll.u32 v55, $0x1;
	[tilespmem:$0xB0] =	vst v8;
	v8 =	vor.u32 v1, v60  }
0x184: {  	v62 =	vshll.u32 v56, $0x1;
	[tilespmem:$0xC0] =	vst v8;
	v8 =	vor.u32 v1, v61  }
0x185: {  	v63 =	vshll.u32 v57, $0x1;
	[tilespmem:$0xD0] =	vst v8;
	v8 =	vor.u32 v1, v62  }
0x186: {  	[tilespmem:$0xE0] =	vst v8;
	v8 =	vor.u32 v1, v63  }
0x187: {  	[tilespmem:$0xF0] =	vst v8  }
0x188: {  	[tilespmem:v10+s12+$0x0] =	vst.idx.add.f32.msk @!p2 $0xffff, v7  }
0x189: {  	v8 =	vld @!p2 [tilespmem:$0x190];
	_ =	sdelay $0x7  }
0x18a: {  	[tilespmem:v8+s12+$0x0] =	vst.idx.add.f32.msk @!p2 $0xffff, v7  }
0x18b: {  	v8 =	vld @!p2 [tilespmem:$0x1A0];
	_ =	sdelay $0x7  }
0x18c: {  	[tilespmem:v8+s12+$0x0] =	vst.idx.add.f32.msk @!p2 $0xffff, v7  }
0x18d: {  	v8 =	vld @!p2 [tilespmem:$0x1B0];
	_ =	sdelay $0x7  }
0x18e: {  	[tilespmem:v8+s12+$0x0] =	vst.idx.add.f32.msk @!p2 $0xffff, v7  }
0x18f: {  	v8 =	vld @!p2 [tilespmem:$0x1C0];
	_ =	sdelay $0x7  }
0x190: {  	[tilespmem:v8+s12+$0x0] =	vst.idx.add.f32.msk @!p2 $0xffff, v7  }
0x191: {  	v8 =	vld @!p2 [tilespmem:$0x1D0];
	_ =	sdelay $0x7  }
0x192: {  	[tilespmem:v8+s12+$0x0] =	vst.idx.add.f32.msk @!p2 $0xffff, v7  }
0x193: {  	v8 =	vld @!p2 [tilespmem:$0x1E0];
	_ =	sdelay $0x7  }
0x194: {  	[tilespmem:v8+s12+$0x0] =	vst.idx.add.f32.msk @!p2 $0xffff, v7  }
0x195: {  	v8 =	vld @!p2 [tilespmem:$0x1F0];
	_ =	sdelay $0x7  }
0x196: {  	[tilespmem:v8+s12+$0x0] =	vst.idx.add.f32.msk @!p2 $0xffff, v7  }
0x197: {  	_ =	swait.ge [sflag:s24], $0x4000  }
0x198: {  	[sflag:s24] =	ssyncset.done $0x0  }
0x199: {  	[sflag:s24] =	ssyncadd.s32 $0xFFFFC000  }
0x19a: {  	[spmem:s2] =	stream.indirect.scatter.add.f32 [tilespmem:s23], [sflag:$0x2], $0x80, s26, s28, $0xb8;
	[tilespmem:$0x1ED00] =	vst v63  }
0x19b: {  	_ = 	snop  }
0x19c: {  	[tilespmem:s30], [sflag:$0x1] =	stream.indirect.gather [hbm4b:s1+s28], $0x80, s28, s28, $0xb8;
	[tilespmem:$0x1ED00] =	vst v63  }
0x19d: {  	_ =	swait.ge [sflag:s24], $0x4000  }
0x19e: {  	[sflag:s24] =	ssyncset.done $0x0  }
0x19f: {  	s3 =	sadd.s32 $0x600, s3;
	[sflag:s24] =	ssyncadd.s32 $0xFFFFC000  }
0x1a0: {  	[spmem:s2] =	stream.indirect.scatter.add.f32 [tilespmem:s30], [sflag:$0x2], $0x80, s29, s28, $0xb8;
	[tilespmem:$0x1ED00] =	vst v63  }
0x1a1: {  	p5 =	sne.s32 s3, $0x4E00;
	_ =	swait.ge [sflag:s31], $0x4000  }
.Ltmp4:
0x1a2: {  	[sflag:s31] =	ssyncset.done $0x0;
	(pc) =	sbr.rel @p5 .LBB2_6-.Ltmp4, $4  }
0x1a3: {  	[sflag:s31] =	ssyncadd.s32 $0xFFFFC000  }
0x1a4: {  	_ =	swait.ge [sflag:s31], $0x4000  }
0x1a5: {  	[sflag:s31] =	ssyncset.done $0x0  }
0x1a6: {  	[sflag:s31] =	ssyncadd.s32 $0xFFFFC000  }
.Ltmp5:
0x1a7: {  	(pc) =	sbr.rel @p3 .LBB2_9-.Ltmp5, $1  }
0x1a8: {  	_ =	sdelay $0x3  }
0x1a9: {  	s3 =	rddreg [dreg:$0x5]  }
0x1aa: {  	[tilespmem:s4], [sflag:$0x3] =	stream.linear.gather [hbm4b:s3+s4], $0x80, $0x38;
	[tilespmem:$0x1ED00] =	vst v63  }
0x1ab: {  	_ =	swait.ge [sflag:s25], $0x80  }
0x1ac: {  	[sflag:s25] =	ssyncset.done $0x0  }
0x1ad: {  	s15 =	rddreg [dreg:$0x6];
	[sflag:s25] =	ssyncadd.s32 $0xFFFFFF80  }
0x1ae: {  	[tilespmem:s26], [sflag:$0x3] =	stream.linear.gather [hbm4b:s15+s4], $0x80, $0x38;
	[tilespmem:$0x1ED00] =	vst v63  }
0x1af: {  	_ =	swait.ge [sflag:s25], $0x80  }
0x1b0: {  	[sflag:s25] =	ssyncset.done $0x0  }
0x1b1: {  	[sflag:s25] =	ssyncadd.s32 $0xFFFFFF80  }
0x1b2: {  	v7 =	vld [tilespmem:$0x0]  }
0x1b3: {  	v8 =	vld [tilespmem:$0x10]  }
0x1b4: {  	v9 =	vld [tilespmem:$0x20]  }
0x1b5: {  	v10 =	vld [tilespmem:$0x30]  }
0x1b6: {  	v11 =	vld [tilespmem:$0x40]  }
0x1b7: {  	v12 =	vld [tilespmem:$0x50]  }
0x1b8: {  	v13 =	vld [tilespmem:$0x60];
	v7 =	vshll.u32 v7, $0x1  }
0x1b9: {  	v14 =	vld [tilespmem:$0x70];
	v8 =	vshll.u32 v8, $0x1;
	v7 =	vor.u32 v1, v7  }
0x1ba: {  	[tilespmem:$0x0] =	vst v7;
	v7 =	vor.u32 v1, v8;
	v8 =	vshll.u32 v9, $0x1;
	v9 =	vld @!p2 [tilespmem:$0x100]  }
0x1bb: {  	[tilespmem:$0x10] =	vst v7;
	v7 =	vor.u32 v1, v8;
	v8 =	vshll.u32 v10, $0x1  }
0x1bc: {  	[tilespmem:$0x20] =	vst v7;
	v7 =	vor.u32 v1, v8;
	v8 =	vshll.u32 v11, $0x1  }
0x1bd: {  	[tilespmem:$0x30] =	vst v7;
	v7 =	vor.u32 v1, v8;
	v8 =	vshll.u32 v12, $0x1  }
0x1be: {  	[tilespmem:$0x40] =	vst v7;
	v7 =	vor.u32 v1, v8;
	v8 =	vshll.u32 v13, $0x1  }
0x1bf: {  	[tilespmem:$0x50] =	vst v7;
	v7 =	vor.u32 v1, v8;
	v8 =	vshll.u32 v14, $0x1  }
0x1c0: {  	[tilespmem:$0x60] =	vst v7;
	v7 =	vor.u32 v1, v8  }
0x1c1: {  	s3 =	simm.s32 @!p2 $0x8200;
	[tilespmem:$0x70] =	vst v7;
	v7 =	vimm.f32 @!p2 $1.000000000e+00  }
0x1c2: {  	[tilespmem:v9+s3+$0x0] =	vst.idx.add.f32.msk @!p2 $0xffff, v7  }
0x1c3: {  	v8 =	vld @!p2 [tilespmem:$0x110];
	_ =	sdelay $0x7  }
0x1c4: {  	[tilespmem:v8+s3+$0x0] =	vst.idx.add.f32.msk @!p2 $0xffff, v7  }
0x1c5: {  	v8 =	vld @!p2 [tilespmem:$0x120];
	_ =	sdelay $0x7  }
0x1c6: {  	[tilespmem:v8+s3+$0x0] =	vst.idx.add.f32.msk @!p2 $0xffff, v7  }
0x1c7: {  	v8 =	vld @!p2 [tilespmem:$0x130];
	_ =	sdelay $0x7  }
0x1c8: {  	[tilespmem:v8+s3+$0x0] =	vst.idx.add.f32.msk @!p2 $0xffff, v7  }
0x1c9: {  	v8 =	vld @!p2 [tilespmem:$0x140];
	_ =	sdelay $0x7  }
0x1ca: {  	[tilespmem:v8+s3+$0x0] =	vst.idx.add.f32.msk @!p2 $0xffff, v7  }
0x1cb: {  	v8 =	vld @!p2 [tilespmem:$0x150];
	_ =	sdelay $0x7  }
0x1cc: {  	[tilespmem:v8+s3+$0x0] =	vst.idx.add.f32.msk @!p2 $0xffff, v7  }
0x1cd: {  	v8 =	vld @!p2 [tilespmem:$0x160];
	_ =	sdelay $0x7  }
0x1ce: {  	[tilespmem:v8+s3+$0x0] =	vst.idx.add.f32.msk @!p2 $0xffff, v7  }
0x1cf: {  	v8 =	vld @!p2 [tilespmem:$0x170];
	_ =	sdelay $0x7  }
0x1d0: {  	[tilespmem:v8+s3+$0x0] =	vst.idx.add.f32.msk @!p2 $0xffff, v7  }
0x1d1: {  	[tilespmem:s23], [sflag:$0x1] =	stream.indirect.gather [hbm4b:s1+s28], $0x80, s4, s28, $0xb8;
	[tilespmem:$0x1ED00] =	vst v63  }
0x1d2: {  	_ =	swait.ge [sflag:s24], $0x4000  }
0x1d3: {  	[sflag:s24] =	ssyncset.done $0x0  }
.Ltmp6:
0x1d4: {  	[sflag:s24] =	ssyncadd.s32 $0xFFFFC000;
	(pc) =	sbr.rel .LBB2_9-.Ltmp6, $4  }
0x1d5: {  	[spmem:s2] =	stream.indirect.scatter.add.f32 [tilespmem:s23], [sflag:$0x3], $0x80, s26, s28, $0xb8;
	[tilespmem:$0x1ED00] =	vst v63  }
0x1d6: {  	_ =	swait.ge [sflag:s25], $0x4000  }
0x1d7: {  	[sflag:s25] =	ssyncset.done $0x0  }
0x1d8: {  	[sflag:s25] =	ssyncadd.s32 $0xFFFFC000  }
.LBB2_10:
0x1d9: {  	_ =	sfence.sel $0x180000  }
0x1da: {  	[bflag:$0x0] =	sbarrier.arrive $0xFFFF  }
0x1db: {  	_ =	strace $0x90000047  }
0x1dc: {  	[bflag:$0x2] =	sbarrier.arrive $0xFFFF  }
0x1dd: {  	p0 =	sne.s32 s5, $0x0;
	s0 =	rddreg [dreg:$0x4]  }
0x1de: {  	s0 =	sadd.s32 @!p0 $0x100000, s0  }
0x1df: {  	[sflag:s0] =	ssyncadd.tile.s32 @!p0 $0x1;
	_ =	shalt  }
.Lfunc_end2:
_tile_overlayer_lowered:
.L_overlay_start_2:
0x1e0: {  	(tag) =	ssettag $0x2  }
0x1e1: {  	s0 =	rddreg [dreg:$0x0];
	s2 =	stileid.u32  }
0x1e2: {  	s1 =	rddreg [dreg:$0x1];
	p0 =	sne.s32 s2, $0x0  }
0x1e3: {  	s3 =	rddreg [dreg:$0x2];
	[bflag:$0x3] =	sbarrier.arrive $0xFFFF;
	s2 =	simm.s32 @!p0 $0x1C03  }
0x1e4: {  	[timem:s3], [sflag:s2] =	dma.local @!p0 [hbm:s0], s1  }
0x1e5: {  	s0 =	simm.s32 @!p0 $0x3  }
0x1e6: {  	_ =	swait.ge @!p0 [sflag:s0], s1  }
0x1e7: {  	s1 =	ssub.s32 @!p0 $0x0, s1;
	[sflag:s0] =	ssyncset.done @!p0 $0x0  }
0x1e8: {  	[sflag:s0] =	ssyncadd.s32 @!p0 s1  }
0x1e9: {  	[bflag:$0x3] =	sbarrier.arrive $0xFFFF  }
0x1ea: {  	_ =	shalt  }

</sc_bundles>
